<compile_context>
chip_gen: v7x
topology: tpu7x:2x2x1
jax: 0.10.2.dev20260603
libtpu: 0.0.44.dev20260713+nightly
codegen_flags: <defaults>
</compile_context>

<pallas_src>
import functools

import jax
import jax.numpy as jnp
from jax import lax
from jax.experimental import pallas as pl
from jax.experimental.pallas import tpu as pltpu
from jax.experimental.pallas import tpu_sc as plsc

N = 10000
E = 320000
D = 128
NC = 2
NS = 16
NW = NC * NS
EPW = E // NW
K = 80
NCHUNK = 125
TROWS = 640
ACC_ROWS = NS * TROWS
DUMMY = N
ZROWS = 40
BM = 2000
GRID = N // BM

_mesh = lambda: plsc.VectorSubcoreMesh(core_axis_name="c", subcore_axis_name="s")
_SC_PARAMS = pltpu.CompilerParams(use_tc_tiling_on_sc=False)


def _sc_prep(src3, dst3, ones_h, z16_h):
    @functools.partial(
        pl.kernel,
        out_type=(
            jax.ShapeDtypeStruct((NW, NCHUNK, K), jnp.int32),
            jax.ShapeDtypeStruct((NC * ACC_ROWS, 16), jnp.float32),
        ),
        mesh=_mesh(),
        scratch_types=(
            pltpu.VMEM((NCHUNK, K), jnp.int32),
            pltpu.VMEM((NCHUNK, K), jnp.int32),
            pltpu.VMEM((NCHUNK, K), jnp.int32),
            pltpu.VMEM((NCHUNK, K), jnp.int32),
            pltpu.VMEM((K, 16), jnp.float32),
            pltpu.VMEM((TROWS, 16), jnp.float32),
            pltpu.SemaphoreType.DMA,
            pltpu.SemaphoreType.DMA,
            pltpu.VMEM_SHARED((ACC_ROWS, 16), jnp.float32),
        ),
        compiler_params=_SC_PARAMS,
    )
    def body(src3_h, dst3_h, ones_hbm, z16_hbm, dstm3_o, degp_o,
             src_v, dst_v, srcm_v, dstm_v, ones_v, stage_v, sh, sw, deg_sh):
        cid = lax.axis_index("c")
        sid = lax.axis_index("s")
        wid = sid * NC + cid
        pltpu.sync_copy(src3_h.at[wid], src_v)
        pltpu.sync_copy(dst3_h.at[wid], dst_v)
        pltpu.sync_copy(ones_hbm, ones_v)
        pltpu.sync_copy(z16_hbm, stage_v)
        pltpu.async_copy(stage_v, deg_sh.at[pl.ds(sid * TROWS, TROWS)], sw)

        def mask_row(c, carry):
            for j in range(K // 16):
                sl = pl.ds(j * 16, 16)
                s = src_v[c, sl]
                d = dst_v[c, sl]
                eq = s == d
                srcm_v[c, sl] = jnp.where(eq, DUMMY, s)
                dstm_v[c, sl] = jnp.where(eq, DUMMY, d)
            return carry

        lax.fori_loop(0, NCHUNK, mask_row, 0)
        pltpu.make_async_copy(
            stage_v, deg_sh.at[pl.ds(sid * TROWS, TROWS)], sw).wait()
        pltpu.async_copy(dstm_v, dstm3_o.at[wid], sw)
        plsc.subcore_barrier()

        def hist_fire(c, carry):
            pltpu.async_copy(ones_v, deg_sh.at[srcm_v.at[c]], sh, add=True)
            return carry

        lax.fori_loop(0, NCHUNK, hist_fire, 0)

        def hist_drain(c, carry):
            pltpu.make_async_copy(
                ones_v, deg_sh.at[srcm_v.at[c]], sh).wait()
            return carry

        lax.fori_loop(0, NCHUNK, hist_drain, 0)
        plsc.subcore_barrier()
        pltpu.sync_copy(deg_sh.at[pl.ds(sid * TROWS, TROWS)], stage_v)
        pltpu.sync_copy(
            stage_v,
            degp_o.at[pl.ds(cid * ACC_ROWS + sid * TROWS, TROWS)])
        pltpu.make_async_copy(dstm_v, dstm3_o.at[wid], sw).wait()

    return body(src3, dst3, ones_h, z16_h)


def _sc_agg(g, src3, dstm3, z128_h):
    @functools.partial(
        pl.kernel,
        out_type=jax.ShapeDtypeStruct((NC * ACC_ROWS, D), jnp.float32),
        mesh=_mesh(),
        scratch_types=(
            pltpu.VMEM((NCHUNK, K), jnp.int32),
            pltpu.VMEM((NCHUNK, K), jnp.int32),
            pltpu.VMEM((K, D), jnp.float32),
            pltpu.VMEM((K, D), jnp.float32),
            pltpu.VMEM((ZROWS, D), jnp.float32),
            pltpu.SemaphoreType.DMA,
            pltpu.SemaphoreType.DMA,
            pltpu.SemaphoreType.DMA,
            pltpu.VMEM_SHARED((ACC_ROWS, D), jnp.float32),
        ),
        compiler_params=_SC_PARAMS,
    )
    def body(g_h, src3_h, dstm3_h, z128_hbm, accp_o,
             src_v, dstm_v, rows_a, rows_b, stage_v, sra, srb, srz, acc_sh):
        cid = lax.axis_index("c")
        sid = lax.axis_index("s")
        wid = sid * NC + cid
        pltpu.sync_copy(src3_h.at[wid], src_v)
        pltpu.async_copy(g_h.at[src_v.at[0]], rows_a, sra)
        pltpu.async_copy(g_h.at[src_v.at[1]], rows_b, srb)
        pltpu.sync_copy(dstm3_h.at[wid], dstm_v)
        pltpu.sync_copy(z128_hbm, stage_v)
        for p in range(TROWS // ZROWS):
            pltpu.async_copy(
                stage_v, acc_sh.at[pl.ds(sid * TROWS + p * ZROWS, ZROWS)],
                srz)
        for p in range(TROWS // ZROWS):
            pltpu.make_async_copy(
                stage_v, acc_sh.at[pl.ds(sid * TROWS + p * ZROWS, ZROWS)],
                srz).wait()
        plsc.subcore_barrier()

        def pair(i, carry):
            c0 = 2 * i
            c1 = c0 + 1
            pltpu.make_async_copy(g_h.at[src_v.at[c0]], rows_a, sra).wait()
            pltpu.sync_copy(rows_a, acc_sh.at[dstm_v.at[c0]], add=True)
            pltpu.async_copy(g_h.at[src_v.at[c0 + 2]], rows_a, sra)
            pltpu.make_async_copy(g_h.at[src_v.at[c1]], rows_b, srb).wait()
            pltpu.sync_copy(rows_b, acc_sh.at[dstm_v.at[c1]], add=True)

            @pl.when(c1 + 2 < NCHUNK)
            def _():
                pltpu.async_copy(g_h.at[src_v.at[c1 + 2]], rows_b, srb)

            return carry

        lax.fori_loop(0, (NCHUNK - 1) // 2, pair, 0)
        pltpu.make_async_copy(
            g_h.at[src_v.at[NCHUNK - 1]], rows_a, sra).wait()
        pltpu.sync_copy(rows_a, acc_sh.at[dstm_v.at[NCHUNK - 1]], add=True)
        plsc.subcore_barrier()
        nwb = TROWS // K
        for p in range(nwb):
            buf, sem = (rows_a, sra) if p % 2 == 0 else (rows_b, srb)
            if p >= 2:
                pltpu.make_async_copy(
                    buf,
                    accp_o.at[pl.ds(
                        cid * ACC_ROWS + sid * TROWS + (p - 2) * K, K)],
                    sem).wait()
            pltpu.sync_copy(acc_sh.at[pl.ds(sid * TROWS + p * K, K)], buf)
            pltpu.async_copy(
                buf,
                accp_o.at[pl.ds(cid * ACC_ROWS + sid * TROWS + p * K, K)],
                sem)
        for p in range(nwb - 2, nwb):
            buf, sem = (rows_a, sra) if p % 2 == 0 else (rows_b, srb)
            pltpu.make_async_copy(
                buf,
                accp_o.at[pl.ds(cid * ACC_ROWS + sid * TROWS + p * K, K)],
                sem).wait()

    return body(g, src3, dstm3, z128_h)


def _dis_of(degp_ref):
    deg = (jnp.mean(degp_ref[0], axis=1) + jnp.mean(degp_ref[1], axis=1)
           + jnp.float32(1.0))
    return lax.rsqrt(deg)


def _tc_g1_body(degp_ref, x_ref, w_ref, out_ref):
    dis = _dis_of(degp_ref)
    h = jnp.dot(x_ref[...], w_ref[...], preferred_element_type=jnp.float32)
    out_ref[...] = dis[:, None] * h


def _tc_mid_body(degp_ref, acc_ref, g1_ref, w_ref, b_ref, out_ref):
    dis = _dis_of(degp_ref)
    s = acc_ref[0] + acc_ref[1] + g1_ref[...]
    t = jnp.maximum(dis[:, None] * s + b_ref[...], jnp.float32(0.0))
    out_ref[...] = dis[:, None] * jnp.dot(
        t, w_ref[...], preferred_element_type=jnp.float32)


def _tc_fin_body(degp_ref, acc_ref, g2_ref, b_ref, out_ref):
    dis = _dis_of(degp_ref)
    s = acc_ref[0] + acc_ref[1] + g2_ref[...]
    out_ref[...] = dis[:, None] * s + b_ref[...]


_DEG_SPEC = pl.BlockSpec((NC, BM, 16), lambda i: (0, i, 0))
_ROW_SPEC = pl.BlockSpec((BM, D), lambda i: (i, 0))
_ACC_SPEC = pl.BlockSpec((NC, BM, D), lambda i: (0, i, 0))
_W_SPEC = pl.BlockSpec((D, D), lambda i: (0, 0))
_B_SPEC = pl.BlockSpec((1, D), lambda i: (0, 0))
_OUT = jax.ShapeDtypeStruct((N, D), jnp.float32)

_tc_g1 = pl.pallas_call(
    _tc_g1_body, grid=(GRID,),
    in_specs=[_DEG_SPEC, _ROW_SPEC, _W_SPEC],
    out_specs=_ROW_SPEC, out_shape=_OUT)

_tc_mid = pl.pallas_call(
    _tc_mid_body, grid=(GRID,),
    in_specs=[_DEG_SPEC, _ACC_SPEC, _ROW_SPEC, _W_SPEC, _B_SPEC],
    out_specs=_ROW_SPEC, out_shape=_OUT)

_tc_fin = pl.pallas_call(
    _tc_fin_body, grid=(GRID,),
    in_specs=[_DEG_SPEC, _ACC_SPEC, _ROW_SPEC, _B_SPEC],
    out_specs=_ROW_SPEC, out_shape=_OUT)


def kernel(x, edge_index, W1, b1, W2, b2):
    src3 = edge_index[0].astype(jnp.int32).reshape(NW, NCHUNK, K)
    dst3 = edge_index[1].astype(jnp.int32).reshape(NW, NCHUNK, K)
    ones16 = jnp.ones((K, 16), jnp.float32)
    z16 = jnp.zeros((TROWS, 16), jnp.float32)
    z128 = jnp.zeros((ZROWS, D), jnp.float32)

    dstm3, degp = _sc_prep(src3, dst3, ones16, z16)
    degp3 = degp.reshape(NC, ACC_ROWS, 16)

    g1 = _tc_g1(degp3, x, W1)
    acc1 = _sc_agg(g1, src3, dstm3, z128).reshape(NC, ACC_ROWS, D)
    g2 = _tc_mid(degp3, acc1, g1, W2, b1.reshape(1, D))
    acc2 = _sc_agg(g2, src3, dstm3, z128).reshape(NC, ACC_ROWS, D)
    return _tc_fin(degp3, acc2, g2, b2.reshape(1, D))

# --- scband reference (transcript-rebuilt; emitter-appended) ---
"""Pipeline reference for scband-graph-sage-15547781611787 (READ-ONLY COPY).

The authoritative reference and input builder live on the scoring server;
editing this copy changes nothing except your own understanding.
"""

import jax, jax.numpy as jnp
import numpy as np

N_NODES = 10000
N_EDGES = 320000
D_IN = 128
D_HID = 128
D_OUT = 128


def setup_inputs(seed: int = 0) -> dict:
    key = jax.random.key(seed)
    k1, k2, k3, k4, k5, k6 = jax.random.split(key, 6)
    x = jax.random.normal(k1, (N_NODES, D_IN), dtype=jnp.float32)
    edge_index = jax.random.randint(k2, (2, N_EDGES), 0, N_NODES, dtype=jnp.int64)
    # glorot init for conv weights, zeros for biases (matching GCNConv.reset_parameters)
    s1 = float(np.sqrt(6.0 / (D_IN + D_HID)))
    W1 = jax.random.uniform(k3, (D_IN, D_HID), dtype=jnp.float32, minval=-s1, maxval=s1)
    b1 = jnp.zeros((D_HID,), dtype=jnp.float32)
    s2 = float(np.sqrt(6.0 / (D_HID + D_OUT)))
    W2 = jax.random.uniform(k4, (D_HID, D_OUT), dtype=jnp.float32, minval=-s2, maxval=s2)
    b2 = jnp.zeros((D_OUT,), dtype=jnp.float32)
    return {"x": x, "edge_index": edge_index, "W1": W1, "b1": b1, "W2": W2, "b2": b2}


def gcn_norm(edge_index, num_nodes):
    # Faithful to GCNConv.norm: remove self loops, add self loops, symmetric normalization
    loops = jnp.arange(num_nodes, dtype=edge_index.dtype)
    ei = jnp.concatenate([edge_index, jnp.stack([loops, loops])], axis=1)
    w = jnp.concatenate([
        jnp.where(edge_index[0] != edge_index[1], jnp.float32(1.0), jnp.float32(0.0)),
        jnp.ones((num_nodes,), dtype=jnp.float32),
    ])
    row, col = ei[0], ei[1]
    deg = jax.ops.segment_sum(w, row, num_segments=num_nodes)
    dis = deg ** -0.5
    dis = jnp.where(jnp.isinf(dis), jnp.float32(0.0), dis)
    norm = dis[row] * w * dis[col]
    return ei, norm


def gcn_conv(x, W, b, ei, norm, num_nodes):
    x = x @ W
    msg = norm[:, None] * jnp.take(x, ei[0], axis=0)
    out = jax.ops.segment_sum(msg, ei[1], num_segments=num_nodes)
    return out + b


def reference(x, edge_index, W1, b1, W2, b2):
    # GraphSAGE.forward_graphcl path with gnn_type='gcn', batch=None (no pooling),
    # eval mode (dropout is identity), activation=relu between layers.
    num_nodes = x.shape[0]
    ei, norm = gcn_norm(edge_index, num_nodes)
    h = gcn_conv(x, W1, b1, ei, norm, num_nodes)
    h = jax.nn.relu(h)
    h = gcn_conv(h, W2, b2, ei, norm, num_nodes)
    return h

if __name__ == "__main__":
    import jax
    _d = setup_inputs()
    print(jax.jit(kernel)(*tuple(_d.values())))

</pallas_src>

<mosaic_0001>
#map = affine_map<(d0, d1) -> (0, 0, 0)>
#map1 = affine_map<(d0, d1) -> (0, 0)>
module attributes {stable_mosaic.version = 14 : i64} {
  func.func @body(%arg0: i32, %arg1: i32, %arg2: memref<32x125x80xi32, #tpu.memory_space<hbm>>, %arg3: memref<32x125x80xi32, #tpu.memory_space<hbm>>, %arg4: memref<80x16xf32, #tpu.memory_space<hbm>>, %arg5: memref<640x16xf32, #tpu.memory_space<hbm>>, %arg6: memref<32x125x80xi32, #tpu.memory_space<hbm>>, %arg7: memref<20480x16xf32, #tpu.memory_space<hbm>>, %arg8: memref<125x80xi32, #tpu.memory_space<vmem>>, %arg9: memref<125x80xi32, #tpu.memory_space<vmem>>, %arg10: memref<125x80xi32, #tpu.memory_space<vmem>>, %arg11: memref<125x80xi32, #tpu.memory_space<vmem>>, %arg12: memref<80x16xf32, #tpu.memory_space<vmem>>, %arg13: memref<640x16xf32, #tpu.memory_space<vmem>>, %arg14: memref<!tpu.dma_semaphore, #tpu.memory_space<semaphore_mem>>, %arg15: memref<!tpu.dma_semaphore, #tpu.memory_space<semaphore_mem>>, %arg16: memref<10240x16xf32, #tpu.memory_space<vmem_shared>>) attributes {dimension_semantics = [#tpu.dimension_semantics<core_parallel>, #tpu.dimension_semantics<subcore_parallel>], iteration_bounds = array<i64: 2, 16>, scalar_prefetch = 0 : i64, scratch_operands = 9 : i64, tpu.core_type = #tpu.core_type<sc_vector_subcore>, window_params = [{transform_indices = #map}, {transform_indices = #map}, {transform_indices = #map1}, {transform_indices = #map1}, {transform_indices = #map}, {transform_indices = #map1}]} {
    %mul3A = arith.constant 2 : i32
    %mul3A_0 = arith.muli %arg1, %mul3A : i32
    %add3A = arith.addi %mul3A_0, %arg0 : i32
    "tpu.region"() ({
      %run_scoped3A = tpu.sem_alloc : memref<!tpu.dma_semaphore, #tpu.memory_space<semaphore_mem>>
      %dma_start3A_52 = arith.constant 0 : i32
      %dma_start3A_53 = arith.constant 0 : i32
      %dma_start3A_54 = tpu.memref_slice %arg2[%add3A, %dma_start3A_52, %dma_start3A_53] : memref<32x125x80xi32, #tpu.memory_space<hbm>> -> memref<1x125x80xi32, #tpu.memory_space<hbm>>
      %dma_start3A_55 = tpu.memref_squeeze %dma_start3A_54 : memref<1x125x80xi32, #tpu.memory_space<hbm>> -> memref<125x80xi32, #tpu.memory_space<hbm>>
      %dma_start3A_56 = arith.constant 0 : i32
      %dma_start3A_57 = arith.constant 0 : i32
      %dma_start3A_58 = tpu.memref_slice %arg2[%add3A, %dma_start3A_56, %dma_start3A_57] : memref<32x125x80xi32, #tpu.memory_space<hbm>> -> memref<1x125x80xi32, #tpu.memory_space<hbm>>
      %dma_start3A_59 = tpu.memref_squeeze %dma_start3A_58 : memref<1x125x80xi32, #tpu.memory_space<hbm>> -> memref<125x80xi32, #tpu.memory_space<hbm>>
      tpu.enqueue_dma source(%dma_start3A_59 : memref<125x80xi32, #tpu.memory_space<hbm>>) target(%arg8 : memref<125x80xi32, #tpu.memory_space<vmem>>) target_semaphore(%run_scoped3A : memref<!tpu.dma_semaphore, #tpu.memory_space<semaphore_mem>>)
      %dma_wait3A_60 = arith.constant 0 : i32
      %dma_wait3A_61 = arith.constant 0 : i32
      %dma_wait3A_62 = tpu.memref_slice %arg2[%add3A, %dma_wait3A_60, %dma_wait3A_61] : memref<32x125x80xi32, #tpu.memory_space<hbm>> -> memref<1x125x80xi32, #tpu.memory_space<hbm>>
      %dma_wait3A_63 = tpu.memref_squeeze %dma_wait3A_62 : memref<1x125x80xi32, #tpu.memory_space<hbm>> -> memref<125x80xi32, #tpu.memory_space<hbm>>
      %dma_wait3A_64 = arith.constant 0 : i32
      %dma_wait3A_65 = arith.constant 0 : i32
      %dma_wait3A_66 = tpu.memref_slice %arg2[%add3A, %dma_wait3A_64, %dma_wait3A_65] : memref<32x125x80xi32, #tpu.memory_space<hbm>> -> memref<1x125x80xi32, #tpu.memory_space<hbm>>
      %dma_wait3A_67 = tpu.memref_squeeze %dma_wait3A_66 : memref<1x125x80xi32, #tpu.memory_space<hbm>> -> memref<125x80xi32, #tpu.memory_space<hbm>>
      tpu.wait_dma2 semaphore(%run_scoped3A : memref<!tpu.dma_semaphore, #tpu.memory_space<semaphore_mem>>) src(%dma_wait3A_67 : memref<125x80xi32, #tpu.memory_space<hbm>>) dst(%arg8 : memref<125x80xi32, #tpu.memory_space<vmem>>)
      tpu.yield
    }) : () -> ()
    "tpu.region"() ({
      %run_scoped3A = tpu.sem_alloc : memref<!tpu.dma_semaphore, #tpu.memory_space<semaphore_mem>>
      %dma_start3A_52 = arith.constant 0 : i32
      %dma_start3A_53 = arith.constant 0 : i32
      %dma_start3A_54 = tpu.memref_slice %arg3[%add3A, %dma_start3A_52, %dma_start3A_53] : memref<32x125x80xi32, #tpu.memory_space<hbm>> -> memref<1x125x80xi32, #tpu.memory_space<hbm>>
      %dma_start3A_55 = tpu.memref_squeeze %dma_start3A_54 : memref<1x125x80xi32, #tpu.memory_space<hbm>> -> memref<125x80xi32, #tpu.memory_space<hbm>>
      %dma_start3A_56 = arith.constant 0 : i32
      %dma_start3A_57 = arith.constant 0 : i32
      %dma_start3A_58 = tpu.memref_slice %arg3[%add3A, %dma_start3A_56, %dma_start3A_57] : memref<32x125x80xi32, #tpu.memory_space<hbm>> -> memref<1x125x80xi32, #tpu.memory_space<hbm>>
      %dma_start3A_59 = tpu.memref_squeeze %dma_start3A_58 : memref<1x125x80xi32, #tpu.memory_space<hbm>> -> memref<125x80xi32, #tpu.memory_space<hbm>>
      tpu.enqueue_dma source(%dma_start3A_59 : memref<125x80xi32, #tpu.memory_space<hbm>>) target(%arg9 : memref<125x80xi32, #tpu.memory_space<vmem>>) target_semaphore(%run_scoped3A : memref<!tpu.dma_semaphore, #tpu.memory_space<semaphore_mem>>)
      %dma_wait3A_60 = arith.constant 0 : i32
      %dma_wait3A_61 = arith.constant 0 : i32
      %dma_wait3A_62 = tpu.memref_slice %arg3[%add3A, %dma_wait3A_60, %dma_wait3A_61] : memref<32x125x80xi32, #tpu.memory_space<hbm>> -> memref<1x125x80xi32, #tpu.memory_space<hbm>>
      %dma_wait3A_63 = tpu.memref_squeeze %dma_wait3A_62 : memref<1x125x80xi32, #tpu.memory_space<hbm>> -> memref<125x80xi32, #tpu.memory_space<hbm>>
      %dma_wait3A_64 = arith.constant 0 : i32
      %dma_wait3A_65 = arith.constant 0 : i32
      %dma_wait3A_66 = tpu.memref_slice %arg3[%add3A, %dma_wait3A_64, %dma_wait3A_65] : memref<32x125x80xi32, #tpu.memory_space<hbm>> -> memref<1x125x80xi32, #tpu.memory_space<hbm>>
      %dma_wait3A_67 = tpu.memref_squeeze %dma_wait3A_66 : memref<1x125x80xi32, #tpu.memory_space<hbm>> -> memref<125x80xi32, #tpu.memory_space<hbm>>
      tpu.wait_dma2 semaphore(%run_scoped3A : memref<!tpu.dma_semaphore, #tpu.memory_space<semaphore_mem>>) src(%dma_wait3A_67 : memref<125x80xi32, #tpu.memory_space<hbm>>) dst(%arg9 : memref<125x80xi32, #tpu.memory_space<vmem>>)
      tpu.yield
    }) : () -> ()
    "tpu.region"() ({
      %run_scoped3A = tpu.sem_alloc : memref<!tpu.dma_semaphore, #tpu.memory_space<semaphore_mem>>
      tpu.enqueue_dma source(%arg4 : memref<80x16xf32, #tpu.memory_space<hbm>>) target(%arg12 : memref<80x16xf32, #tpu.memory_space<vmem>>) target_semaphore(%run_scoped3A : memref<!tpu.dma_semaphore, #tpu.memory_space<semaphore_mem>>)
      tpu.wait_dma2 semaphore(%run_scoped3A : memref<!tpu.dma_semaphore, #tpu.memory_space<semaphore_mem>>) src(%arg4 : memref<80x16xf32, #tpu.memory_space<hbm>>) dst(%arg12 : memref<80x16xf32, #tpu.memory_space<vmem>>)
      tpu.yield
    }) : () -> ()
    "tpu.region"() ({
      %run_scoped3A = tpu.sem_alloc : memref<!tpu.dma_semaphore, #tpu.memory_space<semaphore_mem>>
      tpu.enqueue_dma source(%arg5 : memref<640x16xf32, #tpu.memory_space<hbm>>) target(%arg13 : memref<640x16xf32, #tpu.memory_space<vmem>>) target_semaphore(%run_scoped3A : memref<!tpu.dma_semaphore, #tpu.memory_space<semaphore_mem>>)
      tpu.wait_dma2 semaphore(%run_scoped3A : memref<!tpu.dma_semaphore, #tpu.memory_space<semaphore_mem>>) src(%arg5 : memref<640x16xf32, #tpu.memory_space<hbm>>) dst(%arg13 : memref<640x16xf32, #tpu.memory_space<vmem>>)
      tpu.yield
    }) : () -> ()
    %mul3A_1 = arith.constant 640 : i32
    %mul3A_2 = arith.muli %arg1, %mul3A_1 : i32
    %dma_start3A = arith.constant 0 : i32
    %dma_start3A_3 = tpu.memref_slice %arg16[%mul3A_2, %dma_start3A] : memref<10240x16xf32, #tpu.memory_space<vmem_shared>> -> memref<640x16xf32, #tpu.memory_space<vmem_shared>>
    %dma_start3A_4 = arith.constant 0 : i32
    %dma_start3A_5 = tpu.memref_slice %arg16[%mul3A_2, %dma_start3A_4] : memref<10240x16xf32, #tpu.memory_space<vmem_shared>> -> memref<640x16xf32, #tpu.memory_space<vmem_shared>>
    tpu.enqueue_dma source(%arg13 : memref<640x16xf32, #tpu.memory_space<vmem>>) target(%dma_start3A_5 : memref<640x16xf32, #tpu.memory_space<vmem_shared>>) target_semaphore(%arg15 : memref<!tpu.dma_semaphore, #tpu.memory_space<semaphore_mem>>)
    %scan3A = arith.constant 0 : i32
    %scan3A_6 = arith.constant 0 : i32
    %scan3A_7 = arith.constant 125 : i32
    %scan3A_8 = arith.addi %scan3A_6, %scan3A_7 : i32
    %scan3A_9 = arith.constant 1 : i32
    scf.for %scan3A_52 = %scan3A_6 to %scan3A_8 step %scan3A_9  : i32 {
      %get3A = arith.index_cast %scan3A_52 : i32 to index
      %get3A_53 = arith.constant 0 : index
      %get3A_54 = tpu.vector_load %arg8[%get3A, %get3A_53] {strides = array<i32>} : memref<125x80xi32, #tpu.memory_space<vmem>>, vector<1x16xi32>,
      %get3A_55 = vector.shape_cast %get3A_54 : vector<1x16xi32> to vector<16xi32>
      %get3A_56 = arith.index_cast %scan3A_52 : i32 to index
      %get3A_57 = arith.constant 0 : index
      %get3A_58 = tpu.vector_load %arg9[%get3A_56, %get3A_57] {strides = array<i32>} : memref<125x80xi32, #tpu.memory_space<vmem>>, vector<1x16xi32>,
      %get3A_59 = vector.shape_cast %get3A_58 : vector<1x16xi32> to vector<16xi32>
      %eq3A = arith.cmpi eq, %get3A_55, %get3A_59 : vector<16xi32>
      %jit3A = arith.constant 10000 : i32
      %broadcast_in_dim3A = vector.broadcast %jit3A : i32 to vector<16xi32>
      %select_n3A = arith.select %eq3A, %broadcast_in_dim3A, %get3A_55 : vector<16xi1>, vector<16xi32>
      %swap3A = arith.index_cast %scan3A_52 : i32 to index
      %swap3A_60 = arith.constant 0 : index
      %swap3A_61 = tpu.vector_load %arg10[%swap3A, %swap3A_60] {strides = array<i32>} : memref<125x80xi32, #tpu.memory_space<vmem>>, vector<1x16xi32>,
      %swap3A_62 = vector.shape_cast %swap3A_61 : vector<1x16xi32> to vector<16xi32>
      %swap3A_63 = vector.shape_cast %select_n3A : vector<16xi32> to vector<1x16xi32>
      tpu.vector_store %arg10[%swap3A, %swap3A_60], %swap3A_63 {strides = array<i32>} : memref<125x80xi32, #tpu.memory_space<vmem>>, vector<1x16xi32>,
      %jit3A_64 = arith.constant 10000 : i32
      %broadcast_in_dim3A_65 = vector.broadcast %jit3A_64 : i32 to vector<16xi32>
      %select_n3A_66 = arith.select %eq3A, %broadcast_in_dim3A_65, %get3A_59 : vector<16xi1>, vector<16xi32>
      %swap3A_67 = arith.index_cast %scan3A_52 : i32 to index
      %swap3A_68 = arith.constant 0 : index
      %swap3A_69 = tpu.vector_load %arg11[%swap3A_67, %swap3A_68] {strides = array<i32>} : memref<125x80xi32, #tpu.memory_space<vmem>>, vector<1x16xi32>,
      %swap3A_70 = vector.shape_cast %swap3A_69 : vector<1x16xi32> to vector<16xi32>
      %swap3A_71 = vector.shape_cast %select_n3A_66 : vector<16xi32> to vector<1x16xi32>
      tpu.vector_store %arg11[%swap3A_67, %swap3A_68], %swap3A_71 {strides = array<i32>} : memref<125x80xi32, #tpu.memory_space<vmem>>, vector<1x16xi32>,
      %get3A_72 = arith.index_cast %scan3A_52 : i32 to index
      %get3A_73 = arith.constant 16 : index
      %get3A_74 = tpu.vector_load %arg8[%get3A_72, %get3A_73] {strides = array<i32>} : memref<125x80xi32, #tpu.memory_space<vmem>>, vector<1x16xi32>,
      %get3A_75 = vector.shape_cast %get3A_74 : vector<1x16xi32> to vector<16xi32>
      %get3A_76 = arith.index_cast %scan3A_52 : i32 to index
      %get3A_77 = arith.constant 16 : index
      %get3A_78 = tpu.vector_load %arg9[%get3A_76, %get3A_77] {strides = array<i32>} : memref<125x80xi32, #tpu.memory_space<vmem>>, vector<1x16xi32>,
      %get3A_79 = vector.shape_cast %get3A_78 : vector<1x16xi32> to vector<16xi32>
      %eq3A_80 = arith.cmpi eq, %get3A_75, %get3A_79 : vector<16xi32>
      %jit3A_81 = arith.constant 10000 : i32
      %broadcast_in_dim3A_82 = vector.broadcast %jit3A_81 : i32 to vector<16xi32>
      %select_n3A_83 = arith.select %eq3A_80, %broadcast_in_dim3A_82, %get3A_75 : vector<16xi1>, vector<16xi32>
      %swap3A_84 = arith.index_cast %scan3A_52 : i32 to index
      %swap3A_85 = arith.constant 16 : index
      %swap3A_86 = tpu.vector_load %arg10[%swap3A_84, %swap3A_85] {strides = array<i32>} : memref<125x80xi32, #tpu.memory_space<vmem>>, vector<1x16xi32>,
      %swap3A_87 = vector.shape_cast %swap3A_86 : vector<1x16xi32> to vector<16xi32>
      %swap3A_88 = vector.shape_cast %select_n3A_83 : vector<16xi32> to vector<1x16xi32>
      tpu.vector_store %arg10[%swap3A_84, %swap3A_85], %swap3A_88 {strides = array<i32>} : memref<125x80xi32, #tpu.memory_space<vmem>>, vector<1x16xi32>,
      %jit3A_89 = arith.constant 10000 : i32
      %broadcast_in_dim3A_90 = vector.broadcast %jit3A_89 : i32 to vector<16xi32>
      %select_n3A_91 = arith.select %eq3A_80, %broadcast_in_dim3A_90, %get3A_79 : vector<16xi1>, vector<16xi32>
      %swap3A_92 = arith.index_cast %scan3A_52 : i32 to index
      %swap3A_93 = arith.constant 16 : index
      %swap3A_94 = tpu.vector_load %arg11[%swap3A_92, %swap3A_93] {strides = array<i32>} : memref<125x80xi32, #tpu.memory_space<vmem>>, vector<1x16xi32>,
      %swap3A_95 = vector.shape_cast %swap3A_94 : vector<1x16xi32> to vector<16xi32>
      %swap3A_96 = vector.shape_cast %select_n3A_91 : vector<16xi32> to vector<1x16xi32>
      tpu.vector_store %arg11[%swap3A_92, %swap3A_93], %swap3A_96 {strides = array<i32>} : memref<125x80xi32, #tpu.memory_space<vmem>>, vector<1x16xi32>,
      %get3A_97 = arith.index_cast %scan3A_52 : i32 to index
      %get3A_98 = arith.constant 32 : index
      %get3A_99 = tpu.vector_load %arg8[%get3A_97, %get3A_98] {strides = array<i32>} : memref<125x80xi32, #tpu.memory_space<vmem>>, vector<1x16xi32>,
      %get3A_100 = vector.shape_cast %get3A_99 : vector<1x16xi32> to vector<16xi32>
      %get3A_101 = arith.index_cast %scan3A_52 : i32 to index
      %get3A_102 = arith.constant 32 : index
      %get3A_103 = tpu.vector_load %arg9[%get3A_101, %get3A_102] {strides = array<i32>} : memref<125x80xi32, #tpu.memory_space<vmem>>, vector<1x16xi32>,
      %get3A_104 = vector.shape_cast %get3A_103 : vector<1x16xi32> to vector<16xi32>
      %eq3A_105 = arith.cmpi eq, %get3A_100, %get3A_104 : vector<16xi32>
      %jit3A_106 = arith.constant 10000 : i32
      %broadcast_in_dim3A_107 = vector.broadcast %jit3A_106 : i32 to vector<16xi32>
      %select_n3A_108 = arith.select %eq3A_105, %broadcast_in_dim3A_107, %get3A_100 : vector<16xi1>, vector<16xi32>
      %swap3A_109 = arith.index_cast %scan3A_52 : i32 to index
      %swap3A_110 = arith.constant 32 : index
      %swap3A_111 = tpu.vector_load %arg10[%swap3A_109, %swap3A_110] {strides = array<i32>} : memref<125x80xi32, #tpu.memory_space<vmem>>, vector<1x16xi32>,
      %swap3A_112 = vector.shape_cast %swap3A_111 : vector<1x16xi32> to vector<16xi32>
      %swap3A_113 = vector.shape_cast %select_n3A_108 : vector<16xi32> to vector<1x16xi32>
      tpu.vector_store %arg10[%swap3A_109, %swap3A_110], %swap3A_113 {strides = array<i32>} : memref<125x80xi32, #tpu.memory_space<vmem>>, vector<1x16xi32>,
      %jit3A_114 = arith.constant 10000 : i32
      %broadcast_in_dim3A_115 = vector.broadcast %jit3A_114 : i32 to vector<16xi32>
      %select_n3A_116 = arith.select %eq3A_105, %broadcast_in_dim3A_115, %get3A_104 : vector<16xi1>, vector<16xi32>
      %swap3A_117 = arith.index_cast %scan3A_52 : i32 to index
      %swap3A_118 = arith.constant 32 : index
      %swap3A_119 = tpu.vector_load %arg11[%swap3A_117, %swap3A_118] {strides = array<i32>} : memref<125x80xi32, #tpu.memory_space<vmem>>, vector<1x16xi32>,
      %swap3A_120 = vector.shape_cast %swap3A_119 : vector<1x16xi32> to vector<16xi32>
      %swap3A_121 = vector.shape_cast %select_n3A_116 : vector<16xi32> to vector<1x16xi32>
      tpu.vector_store %arg11[%swap3A_117, %swap3A_118], %swap3A_121 {strides = array<i32>} : memref<125x80xi32, #tpu.memory_space<vmem>>, vector<1x16xi32>,
      %get3A_122 = arith.index_cast %scan3A_52 : i32 to index
      %get3A_123 = arith.constant 48 : index
      %get3A_124 = tpu.vector_load %arg8[%get3A_122, %get3A_123] {strides = array<i32>} : memref<125x80xi32, #tpu.memory_space<vmem>>, vector<1x16xi32>,
      %get3A_125 = vector.shape_cast %get3A_124 : vector<1x16xi32> to vector<16xi32>
      %get3A_126 = arith.index_cast %scan3A_52 : i32 to index
      %get3A_127 = arith.constant 48 : index
      %get3A_128 = tpu.vector_load %arg9[%get3A_126, %get3A_127] {strides = array<i32>} : memref<125x80xi32, #tpu.memory_space<vmem>>, vector<1x16xi32>,
      %get3A_129 = vector.shape_cast %get3A_128 : vector<1x16xi32> to vector<16xi32>
      %eq3A_130 = arith.cmpi eq, %get3A_125, %get3A_129 : vector<16xi32>
      %jit3A_131 = arith.constant 10000 : i32
      %broadcast_in_dim3A_132 = vector.broadcast %jit3A_131 : i32 to vector<16xi32>
      %select_n3A_133 = arith.select %eq3A_130, %broadcast_in_dim3A_132, %get3A_125 : vector<16xi1>, vector<16xi32>
      %swap3A_134 = arith.index_cast %scan3A_52 : i32 to index
      %swap3A_135 = arith.constant 48 : index
      %swap3A_136 = tpu.vector_load %arg10[%swap3A_134, %swap3A_135] {strides = array<i32>} : memref<125x80xi32, #tpu.memory_space<vmem>>, vector<1x16xi32>,
      %swap3A_137 = vector.shape_cast %swap3A_136 : vector<1x16xi32> to vector<16xi32>
      %swap3A_138 = vector.shape_cast %select_n3A_133 : vector<16xi32> to vector<1x16xi32>
      tpu.vector_store %arg10[%swap3A_134, %swap3A_135], %swap3A_138 {strides = array<i32>} : memref<125x80xi32, #tpu.memory_space<vmem>>, vector<1x16xi32>,
      %jit3A_139 = arith.constant 10000 : i32
      %broadcast_in_dim3A_140 = vector.broadcast %jit3A_139 : i32 to vector<16xi32>
      %select_n3A_141 = arith.select %eq3A_130, %broadcast_in_dim3A_140, %get3A_129 : vector<16xi1>, vector<16xi32>
      %swap3A_142 = arith.index_cast %scan3A_52 : i32 to index
      %swap3A_143 = arith.constant 48 : index
      %swap3A_144 = tpu.vector_load %arg11[%swap3A_142, %swap3A_143] {strides = array<i32>} : memref<125x80xi32, #tpu.memory_space<vmem>>, vector<1x16xi32>,
      %swap3A_145 = vector.shape_cast %swap3A_144 : vector<1x16xi32> to vector<16xi32>
      %swap3A_146 = vector.shape_cast %select_n3A_141 : vector<16xi32> to vector<1x16xi32>
      tpu.vector_store %arg11[%swap3A_142, %swap3A_143], %swap3A_146 {strides = array<i32>} : memref<125x80xi32, #tpu.memory_space<vmem>>, vector<1x16xi32>,
      %get3A_147 = arith.index_cast %scan3A_52 : i32 to index
      %get3A_148 = arith.constant 64 : index
      %get3A_149 = tpu.vector_load %arg8[%get3A_147, %get3A_148] {strides = array<i32>} : memref<125x80xi32, #tpu.memory_space<vmem>>, vector<1x16xi32>,
      %get3A_150 = vector.shape_cast %get3A_149 : vector<1x16xi32> to vector<16xi32>
      %get3A_151 = arith.index_cast %scan3A_52 : i32 to index
      %get3A_152 = arith.constant 64 : index
      %get3A_153 = tpu.vector_load %arg9[%get3A_151, %get3A_152] {strides = array<i32>} : memref<125x80xi32, #tpu.memory_space<vmem>>, vector<1x16xi32>,
      %get3A_154 = vector.shape_cast %get3A_153 : vector<1x16xi32> to vector<16xi32>
      %eq3A_155 = arith.cmpi eq, %get3A_150, %get3A_154 : vector<16xi32>
      %jit3A_156 = arith.constant 10000 : i32
      %broadcast_in_dim3A_157 = vector.broadcast %jit3A_156 : i32 to vector<16xi32>
      %select_n3A_158 = arith.select %eq3A_155, %broadcast_in_dim3A_157, %get3A_150 : vector<16xi1>, vector<16xi32>
      %swap3A_159 = arith.index_cast %scan3A_52 : i32 to index
      %swap3A_160 = arith.constant 64 : index
      %swap3A_161 = tpu.vector_load %arg10[%swap3A_159, %swap3A_160] {strides = array<i32>} : memref<125x80xi32, #tpu.memory_space<vmem>>, vector<1x16xi32>,
      %swap3A_162 = vector.shape_cast %swap3A_161 : vector<1x16xi32> to vector<16xi32>
      %swap3A_163 = vector.shape_cast %select_n3A_158 : vector<16xi32> to vector<1x16xi32>
      tpu.vector_store %arg10[%swap3A_159, %swap3A_160], %swap3A_163 {strides = array<i32>} : memref<125x80xi32, #tpu.memory_space<vmem>>, vector<1x16xi32>,
      %jit3A_164 = arith.constant 10000 : i32
      %broadcast_in_dim3A_165 = vector.broadcast %jit3A_164 : i32 to vector<16xi32>
      %select_n3A_166 = arith.select %eq3A_155, %broadcast_in_dim3A_165, %get3A_154 : vector<16xi1>, vector<16xi32>
      %swap3A_167 = arith.index_cast %scan3A_52 : i32 to index
      %swap3A_168 = arith.constant 64 : index
      %swap3A_169 = tpu.vector_load %arg11[%swap3A_167, %swap3A_168] {strides = array<i32>} : memref<125x80xi32, #tpu.memory_space<vmem>>, vector<1x16xi32>,
      %swap3A_170 = vector.shape_cast %swap3A_169 : vector<1x16xi32> to vector<16xi32>
      %swap3A_171 = vector.shape_cast %select_n3A_166 : vector<16xi32> to vector<1x16xi32>
      tpu.vector_store %arg11[%swap3A_167, %swap3A_168], %swap3A_171 {strides = array<i32>} : memref<125x80xi32, #tpu.memory_space<vmem>>, vector<1x16xi32>,
    }
    %scan3A_10 = arith.constant 125 : i32
    %mul3A_11 = arith.constant 640 : i32
    %mul3A_12 = arith.muli %arg1, %mul3A_11 : i32
    %dma_wait3A = arith.constant 0 : i32
    %dma_wait3A_13 = tpu.memref_slice %arg16[%mul3A_12, %dma_wait3A] : memref<10240x16xf32, #tpu.memory_space<vmem_shared>> -> memref<640x16xf32, #tpu.memory_space<vmem_shared>>
    %dma_wait3A_14 = arith.constant 0 : i32
    %dma_wait3A_15 = tpu.memref_slice %arg16[%mul3A_12, %dma_wait3A_14] : memref<10240x16xf32, #tpu.memory_space<vmem_shared>> -> memref<640x16xf32, #tpu.memory_space<vmem_shared>>
    tpu.wait_dma2 semaphore(%arg15 : memref<!tpu.dma_semaphore, #tpu.memory_space<semaphore_mem>>) src(%arg13 : memref<640x16xf32, #tpu.memory_space<vmem>>) dst(%dma_wait3A_15 : memref<640x16xf32, #tpu.memory_space<vmem_shared>>)
    %dma_start3A_16 = arith.constant 0 : i32
    %dma_start3A_17 = arith.constant 0 : i32
    %dma_start3A_18 = tpu.memref_slice %arg6[%add3A, %dma_start3A_16, %dma_start3A_17] : memref<32x125x80xi32, #tpu.memory_space<hbm>> -> memref<1x125x80xi32, #tpu.memory_space<hbm>>
    %dma_start3A_19 = tpu.memref_squeeze %dma_start3A_18 : memref<1x125x80xi32, #tpu.memory_space<hbm>> -> memref<125x80xi32, #tpu.memory_space<hbm>>
    %dma_start3A_20 = arith.constant 0 : i32
    %dma_start3A_21 = arith.constant 0 : i32
    %dma_start3A_22 = tpu.memref_slice %arg6[%add3A, %dma_start3A_20, %dma_start3A_21] : memref<32x125x80xi32, #tpu.memory_space<hbm>> -> memref<1x125x80xi32, #tpu.memory_space<hbm>>
    %dma_start3A_23 = tpu.memref_squeeze %dma_start3A_22 : memref<1x125x80xi32, #tpu.memory_space<hbm>> -> memref<125x80xi32, #tpu.memory_space<hbm>>
    tpu.enqueue_dma source(%arg11 : memref<125x80xi32, #tpu.memory_space<vmem>>) target(%dma_start3A_23 : memref<125x80xi32, #tpu.memory_space<hbm>>) target_semaphore(%arg15 : memref<!tpu.dma_semaphore, #tpu.memory_space<semaphore_mem>>)
    %barrier3A = arith.constant 0 : index
    tpu.barrier barrier_id(%barrier3A)
    %scan3A_24 = arith.constant 0 : i32
    %scan3A_25 = arith.constant 0 : i32
    %scan3A_26 = arith.constant 125 : i32
    %scan3A_27 = arith.addi %scan3A_25, %scan3A_26 : i32
    %scan3A_28 = arith.constant 1 : i32
    scf.for %scan3A_52 = %scan3A_25 to %scan3A_27 step %scan3A_28  : i32 {
      %dma_start3A_53 = arith.constant 0 : i32
      %dma_start3A_54 = tpu.memref_slice %arg10[%scan3A_52, %dma_start3A_53] : memref<125x80xi32, #tpu.memory_space<vmem>> -> memref<1x80xi32, #tpu.memory_space<vmem>>
      %dma_start3A_55 = tpu.memref_squeeze %dma_start3A_54 : memref<1x80xi32, #tpu.memory_space<vmem>> -> memref<80xi32, #tpu.memory_space<vmem>>
      %dma_start3A_56 = arith.constant 0 : i32
      %dma_start3A_57 = arith.constant 0 : i32
      %dma_start3A_58 = tpu.memref_slice %arg16[%dma_start3A_56, %dma_start3A_57] : memref<10240x16xf32, #tpu.memory_space<vmem_shared>> -> memref<10240x16xf32, #tpu.memory_space<vmem_shared>>
      tpu.enqueue_indirect_dma source(%arg12 : memref<80x16xf32, #tpu.memory_space<vmem>>) target(%dma_start3A_58 : memref<10240x16xf32, #tpu.memory_space<vmem_shared>>) offsets(%dma_start3A_55 : memref<80xi32, #tpu.memory_space<vmem>>) semaphore(%arg14 : memref<!tpu.dma_semaphore, #tpu.memory_space<semaphore_mem>>) {add = true}
    }
    %scan3A_29 = arith.constant 125 : i32
    %scan3A_30 = arith.constant 0 : i32
    %scan3A_31 = arith.constant 0 : i32
    %scan3A_32 = arith.constant 125 : i32
    %scan3A_33 = arith.addi %scan3A_31, %scan3A_32 : i32
    %scan3A_34 = arith.constant 1 : i32
    scf.for %scan3A_52 = %scan3A_31 to %scan3A_33 step %scan3A_34  : i32 {
      %dma_wait3A_53 = arith.constant 0 : i32
      %dma_wait3A_54 = tpu.memref_slice %arg10[%scan3A_52, %dma_wait3A_53] : memref<125x80xi32, #tpu.memory_space<vmem>> -> memref<1x80xi32, #tpu.memory_space<vmem>>
      %dma_wait3A_55 = tpu.memref_squeeze %dma_wait3A_54 : memref<1x80xi32, #tpu.memory_space<vmem>> -> memref<80xi32, #tpu.memory_space<vmem>>
      %dma_wait3A_56 = arith.constant 0 : i32
      %dma_wait3A_57 = arith.constant 0 : i32
      %dma_wait3A_58 = tpu.memref_slice %arg16[%dma_wait3A_56, %dma_wait3A_57] : memref<10240x16xf32, #tpu.memory_space<vmem_shared>> -> memref<10240x16xf32, #tpu.memory_space<vmem_shared>>
      tpu.wait_indirect_dma semaphore(%arg14 : memref<!tpu.dma_semaphore, #tpu.memory_space<semaphore_mem>>) src(%arg12 : memref<80x16xf32, #tpu.memory_space<vmem>>) dst(%dma_wait3A_58 : memref<10240x16xf32, #tpu.memory_space<vmem_shared>>)
    }
    %scan3A_35 = arith.constant 125 : i32
    %barrier3A_36 = arith.constant 0 : index
    tpu.barrier barrier_id(%barrier3A_36)
    %mul3A_37 = arith.constant 640 : i32
    %mul3A_38 = arith.muli %arg1, %mul3A_37 : i32
    "tpu.region"() ({
      %run_scoped3A = tpu.sem_alloc : memref<!tpu.dma_semaphore, #tpu.memory_space<semaphore_mem>>
      %dma_start3A_52 = arith.constant 0 : i32
      %dma_start3A_53 = tpu.memref_slice %arg16[%mul3A_38, %dma_start3A_52] : memref<10240x16xf32, #tpu.memory_space<vmem_shared>> -> memref<640x16xf32, #tpu.memory_space<vmem_shared>>
      %dma_start3A_54 = arith.constant 0 : i32
      %dma_start3A_55 = tpu.memref_slice %arg16[%mul3A_38, %dma_start3A_54] : memref<10240x16xf32, #tpu.memory_space<vmem_shared>> -> memref<640x16xf32, #tpu.memory_space<vmem_shared>>
      tpu.enqueue_dma source(%dma_start3A_55 : memref<640x16xf32, #tpu.memory_space<vmem_shared>>) target(%arg13 : memref<640x16xf32, #tpu.memory_space<vmem>>) target_semaphore(%run_scoped3A : memref<!tpu.dma_semaphore, #tpu.memory_space<semaphore_mem>>)
      %dma_wait3A_56 = arith.constant 0 : i32
      %dma_wait3A_57 = tpu.memref_slice %arg16[%mul3A_38, %dma_wait3A_56] : memref<10240x16xf32, #tpu.memory_space<vmem_shared>> -> memref<640x16xf32, #tpu.memory_space<vmem_shared>>
      %dma_wait3A_58 = arith.constant 0 : i32
      %dma_wait3A_59 = tpu.memref_slice %arg16[%mul3A_38, %dma_wait3A_58] : memref<10240x16xf32, #tpu.memory_space<vmem_shared>> -> memref<640x16xf32, #tpu.memory_space<vmem_shared>>
      tpu.wait_dma2 semaphore(%run_scoped3A : memref<!tpu.dma_semaphore, #tpu.memory_space<semaphore_mem>>) src(%dma_wait3A_59 : memref<640x16xf32, #tpu.memory_space<vmem_shared>>) dst(%arg13 : memref<640x16xf32, #tpu.memory_space<vmem>>)
      tpu.yield
    }) : () -> ()
    %mul3A_39 = arith.constant 10240 : i32
    %mul3A_40 = arith.muli %arg0, %mul3A_39 : i32
    %mul3A_41 = arith.constant 640 : i32
    %mul3A_42 = arith.muli %arg1, %mul3A_41 : i32
    %add3A_43 = arith.addi %mul3A_40, %mul3A_42 : i32
    "tpu.region"() ({
      %run_scoped3A = tpu.sem_alloc : memref<!tpu.dma_semaphore, #tpu.memory_space<semaphore_mem>>
      %dma_start3A_52 = arith.constant 0 : i32
      %dma_start3A_53 = tpu.memref_slice %arg7[%add3A_43, %dma_start3A_52] : memref<20480x16xf32, #tpu.memory_space<hbm>> -> memref<640x16xf32, #tpu.memory_space<hbm>>
      %dma_start3A_54 = arith.constant 0 : i32
      %dma_start3A_55 = tpu.memref_slice %arg7[%add3A_43, %dma_start3A_54] : memref<20480x16xf32, #tpu.memory_space<hbm>> -> memref<640x16xf32, #tpu.memory_space<hbm>>
      tpu.enqueue_dma source(%arg13 : memref<640x16xf32, #tpu.memory_space<vmem>>) target(%dma_start3A_55 : memref<640x16xf32, #tpu.memory_space<hbm>>) target_semaphore(%run_scoped3A : memref<!tpu.dma_semaphore, #tpu.memory_space<semaphore_mem>>)
      %dma_wait3A_56 = arith.constant 0 : i32
      %dma_wait3A_57 = tpu.memref_slice %arg7[%add3A_43, %dma_wait3A_56] : memref<20480x16xf32, #tpu.memory_space<hbm>> -> memref<640x16xf32, #tpu.memory_space<hbm>>
      %dma_wait3A_58 = arith.constant 0 : i32
      %dma_wait3A_59 = tpu.memref_slice %arg7[%add3A_43, %dma_wait3A_58] : memref<20480x16xf32, #tpu.memory_space<hbm>> -> memref<640x16xf32, #tpu.memory_space<hbm>>
      tpu.wait_dma2 semaphore(%run_scoped3A : memref<!tpu.dma_semaphore, #tpu.memory_space<semaphore_mem>>) src(%arg13 : memref<640x16xf32, #tpu.memory_space<vmem>>) dst(%dma_wait3A_59 : memref<640x16xf32, #tpu.memory_space<hbm>>)
      tpu.yield
    }) : () -> ()
    %dma_wait3A_44 = arith.constant 0 : i32
    %dma_wait3A_45 = arith.constant 0 : i32
    %dma_wait3A_46 = tpu.memref_slice %arg6[%add3A, %dma_wait3A_44, %dma_wait3A_45] : memref<32x125x80xi32, #tpu.memory_space<hbm>> -> memref<1x125x80xi32, #tpu.memory_space<hbm>>
    %dma_wait3A_47 = tpu.memref_squeeze %dma_wait3A_46 : memref<1x125x80xi32, #tpu.memory_space<hbm>> -> memref<125x80xi32, #tpu.memory_space<hbm>>
    %dma_wait3A_48 = arith.constant 0 : i32
    %dma_wait3A_49 = arith.constant 0 : i32
    %dma_wait3A_50 = tpu.memref_slice %arg6[%add3A, %dma_wait3A_48, %dma_wait3A_49] : memref<32x125x80xi32, #tpu.memory_space<hbm>> -> memref<1x125x80xi32, #tpu.memory_space<hbm>>
    %dma_wait3A_51 = tpu.memref_squeeze %dma_wait3A_50 : memref<1x125x80xi32, #tpu.memory_space<hbm>> -> memref<125x80xi32, #tpu.memory_space<hbm>>
    tpu.wait_dma2 semaphore(%arg15 : memref<!tpu.dma_semaphore, #tpu.memory_space<semaphore_mem>>) src(%arg11 : memref<125x80xi32, #tpu.memory_space<vmem>>) dst(%dma_wait3A_51 : memref<125x80xi32, #tpu.memory_space<hbm>>)
    return
  }
}

#map = affine_map<(d0, d1) -> (0, 0)>
#map1 = affine_map<(d0, d1) -> (0, 0, 0)>
module attributes {stable_mosaic.version = 14 : i64} {
  func.func @body(%arg0: i32, %arg1: i32, %arg2: memref<10000x128xf32, #tpu.memory_space<hbm>>, %arg3: memref<32x125x80xi32, #tpu.memory_space<hbm>>, %arg4: memref<32x125x80xi32, #tpu.memory_space<hbm>>, %arg5: memref<40x128xf32, #tpu.memory_space<hbm>>, %arg6: memref<20480x128xf32, #tpu.memory_space<hbm>>, %arg7: memref<125x80xi32, #tpu.memory_space<vmem>>, %arg8: memref<125x80xi32, #tpu.memory_space<vmem>>, %arg9: memref<80x128xf32, #tpu.memory_space<vmem>>, %arg10: memref<80x128xf32, #tpu.memory_space<vmem>>, %arg11: memref<40x128xf32, #tpu.memory_space<vmem>>, %arg12: memref<!tpu.dma_semaphore, #tpu.memory_space<semaphore_mem>>, %arg13: memref<!tpu.dma_semaphore, #tpu.memory_space<semaphore_mem>>, %arg14: memref<!tpu.dma_semaphore, #tpu.memory_space<semaphore_mem>>, %arg15: memref<10240x128xf32, #tpu.memory_space<vmem_shared>>) attributes {dimension_semantics = [#tpu.dimension_semantics<core_parallel>, #tpu.dimension_semantics<subcore_parallel>], iteration_bounds = array<i64: 2, 16>, scalar_prefetch = 0 : i64, scratch_operands = 9 : i64, tpu.core_type = #tpu.core_type<sc_vector_subcore>, window_params = [{transform_indices = #map}, {transform_indices = #map1}, {transform_indices = #map1}, {transform_indices = #map}, {transform_indices = #map}]} {
    %mul3A = arith.constant 2 : i32
    %mul3A_0 = arith.muli %arg1, %mul3A : i32
    %add3A = arith.addi %mul3A_0, %arg0 : i32
    "tpu.region"() ({
      %run_scoped3A_490 = tpu.sem_alloc : memref<!tpu.dma_semaphore, #tpu.memory_space<semaphore_mem>>
      %dma_start3A_491 = arith.constant 0 : i32
      %dma_start3A_492 = arith.constant 0 : i32
      %dma_start3A_493 = tpu.memref_slice %arg3[%add3A, %dma_start3A_491, %dma_start3A_492] : memref<32x125x80xi32, #tpu.memory_space<hbm>> -> memref<1x125x80xi32, #tpu.memory_space<hbm>>
      %dma_start3A_494 = tpu.memref_squeeze %dma_start3A_493 : memref<1x125x80xi32, #tpu.memory_space<hbm>> -> memref<125x80xi32, #tpu.memory_space<hbm>>
      %dma_start3A_495 = arith.constant 0 : i32
      %dma_start3A_496 = arith.constant 0 : i32
      %dma_start3A_497 = tpu.memref_slice %arg3[%add3A, %dma_start3A_495, %dma_start3A_496] : memref<32x125x80xi32, #tpu.memory_space<hbm>> -> memref<1x125x80xi32, #tpu.memory_space<hbm>>
      %dma_start3A_498 = tpu.memref_squeeze %dma_start3A_497 : memref<1x125x80xi32, #tpu.memory_space<hbm>> -> memref<125x80xi32, #tpu.memory_space<hbm>>
      tpu.enqueue_dma source(%dma_start3A_498 : memref<125x80xi32, #tpu.memory_space<hbm>>) target(%arg7 : memref<125x80xi32, #tpu.memory_space<vmem>>) target_semaphore(%run_scoped3A_490 : memref<!tpu.dma_semaphore, #tpu.memory_space<semaphore_mem>>)
      %dma_wait3A_499 = arith.constant 0 : i32
      %dma_wait3A_500 = arith.constant 0 : i32
      %dma_wait3A_501 = tpu.memref_slice %arg3[%add3A, %dma_wait3A_499, %dma_wait3A_500] : memref<32x125x80xi32, #tpu.memory_space<hbm>> -> memref<1x125x80xi32, #tpu.memory_space<hbm>>
      %dma_wait3A_502 = tpu.memref_squeeze %dma_wait3A_501 : memref<1x125x80xi32, #tpu.memory_space<hbm>> -> memref<125x80xi32, #tpu.memory_space<hbm>>
      %dma_wait3A_503 = arith.constant 0 : i32
      %dma_wait3A_504 = arith.constant 0 : i32
      %dma_wait3A_505 = tpu.memref_slice %arg3[%add3A, %dma_wait3A_503, %dma_wait3A_504] : memref<32x125x80xi32, #tpu.memory_space<hbm>> -> memref<1x125x80xi32, #tpu.memory_space<hbm>>
      %dma_wait3A_506 = tpu.memref_squeeze %dma_wait3A_505 : memref<1x125x80xi32, #tpu.memory_space<hbm>> -> memref<125x80xi32, #tpu.memory_space<hbm>>
      tpu.wait_dma2 semaphore(%run_scoped3A_490 : memref<!tpu.dma_semaphore, #tpu.memory_space<semaphore_mem>>) src(%dma_wait3A_506 : memref<125x80xi32, #tpu.memory_space<hbm>>) dst(%arg7 : memref<125x80xi32, #tpu.memory_space<vmem>>)
      tpu.yield
    }) : () -> ()
    %dma_start3A = arith.constant 0 : i32
    %dma_start3A_1 = arith.constant 0 : i32
    %dma_start3A_2 = tpu.memref_slice %arg7[%dma_start3A, %dma_start3A_1] : memref<125x80xi32, #tpu.memory_space<vmem>> -> memref<1x80xi32, #tpu.memory_space<vmem>>
    %dma_start3A_3 = tpu.memref_squeeze %dma_start3A_2 : memref<1x80xi32, #tpu.memory_space<vmem>> -> memref<80xi32, #tpu.memory_space<vmem>>
    %dma_start3A_4 = arith.constant 0 : i32
    %dma_start3A_5 = arith.constant 0 : i32
    %dma_start3A_6 = tpu.memref_slice %arg2[%dma_start3A_4, %dma_start3A_5] : memref<10000x128xf32, #tpu.memory_space<hbm>> -> memref<10000x128xf32, #tpu.memory_space<hbm>>
    tpu.enqueue_indirect_dma source(%dma_start3A_6 : memref<10000x128xf32, #tpu.memory_space<hbm>>) target(%arg9 : memref<80x128xf32, #tpu.memory_space<vmem>>) offsets(%dma_start3A_3 : memref<80xi32, #tpu.memory_space<vmem>>) semaphore(%arg12 : memref<!tpu.dma_semaphore, #tpu.memory_space<semaphore_mem>>)
    %dma_start3A_7 = arith.constant 1 : i32
    %dma_start3A_8 = arith.constant 0 : i32
    %dma_start3A_9 = tpu.memref_slice %arg7[%dma_start3A_7, %dma_start3A_8] : memref<125x80xi32, #tpu.memory_space<vmem>> -> memref<1x80xi32, #tpu.memory_space<vmem>>
    %dma_start3A_10 = tpu.memref_squeeze %dma_start3A_9 : memref<1x80xi32, #tpu.memory_space<vmem>> -> memref<80xi32, #tpu.memory_space<vmem>>
    %dma_start3A_11 = arith.constant 0 : i32
    %dma_start3A_12 = arith.constant 0 : i32
    %dma_start3A_13 = tpu.memref_slice %arg2[%dma_start3A_11, %dma_start3A_12] : memref<10000x128xf32, #tpu.memory_space<hbm>> -> memref<10000x128xf32, #tpu.memory_space<hbm>>
    tpu.enqueue_indirect_dma source(%dma_start3A_13 : memref<10000x128xf32, #tpu.memory_space<hbm>>) target(%arg10 : memref<80x128xf32, #tpu.memory_space<vmem>>) offsets(%dma_start3A_10 : memref<80xi32, #tpu.memory_space<vmem>>) semaphore(%arg13 : memref<!tpu.dma_semaphore, #tpu.memory_space<semaphore_mem>>)
    "tpu.region"() ({
      %run_scoped3A_490 = tpu.sem_alloc : memref<!tpu.dma_semaphore, #tpu.memory_space<semaphore_mem>>
      %dma_start3A_491 = arith.constant 0 : i32
      %dma_start3A_492 = arith.constant 0 : i32
      %dma_start3A_493 = tpu.memref_slice %arg4[%add3A, %dma_start3A_491, %dma_start3A_492] : memref<32x125x80xi32, #tpu.memory_space<hbm>> -> memref<1x125x80xi32, #tpu.memory_space<hbm>>
      %dma_start3A_494 = tpu.memref_squeeze %dma_start3A_493 : memref<1x125x80xi32, #tpu.memory_space<hbm>> -> memref<125x80xi32, #tpu.memory_space<hbm>>
      %dma_start3A_495 = arith.constant 0 : i32
      %dma_start3A_496 = arith.constant 0 : i32
      %dma_start3A_497 = tpu.memref_slice %arg4[%add3A, %dma_start3A_495, %dma_start3A_496] : memref<32x125x80xi32, #tpu.memory_space<hbm>> -> memref<1x125x80xi32, #tpu.memory_space<hbm>>
      %dma_start3A_498 = tpu.memref_squeeze %dma_start3A_497 : memref<1x125x80xi32, #tpu.memory_space<hbm>> -> memref<125x80xi32, #tpu.memory_space<hbm>>
      tpu.enqueue_dma source(%dma_start3A_498 : memref<125x80xi32, #tpu.memory_space<hbm>>) target(%arg8 : memref<125x80xi32, #tpu.memory_space<vmem>>) target_semaphore(%run_scoped3A_490 : memref<!tpu.dma_semaphore, #tpu.memory_space<semaphore_mem>>)
      %dma_wait3A_499 = arith.constant 0 : i32
      %dma_wait3A_500 = arith.constant 0 : i32
      %dma_wait3A_501 = tpu.memref_slice %arg4[%add3A, %dma_wait3A_499, %dma_wait3A_500] : memref<32x125x80xi32, #tpu.memory_space<hbm>> -> memref<1x125x80xi32, #tpu.memory_space<hbm>>
      %dma_wait3A_502 = tpu.memref_squeeze %dma_wait3A_501 : memref<1x125x80xi32, #tpu.memory_space<hbm>> -> memref<125x80xi32, #tpu.memory_space<hbm>>
      %dma_wait3A_503 = arith.constant 0 : i32
      %dma_wait3A_504 = arith.constant 0 : i32
      %dma_wait3A_505 = tpu.memref_slice %arg4[%add3A, %dma_wait3A_503, %dma_wait3A_504] : memref<32x125x80xi32, #tpu.memory_space<hbm>> -> memref<1x125x80xi32, #tpu.memory_space<hbm>>
      %dma_wait3A_506 = tpu.memref_squeeze %dma_wait3A_505 : memref<1x125x80xi32, #tpu.memory_space<hbm>> -> memref<125x80xi32, #tpu.memory_space<hbm>>
      tpu.wait_dma2 semaphore(%run_scoped3A_490 : memref<!tpu.dma_semaphore, #tpu.memory_space<semaphore_mem>>) src(%dma_wait3A_506 : memref<125x80xi32, #tpu.memory_space<hbm>>) dst(%arg8 : memref<125x80xi32, #tpu.memory_space<vmem>>)
      tpu.yield
    }) : () -> ()
    "tpu.region"() ({
      %run_scoped3A_490 = tpu.sem_alloc : memref<!tpu.dma_semaphore, #tpu.memory_space<semaphore_mem>>
      tpu.enqueue_dma source(%arg5 : memref<40x128xf32, #tpu.memory_space<hbm>>) target(%arg11 : memref<40x128xf32, #tpu.memory_space<vmem>>) target_semaphore(%run_scoped3A_490 : memref<!tpu.dma_semaphore, #tpu.memory_space<semaphore_mem>>)
      tpu.wait_dma2 semaphore(%run_scoped3A_490 : memref<!tpu.dma_semaphore, #tpu.memory_space<semaphore_mem>>) src(%arg5 : memref<40x128xf32, #tpu.memory_space<hbm>>) dst(%arg11 : memref<40x128xf32, #tpu.memory_space<vmem>>)
      tpu.yield
    }) : () -> ()
    %mul3A_14 = arith.constant 640 : i32
    %mul3A_15 = arith.muli %arg1, %mul3A_14 : i32
    %add3A_16 = arith.constant 0 : i32
    %add3A_17 = arith.addi %mul3A_15, %add3A_16 : i32
    %dma_start3A_18 = arith.constant 0 : i32
    %dma_start3A_19 = tpu.memref_slice %arg15[%add3A_17, %dma_start3A_18] : memref<10240x128xf32, #tpu.memory_space<vmem_shared>> -> memref<40x128xf32, #tpu.memory_space<vmem_shared>>
    %dma_start3A_20 = arith.constant 0 : i32
    %dma_start3A_21 = tpu.memref_slice %arg15[%add3A_17, %dma_start3A_20] : memref<10240x128xf32, #tpu.memory_space<vmem_shared>> -> memref<40x128xf32, #tpu.memory_space<vmem_shared>>
    tpu.enqueue_dma source(%arg11 : memref<40x128xf32, #tpu.memory_space<vmem>>) target(%dma_start3A_21 : memref<40x128xf32, #tpu.memory_space<vmem_shared>>) target_semaphore(%arg14 : memref<!tpu.dma_semaphore, #tpu.memory_space<semaphore_mem>>)
    %mul3A_22 = arith.constant 640 : i32
    %mul3A_23 = arith.muli %arg1, %mul3A_22 : i32
    %add3A_24 = arith.constant 40 : i32
    %add3A_25 = arith.addi %mul3A_23, %add3A_24 : i32
    %dma_start3A_26 = arith.constant 0 : i32
    %dma_start3A_27 = tpu.memref_slice %arg15[%add3A_25, %dma_start3A_26] : memref<10240x128xf32, #tpu.memory_space<vmem_shared>> -> memref<40x128xf32, #tpu.memory_space<vmem_shared>>
    %dma_start3A_28 = arith.constant 0 : i32
    %dma_start3A_29 = tpu.memref_slice %arg15[%add3A_25, %dma_start3A_28] : memref<10240x128xf32, #tpu.memory_space<vmem_shared>> -> memref<40x128xf32, #tpu.memory_space<vmem_shared>>
    tpu.enqueue_dma source(%arg11 : memref<40x128xf32, #tpu.memory_space<vmem>>) target(%dma_start3A_29 : memref<40x128xf32, #tpu.memory_space<vmem_shared>>) target_semaphore(%arg14 : memref<!tpu.dma_semaphore, #tpu.memory_space<semaphore_mem>>)
    %mul3A_30 = arith.constant 640 : i32
    %mul3A_31 = arith.muli %arg1, %mul3A_30 : i32
    %add3A_32 = arith.constant 80 : i32
    %add3A_33 = arith.addi %mul3A_31, %add3A_32 : i32
    %dma_start3A_34 = arith.constant 0 : i32
    %dma_start3A_35 = tpu.memref_slice %arg15[%add3A_33, %dma_start3A_34] : memref<10240x128xf32, #tpu.memory_space<vmem_shared>> -> memref<40x128xf32, #tpu.memory_space<vmem_shared>>
    %dma_start3A_36 = arith.constant 0 : i32
    %dma_start3A_37 = tpu.memref_slice %arg15[%add3A_33, %dma_start3A_36] : memref<10240x128xf32, #tpu.memory_space<vmem_shared>> -> memref<40x128xf32, #tpu.memory_space<vmem_shared>>
    tpu.enqueue_dma source(%arg11 : memref<40x128xf32, #tpu.memory_space<vmem>>) target(%dma_start3A_37 : memref<40x128xf32, #tpu.memory_space<vmem_shared>>) target_semaphore(%arg14 : memref<!tpu.dma_semaphore, #tpu.memory_space<semaphore_mem>>)
    %mul3A_38 = arith.constant 640 : i32
    %mul3A_39 = arith.muli %arg1, %mul3A_38 : i32
    %add3A_40 = arith.constant 120 : i32
    %add3A_41 = arith.addi %mul3A_39, %add3A_40 : i32
    %dma_start3A_42 = arith.constant 0 : i32
    %dma_start3A_43 = tpu.memref_slice %arg15[%add3A_41, %dma_start3A_42] : memref<10240x128xf32, #tpu.memory_space<vmem_shared>> -> memref<40x128xf32, #tpu.memory_space<vmem_shared>>
    %dma_start3A_44 = arith.constant 0 : i32
    %dma_start3A_45 = tpu.memref_slice %arg15[%add3A_41, %dma_start3A_44] : memref<10240x128xf32, #tpu.memory_space<vmem_shared>> -> memref<40x128xf32, #tpu.memory_space<vmem_shared>>
    tpu.enqueue_dma source(%arg11 : memref<40x128xf32, #tpu.memory_space<vmem>>) target(%dma_start3A_45 : memref<40x128xf32, #tpu.memory_space<vmem_shared>>) target_semaphore(%arg14 : memref<!tpu.dma_semaphore, #tpu.memory_space<semaphore_mem>>)
    %mul3A_46 = arith.constant 640 : i32
    %mul3A_47 = arith.muli %arg1, %mul3A_46 : i32
    %add3A_48 = arith.constant 160 : i32
    %add3A_49 = arith.addi %mul3A_47, %add3A_48 : i32
    %dma_start3A_50 = arith.constant 0 : i32
    %dma_start3A_51 = tpu.memref_slice %arg15[%add3A_49, %dma_start3A_50] : memref<10240x128xf32, #tpu.memory_space<vmem_shared>> -> memref<40x128xf32, #tpu.memory_space<vmem_shared>>
    %dma_start3A_52 = arith.constant 0 : i32
    %dma_start3A_53 = tpu.memref_slice %arg15[%add3A_49, %dma_start3A_52] : memref<10240x128xf32, #tpu.memory_space<vmem_shared>> -> memref<40x128xf32, #tpu.memory_space<vmem_shared>>
    tpu.enqueue_dma source(%arg11 : memref<40x128xf32, #tpu.memory_space<vmem>>) target(%dma_start3A_53 : memref<40x128xf32, #tpu.memory_space<vmem_shared>>) target_semaphore(%arg14 : memref<!tpu.dma_semaphore, #tpu.memory_space<semaphore_mem>>)
    %mul3A_54 = arith.constant 640 : i32
    %mul3A_55 = arith.muli %arg1, %mul3A_54 : i32
    %add3A_56 = arith.constant 200 : i32
    %add3A_57 = arith.addi %mul3A_55, %add3A_56 : i32
    %dma_start3A_58 = arith.constant 0 : i32
    %dma_start3A_59 = tpu.memref_slice %arg15[%add3A_57, %dma_start3A_58] : memref<10240x128xf32, #tpu.memory_space<vmem_shared>> -> memref<40x128xf32, #tpu.memory_space<vmem_shared>>
    %dma_start3A_60 = arith.constant 0 : i32
    %dma_start3A_61 = tpu.memref_slice %arg15[%add3A_57, %dma_start3A_60] : memref<10240x128xf32, #tpu.memory_space<vmem_shared>> -> memref<40x128xf32, #tpu.memory_space<vmem_shared>>
    tpu.enqueue_dma source(%arg11 : memref<40x128xf32, #tpu.memory_space<vmem>>) target(%dma_start3A_61 : memref<40x128xf32, #tpu.memory_space<vmem_shared>>) target_semaphore(%arg14 : memref<!tpu.dma_semaphore, #tpu.memory_space<semaphore_mem>>)
    %mul3A_62 = arith.constant 640 : i32
    %mul3A_63 = arith.muli %arg1, %mul3A_62 : i32
    %add3A_64 = arith.constant 240 : i32
    %add3A_65 = arith.addi %mul3A_63, %add3A_64 : i32
    %dma_start3A_66 = arith.constant 0 : i32
    %dma_start3A_67 = tpu.memref_slice %arg15[%add3A_65, %dma_start3A_66] : memref<10240x128xf32, #tpu.memory_space<vmem_shared>> -> memref<40x128xf32, #tpu.memory_space<vmem_shared>>
    %dma_start3A_68 = arith.constant 0 : i32
    %dma_start3A_69 = tpu.memref_slice %arg15[%add3A_65, %dma_start3A_68] : memref<10240x128xf32, #tpu.memory_space<vmem_shared>> -> memref<40x128xf32, #tpu.memory_space<vmem_shared>>
    tpu.enqueue_dma source(%arg11 : memref<40x128xf32, #tpu.memory_space<vmem>>) target(%dma_start3A_69 : memref<40x128xf32, #tpu.memory_space<vmem_shared>>) target_semaphore(%arg14 : memref<!tpu.dma_semaphore, #tpu.memory_space<semaphore_mem>>)
    %mul3A_70 = arith.constant 640 : i32
    %mul3A_71 = arith.muli %arg1, %mul3A_70 : i32
    %add3A_72 = arith.constant 280 : i32
    %add3A_73 = arith.addi %mul3A_71, %add3A_72 : i32
    %dma_start3A_74 = arith.constant 0 : i32
    %dma_start3A_75 = tpu.memref_slice %arg15[%add3A_73, %dma_start3A_74] : memref<10240x128xf32, #tpu.memory_space<vmem_shared>> -> memref<40x128xf32, #tpu.memory_space<vmem_shared>>
    %dma_start3A_76 = arith.constant 0 : i32
    %dma_start3A_77 = tpu.memref_slice %arg15[%add3A_73, %dma_start3A_76] : memref<10240x128xf32, #tpu.memory_space<vmem_shared>> -> memref<40x128xf32, #tpu.memory_space<vmem_shared>>
    tpu.enqueue_dma source(%arg11 : memref<40x128xf32, #tpu.memory_space<vmem>>) target(%dma_start3A_77 : memref<40x128xf32, #tpu.memory_space<vmem_shared>>) target_semaphore(%arg14 : memref<!tpu.dma_semaphore, #tpu.memory_space<semaphore_mem>>)
    %mul3A_78 = arith.constant 640 : i32
    %mul3A_79 = arith.muli %arg1, %mul3A_78 : i32
    %add3A_80 = arith.constant 320 : i32
    %add3A_81 = arith.addi %mul3A_79, %add3A_80 : i32
    %dma_start3A_82 = arith.constant 0 : i32
    %dma_start3A_83 = tpu.memref_slice %arg15[%add3A_81, %dma_start3A_82] : memref<10240x128xf32, #tpu.memory_space<vmem_shared>> -> memref<40x128xf32, #tpu.memory_space<vmem_shared>>
    %dma_start3A_84 = arith.constant 0 : i32
    %dma_start3A_85 = tpu.memref_slice %arg15[%add3A_81, %dma_start3A_84] : memref<10240x128xf32, #tpu.memory_space<vmem_shared>> -> memref<40x128xf32, #tpu.memory_space<vmem_shared>>
    tpu.enqueue_dma source(%arg11 : memref<40x128xf32, #tpu.memory_space<vmem>>) target(%dma_start3A_85 : memref<40x128xf32, #tpu.memory_space<vmem_shared>>) target_semaphore(%arg14 : memref<!tpu.dma_semaphore, #tpu.memory_space<semaphore_mem>>)
    %mul3A_86 = arith.constant 640 : i32
    %mul3A_87 = arith.muli %arg1, %mul3A_86 : i32
    %add3A_88 = arith.constant 360 : i32
    %add3A_89 = arith.addi %mul3A_87, %add3A_88 : i32
    %dma_start3A_90 = arith.constant 0 : i32
    %dma_start3A_91 = tpu.memref_slice %arg15[%add3A_89, %dma_start3A_90] : memref<10240x128xf32, #tpu.memory_space<vmem_shared>> -> memref<40x128xf32, #tpu.memory_space<vmem_shared>>
    %dma_start3A_92 = arith.constant 0 : i32
    %dma_start3A_93 = tpu.memref_slice %arg15[%add3A_89, %dma_start3A_92] : memref<10240x128xf32, #tpu.memory_space<vmem_shared>> -> memref<40x128xf32, #tpu.memory_space<vmem_shared>>
    tpu.enqueue_dma source(%arg11 : memref<40x128xf32, #tpu.memory_space<vmem>>) target(%dma_start3A_93 : memref<40x128xf32, #tpu.memory_space<vmem_shared>>) target_semaphore(%arg14 : memref<!tpu.dma_semaphore, #tpu.memory_space<semaphore_mem>>)
    %mul3A_94 = arith.constant 640 : i32
    %mul3A_95 = arith.muli %arg1, %mul3A_94 : i32
    %add3A_96 = arith.constant 400 : i32
    %add3A_97 = arith.addi %mul3A_95, %add3A_96 : i32
    %dma_start3A_98 = arith.constant 0 : i32
    %dma_start3A_99 = tpu.memref_slice %arg15[%add3A_97, %dma_start3A_98] : memref<10240x128xf32, #tpu.memory_space<vmem_shared>> -> memref<40x128xf32, #tpu.memory_space<vmem_shared>>
    %dma_start3A_100 = arith.constant 0 : i32
    %dma_start3A_101 = tpu.memref_slice %arg15[%add3A_97, %dma_start3A_100] : memref<10240x128xf32, #tpu.memory_space<vmem_shared>> -> memref<40x128xf32, #tpu.memory_space<vmem_shared>>
    tpu.enqueue_dma source(%arg11 : memref<40x128xf32, #tpu.memory_space<vmem>>) target(%dma_start3A_101 : memref<40x128xf32, #tpu.memory_space<vmem_shared>>) target_semaphore(%arg14 : memref<!tpu.dma_semaphore, #tpu.memory_space<semaphore_mem>>)
    %mul3A_102 = arith.constant 640 : i32
    %mul3A_103 = arith.muli %arg1, %mul3A_102 : i32
    %add3A_104 = arith.constant 440 : i32
    %add3A_105 = arith.addi %mul3A_103, %add3A_104 : i32
    %dma_start3A_106 = arith.constant 0 : i32
    %dma_start3A_107 = tpu.memref_slice %arg15[%add3A_105, %dma_start3A_106] : memref<10240x128xf32, #tpu.memory_space<vmem_shared>> -> memref<40x128xf32, #tpu.memory_space<vmem_shared>>
    %dma_start3A_108 = arith.constant 0 : i32
    %dma_start3A_109 = tpu.memref_slice %arg15[%add3A_105, %dma_start3A_108] : memref<10240x128xf32, #tpu.memory_space<vmem_shared>> -> memref<40x128xf32, #tpu.memory_space<vmem_shared>>
    tpu.enqueue_dma source(%arg11 : memref<40x128xf32, #tpu.memory_space<vmem>>) target(%dma_start3A_109 : memref<40x128xf32, #tpu.memory_space<vmem_shared>>) target_semaphore(%arg14 : memref<!tpu.dma_semaphore, #tpu.memory_space<semaphore_mem>>)
    %mul3A_110 = arith.constant 640 : i32
    %mul3A_111 = arith.muli %arg1, %mul3A_110 : i32
    %add3A_112 = arith.constant 480 : i32
    %add3A_113 = arith.addi %mul3A_111, %add3A_112 : i32
    %dma_start3A_114 = arith.constant 0 : i32
    %dma_start3A_115 = tpu.memref_slice %arg15[%add3A_113, %dma_start3A_114] : memref<10240x128xf32, #tpu.memory_space<vmem_shared>> -> memref<40x128xf32, #tpu.memory_space<vmem_shared>>
    %dma_start3A_116 = arith.constant 0 : i32
    %dma_start3A_117 = tpu.memref_slice %arg15[%add3A_113, %dma_start3A_116] : memref<10240x128xf32, #tpu.memory_space<vmem_shared>> -> memref<40x128xf32, #tpu.memory_space<vmem_shared>>
    tpu.enqueue_dma source(%arg11 : memref<40x128xf32, #tpu.memory_space<vmem>>) target(%dma_start3A_117 : memref<40x128xf32, #tpu.memory_space<vmem_shared>>) target_semaphore(%arg14 : memref<!tpu.dma_semaphore, #tpu.memory_space<semaphore_mem>>)
    %mul3A_118 = arith.constant 640 : i32
    %mul3A_119 = arith.muli %arg1, %mul3A_118 : i32
    %add3A_120 = arith.constant 520 : i32
    %add3A_121 = arith.addi %mul3A_119, %add3A_120 : i32
    %dma_start3A_122 = arith.constant 0 : i32
    %dma_start3A_123 = tpu.memref_slice %arg15[%add3A_121, %dma_start3A_122] : memref<10240x128xf32, #tpu.memory_space<vmem_shared>> -> memref<40x128xf32, #tpu.memory_space<vmem_shared>>
    %dma_start3A_124 = arith.constant 0 : i32
    %dma_start3A_125 = tpu.memref_slice %arg15[%add3A_121, %dma_start3A_124] : memref<10240x128xf32, #tpu.memory_space<vmem_shared>> -> memref<40x128xf32, #tpu.memory_space<vmem_shared>>
    tpu.enqueue_dma source(%arg11 : memref<40x128xf32, #tpu.memory_space<vmem>>) target(%dma_start3A_125 : memref<40x128xf32, #tpu.memory_space<vmem_shared>>) target_semaphore(%arg14 : memref<!tpu.dma_semaphore, #tpu.memory_space<semaphore_mem>>)
    %mul3A_126 = arith.constant 640 : i32
    %mul3A_127 = arith.muli %arg1, %mul3A_126 : i32
    %add3A_128 = arith.constant 560 : i32
    %add3A_129 = arith.addi %mul3A_127, %add3A_128 : i32
    %dma_start3A_130 = arith.constant 0 : i32
    %dma_start3A_131 = tpu.memref_slice %arg15[%add3A_129, %dma_start3A_130] : memref<10240x128xf32, #tpu.memory_space<vmem_shared>> -> memref<40x128xf32, #tpu.memory_space<vmem_shared>>
    %dma_start3A_132 = arith.constant 0 : i32
    %dma_start3A_133 = tpu.memref_slice %arg15[%add3A_129, %dma_start3A_132] : memref<10240x128xf32, #tpu.memory_space<vmem_shared>> -> memref<40x128xf32, #tpu.memory_space<vmem_shared>>
    tpu.enqueue_dma source(%arg11 : memref<40x128xf32, #tpu.memory_space<vmem>>) target(%dma_start3A_133 : memref<40x128xf32, #tpu.memory_space<vmem_shared>>) target_semaphore(%arg14 : memref<!tpu.dma_semaphore, #tpu.memory_space<semaphore_mem>>)
    %mul3A_134 = arith.constant 640 : i32
    %mul3A_135 = arith.muli %arg1, %mul3A_134 : i32
    %add3A_136 = arith.constant 600 : i32
    %add3A_137 = arith.addi %mul3A_135, %add3A_136 : i32
    %dma_start3A_138 = arith.constant 0 : i32
    %dma_start3A_139 = tpu.memref_slice %arg15[%add3A_137, %dma_start3A_138] : memref<10240x128xf32, #tpu.memory_space<vmem_shared>> -> memref<40x128xf32, #tpu.memory_space<vmem_shared>>
    %dma_start3A_140 = arith.constant 0 : i32
    %dma_start3A_141 = tpu.memref_slice %arg15[%add3A_137, %dma_start3A_140] : memref<10240x128xf32, #tpu.memory_space<vmem_shared>> -> memref<40x128xf32, #tpu.memory_space<vmem_shared>>
    tpu.enqueue_dma source(%arg11 : memref<40x128xf32, #tpu.memory_space<vmem>>) target(%dma_start3A_141 : memref<40x128xf32, #tpu.memory_space<vmem_shared>>) target_semaphore(%arg14 : memref<!tpu.dma_semaphore, #tpu.memory_space<semaphore_mem>>)
    %mul3A_142 = arith.constant 640 : i32
    %mul3A_143 = arith.muli %arg1, %mul3A_142 : i32
    %add3A_144 = arith.constant 0 : i32
    %add3A_145 = arith.addi %mul3A_143, %add3A_144 : i32
    %dma_wait3A = arith.constant 0 : i32
    %dma_wait3A_146 = tpu.memref_slice %arg15[%add3A_145, %dma_wait3A] : memref<10240x128xf32, #tpu.memory_space<vmem_shared>> -> memref<40x128xf32, #tpu.memory_space<vmem_shared>>
    %dma_wait3A_147 = arith.constant 0 : i32
    %dma_wait3A_148 = tpu.memref_slice %arg15[%add3A_145, %dma_wait3A_147] : memref<10240x128xf32, #tpu.memory_space<vmem_shared>> -> memref<40x128xf32, #tpu.memory_space<vmem_shared>>
    tpu.wait_dma2 semaphore(%arg14 : memref<!tpu.dma_semaphore, #tpu.memory_space<semaphore_mem>>) src(%arg11 : memref<40x128xf32, #tpu.memory_space<vmem>>) dst(%dma_wait3A_148 : memref<40x128xf32, #tpu.memory_space<vmem_shared>>)
    %mul3A_149 = arith.constant 640 : i32
    %mul3A_150 = arith.muli %arg1, %mul3A_149 : i32
    %add3A_151 = arith.constant 40 : i32
    %add3A_152 = arith.addi %mul3A_150, %add3A_151 : i32
    %dma_wait3A_153 = arith.constant 0 : i32
    %dma_wait3A_154 = tpu.memref_slice %arg15[%add3A_152, %dma_wait3A_153] : memref<10240x128xf32, #tpu.memory_space<vmem_shared>> -> memref<40x128xf32, #tpu.memory_space<vmem_shared>>
    %dma_wait3A_155 = arith.constant 0 : i32
    %dma_wait3A_156 = tpu.memref_slice %arg15[%add3A_152, %dma_wait3A_155] : memref<10240x128xf32, #tpu.memory_space<vmem_shared>> -> memref<40x128xf32, #tpu.memory_space<vmem_shared>>
    tpu.wait_dma2 semaphore(%arg14 : memref<!tpu.dma_semaphore, #tpu.memory_space<semaphore_mem>>) src(%arg11 : memref<40x128xf32, #tpu.memory_space<vmem>>) dst(%dma_wait3A_156 : memref<40x128xf32, #tpu.memory_space<vmem_shared>>)
    %mul3A_157 = arith.constant 640 : i32
    %mul3A_158 = arith.muli %arg1, %mul3A_157 : i32
    %add3A_159 = arith.constant 80 : i32
    %add3A_160 = arith.addi %mul3A_158, %add3A_159 : i32
    %dma_wait3A_161 = arith.constant 0 : i32
    %dma_wait3A_162 = tpu.memref_slice %arg15[%add3A_160, %dma_wait3A_161] : memref<10240x128xf32, #tpu.memory_space<vmem_shared>> -> memref<40x128xf32, #tpu.memory_space<vmem_shared>>
    %dma_wait3A_163 = arith.constant 0 : i32
    %dma_wait3A_164 = tpu.memref_slice %arg15[%add3A_160, %dma_wait3A_163] : memref<10240x128xf32, #tpu.memory_space<vmem_shared>> -> memref<40x128xf32, #tpu.memory_space<vmem_shared>>
    tpu.wait_dma2 semaphore(%arg14 : memref<!tpu.dma_semaphore, #tpu.memory_space<semaphore_mem>>) src(%arg11 : memref<40x128xf32, #tpu.memory_space<vmem>>) dst(%dma_wait3A_164 : memref<40x128xf32, #tpu.memory_space<vmem_shared>>)
    %mul3A_165 = arith.constant 640 : i32
    %mul3A_166 = arith.muli %arg1, %mul3A_165 : i32
    %add3A_167 = arith.constant 120 : i32
    %add3A_168 = arith.addi %mul3A_166, %add3A_167 : i32
    %dma_wait3A_169 = arith.constant 0 : i32
    %dma_wait3A_170 = tpu.memref_slice %arg15[%add3A_168, %dma_wait3A_169] : memref<10240x128xf32, #tpu.memory_space<vmem_shared>> -> memref<40x128xf32, #tpu.memory_space<vmem_shared>>
    %dma_wait3A_171 = arith.constant 0 : i32
    %dma_wait3A_172 = tpu.memref_slice %arg15[%add3A_168, %dma_wait3A_171] : memref<10240x128xf32, #tpu.memory_space<vmem_shared>> -> memref<40x128xf32, #tpu.memory_space<vmem_shared>>
    tpu.wait_dma2 semaphore(%arg14 : memref<!tpu.dma_semaphore, #tpu.memory_space<semaphore_mem>>) src(%arg11 : memref<40x128xf32, #tpu.memory_space<vmem>>) dst(%dma_wait3A_172 : memref<40x128xf32, #tpu.memory_space<vmem_shared>>)
    %mul3A_173 = arith.constant 640 : i32
    %mul3A_174 = arith.muli %arg1, %mul3A_173 : i32
    %add3A_175 = arith.constant 160 : i32
    %add3A_176 = arith.addi %mul3A_174, %add3A_175 : i32
    %dma_wait3A_177 = arith.constant 0 : i32
    %dma_wait3A_178 = tpu.memref_slice %arg15[%add3A_176, %dma_wait3A_177] : memref<10240x128xf32, #tpu.memory_space<vmem_shared>> -> memref<40x128xf32, #tpu.memory_space<vmem_shared>>
    %dma_wait3A_179 = arith.constant 0 : i32
    %dma_wait3A_180 = tpu.memref_slice %arg15[%add3A_176, %dma_wait3A_179] : memref<10240x128xf32, #tpu.memory_space<vmem_shared>> -> memref<40x128xf32, #tpu.memory_space<vmem_shared>>
    tpu.wait_dma2 semaphore(%arg14 : memref<!tpu.dma_semaphore, #tpu.memory_space<semaphore_mem>>) src(%arg11 : memref<40x128xf32, #tpu.memory_space<vmem>>) dst(%dma_wait3A_180 : memref<40x128xf32, #tpu.memory_space<vmem_shared>>)
    %mul3A_181 = arith.constant 640 : i32
    %mul3A_182 = arith.muli %arg1, %mul3A_181 : i32
    %add3A_183 = arith.constant 200 : i32
    %add3A_184 = arith.addi %mul3A_182, %add3A_183 : i32
    %dma_wait3A_185 = arith.constant 0 : i32
    %dma_wait3A_186 = tpu.memref_slice %arg15[%add3A_184, %dma_wait3A_185] : memref<10240x128xf32, #tpu.memory_space<vmem_shared>> -> memref<40x128xf32, #tpu.memory_space<vmem_shared>>
    %dma_wait3A_187 = arith.constant 0 : i32
    %dma_wait3A_188 = tpu.memref_slice %arg15[%add3A_184, %dma_wait3A_187] : memref<10240x128xf32, #tpu.memory_space<vmem_shared>> -> memref<40x128xf32, #tpu.memory_space<vmem_shared>>
    tpu.wait_dma2 semaphore(%arg14 : memref<!tpu.dma_semaphore, #tpu.memory_space<semaphore_mem>>) src(%arg11 : memref<40x128xf32, #tpu.memory_space<vmem>>) dst(%dma_wait3A_188 : memref<40x128xf32, #tpu.memory_space<vmem_shared>>)
    %mul3A_189 = arith.constant 640 : i32
    %mul3A_190 = arith.muli %arg1, %mul3A_189 : i32
    %add3A_191 = arith.constant 240 : i32
    %add3A_192 = arith.addi %mul3A_190, %add3A_191 : i32
    %dma_wait3A_193 = arith.constant 0 : i32
    %dma_wait3A_194 = tpu.memref_slice %arg15[%add3A_192, %dma_wait3A_193] : memref<10240x128xf32, #tpu.memory_space<vmem_shared>> -> memref<40x128xf32, #tpu.memory_space<vmem_shared>>
    %dma_wait3A_195 = arith.constant 0 : i32
    %dma_wait3A_196 = tpu.memref_slice %arg15[%add3A_192, %dma_wait3A_195] : memref<10240x128xf32, #tpu.memory_space<vmem_shared>> -> memref<40x128xf32, #tpu.memory_space<vmem_shared>>
    tpu.wait_dma2 semaphore(%arg14 : memref<!tpu.dma_semaphore, #tpu.memory_space<semaphore_mem>>) src(%arg11 : memref<40x128xf32, #tpu.memory_space<vmem>>) dst(%dma_wait3A_196 : memref<40x128xf32, #tpu.memory_space<vmem_shared>>)
    %mul3A_197 = arith.constant 640 : i32
    %mul3A_198 = arith.muli %arg1, %mul3A_197 : i32
    %add3A_199 = arith.constant 280 : i32
    %add3A_200 = arith.addi %mul3A_198, %add3A_199 : i32
    %dma_wait3A_201 = arith.constant 0 : i32
    %dma_wait3A_202 = tpu.memref_slice %arg15[%add3A_200, %dma_wait3A_201] : memref<10240x128xf32, #tpu.memory_space<vmem_shared>> -> memref<40x128xf32, #tpu.memory_space<vmem_shared>>
    %dma_wait3A_203 = arith.constant 0 : i32
    %dma_wait3A_204 = tpu.memref_slice %arg15[%add3A_200, %dma_wait3A_203] : memref<10240x128xf32, #tpu.memory_space<vmem_shared>> -> memref<40x128xf32, #tpu.memory_space<vmem_shared>>
    tpu.wait_dma2 semaphore(%arg14 : memref<!tpu.dma_semaphore, #tpu.memory_space<semaphore_mem>>) src(%arg11 : memref<40x128xf32, #tpu.memory_space<vmem>>) dst(%dma_wait3A_204 : memref<40x128xf32, #tpu.memory_space<vmem_shared>>)
    %mul3A_205 = arith.constant 640 : i32
    %mul3A_206 = arith.muli %arg1, %mul3A_205 : i32
    %add3A_207 = arith.constant 320 : i32
    %add3A_208 = arith.addi %mul3A_206, %add3A_207 : i32
    %dma_wait3A_209 = arith.constant 0 : i32
    %dma_wait3A_210 = tpu.memref_slice %arg15[%add3A_208, %dma_wait3A_209] : memref<10240x128xf32, #tpu.memory_space<vmem_shared>> -> memref<40x128xf32, #tpu.memory_space<vmem_shared>>
    %dma_wait3A_211 = arith.constant 0 : i32
    %dma_wait3A_212 = tpu.memref_slice %arg15[%add3A_208, %dma_wait3A_211] : memref<10240x128xf32, #tpu.memory_space<vmem_shared>> -> memref<40x128xf32, #tpu.memory_space<vmem_shared>>
    tpu.wait_dma2 semaphore(%arg14 : memref<!tpu.dma_semaphore, #tpu.memory_space<semaphore_mem>>) src(%arg11 : memref<40x128xf32, #tpu.memory_space<vmem>>) dst(%dma_wait3A_212 : memref<40x128xf32, #tpu.memory_space<vmem_shared>>)
    %mul3A_213 = arith.constant 640 : i32
    %mul3A_214 = arith.muli %arg1, %mul3A_213 : i32
    %add3A_215 = arith.constant 360 : i32
    %add3A_216 = arith.addi %mul3A_214, %add3A_215 : i32
    %dma_wait3A_217 = arith.constant 0 : i32
    %dma_wait3A_218 = tpu.memref_slice %arg15[%add3A_216, %dma_wait3A_217] : memref<10240x128xf32, #tpu.memory_space<vmem_shared>> -> memref<40x128xf32, #tpu.memory_space<vmem_shared>>
    %dma_wait3A_219 = arith.constant 0 : i32
    %dma_wait3A_220 = tpu.memref_slice %arg15[%add3A_216, %dma_wait3A_219] : memref<10240x128xf32, #tpu.memory_space<vmem_shared>> -> memref<40x128xf32, #tpu.memory_space<vmem_shared>>
    tpu.wait_dma2 semaphore(%arg14 : memref<!tpu.dma_semaphore, #tpu.memory_space<semaphore_mem>>) src(%arg11 : memref<40x128xf32, #tpu.memory_space<vmem>>) dst(%dma_wait3A_220 : memref<40x128xf32, #tpu.memory_space<vmem_shared>>)
    %mul3A_221 = arith.constant 640 : i32
    %mul3A_222 = arith.muli %arg1, %mul3A_221 : i32
    %add3A_223 = arith.constant 400 : i32
    %add3A_224 = arith.addi %mul3A_222, %add3A_223 : i32
    %dma_wait3A_225 = arith.constant 0 : i32
    %dma_wait3A_226 = tpu.memref_slice %arg15[%add3A_224, %dma_wait3A_225] : memref<10240x128xf32, #tpu.memory_space<vmem_shared>> -> memref<40x128xf32, #tpu.memory_space<vmem_shared>>
    %dma_wait3A_227 = arith.constant 0 : i32
    %dma_wait3A_228 = tpu.memref_slice %arg15[%add3A_224, %dma_wait3A_227] : memref<10240x128xf32, #tpu.memory_space<vmem_shared>> -> memref<40x128xf32, #tpu.memory_space<vmem_shared>>
    tpu.wait_dma2 semaphore(%arg14 : memref<!tpu.dma_semaphore, #tpu.memory_space<semaphore_mem>>) src(%arg11 : memref<40x128xf32, #tpu.memory_space<vmem>>) dst(%dma_wait3A_228 : memref<40x128xf32, #tpu.memory_space<vmem_shared>>)
    %mul3A_229 = arith.constant 640 : i32
    %mul3A_230 = arith.muli %arg1, %mul3A_229 : i32
    %add3A_231 = arith.constant 440 : i32
    %add3A_232 = arith.addi %mul3A_230, %add3A_231 : i32
    %dma_wait3A_233 = arith.constant 0 : i32
    %dma_wait3A_234 = tpu.memref_slice %arg15[%add3A_232, %dma_wait3A_233] : memref<10240x128xf32, #tpu.memory_space<vmem_shared>> -> memref<40x128xf32, #tpu.memory_space<vmem_shared>>
    %dma_wait3A_235 = arith.constant 0 : i32
    %dma_wait3A_236 = tpu.memref_slice %arg15[%add3A_232, %dma_wait3A_235] : memref<10240x128xf32, #tpu.memory_space<vmem_shared>> -> memref<40x128xf32, #tpu.memory_space<vmem_shared>>
    tpu.wait_dma2 semaphore(%arg14 : memref<!tpu.dma_semaphore, #tpu.memory_space<semaphore_mem>>) src(%arg11 : memref<40x128xf32, #tpu.memory_space<vmem>>) dst(%dma_wait3A_236 : memref<40x128xf32, #tpu.memory_space<vmem_shared>>)
    %mul3A_237 = arith.constant 640 : i32
    %mul3A_238 = arith.muli %arg1, %mul3A_237 : i32
    %add3A_239 = arith.constant 480 : i32
    %add3A_240 = arith.addi %mul3A_238, %add3A_239 : i32
    %dma_wait3A_241 = arith.constant 0 : i32
    %dma_wait3A_242 = tpu.memref_slice %arg15[%add3A_240, %dma_wait3A_241] : memref<10240x128xf32, #tpu.memory_space<vmem_shared>> -> memref<40x128xf32, #tpu.memory_space<vmem_shared>>
    %dma_wait3A_243 = arith.constant 0 : i32
    %dma_wait3A_244 = tpu.memref_slice %arg15[%add3A_240, %dma_wait3A_243] : memref<10240x128xf32, #tpu.memory_space<vmem_shared>> -> memref<40x128xf32, #tpu.memory_space<vmem_shared>>
    tpu.wait_dma2 semaphore(%arg14 : memref<!tpu.dma_semaphore, #tpu.memory_space<semaphore_mem>>) src(%arg11 : memref<40x128xf32, #tpu.memory_space<vmem>>) dst(%dma_wait3A_244 : memref<40x128xf32, #tpu.memory_space<vmem_shared>>)
    %mul3A_245 = arith.constant 640 : i32
    %mul3A_246 = arith.muli %arg1, %mul3A_245 : i32
    %add3A_247 = arith.constant 520 : i32
    %add3A_248 = arith.addi %mul3A_246, %add3A_247 : i32
    %dma_wait3A_249 = arith.constant 0 : i32
    %dma_wait3A_250 = tpu.memref_slice %arg15[%add3A_248, %dma_wait3A_249] : memref<10240x128xf32, #tpu.memory_space<vmem_shared>> -> memref<40x128xf32, #tpu.memory_space<vmem_shared>>
    %dma_wait3A_251 = arith.constant 0 : i32
    %dma_wait3A_252 = tpu.memref_slice %arg15[%add3A_248, %dma_wait3A_251] : memref<10240x128xf32, #tpu.memory_space<vmem_shared>> -> memref<40x128xf32, #tpu.memory_space<vmem_shared>>
    tpu.wait_dma2 semaphore(%arg14 : memref<!tpu.dma_semaphore, #tpu.memory_space<semaphore_mem>>) src(%arg11 : memref<40x128xf32, #tpu.memory_space<vmem>>) dst(%dma_wait3A_252 : memref<40x128xf32, #tpu.memory_space<vmem_shared>>)
    %mul3A_253 = arith.constant 640 : i32
    %mul3A_254 = arith.muli %arg1, %mul3A_253 : i32
    %add3A_255 = arith.constant 560 : i32
    %add3A_256 = arith.addi %mul3A_254, %add3A_255 : i32
    %dma_wait3A_257 = arith.constant 0 : i32
    %dma_wait3A_258 = tpu.memref_slice %arg15[%add3A_256, %dma_wait3A_257] : memref<10240x128xf32, #tpu.memory_space<vmem_shared>> -> memref<40x128xf32, #tpu.memory_space<vmem_shared>>
    %dma_wait3A_259 = arith.constant 0 : i32
    %dma_wait3A_260 = tpu.memref_slice %arg15[%add3A_256, %dma_wait3A_259] : memref<10240x128xf32, #tpu.memory_space<vmem_shared>> -> memref<40x128xf32, #tpu.memory_space<vmem_shared>>
    tpu.wait_dma2 semaphore(%arg14 : memref<!tpu.dma_semaphore, #tpu.memory_space<semaphore_mem>>) src(%arg11 : memref<40x128xf32, #tpu.memory_space<vmem>>) dst(%dma_wait3A_260 : memref<40x128xf32, #tpu.memory_space<vmem_shared>>)
    %mul3A_261 = arith.constant 640 : i32
    %mul3A_262 = arith.muli %arg1, %mul3A_261 : i32
    %add3A_263 = arith.constant 600 : i32
    %add3A_264 = arith.addi %mul3A_262, %add3A_263 : i32
    %dma_wait3A_265 = arith.constant 0 : i32
    %dma_wait3A_266 = tpu.memref_slice %arg15[%add3A_264, %dma_wait3A_265] : memref<10240x128xf32, #tpu.memory_space<vmem_shared>> -> memref<40x128xf32, #tpu.memory_space<vmem_shared>>
    %dma_wait3A_267 = arith.constant 0 : i32
    %dma_wait3A_268 = tpu.memref_slice %arg15[%add3A_264, %dma_wait3A_267] : memref<10240x128xf32, #tpu.memory_space<vmem_shared>> -> memref<40x128xf32, #tpu.memory_space<vmem_shared>>
    tpu.wait_dma2 semaphore(%arg14 : memref<!tpu.dma_semaphore, #tpu.memory_space<semaphore_mem>>) src(%arg11 : memref<40x128xf32, #tpu.memory_space<vmem>>) dst(%dma_wait3A_268 : memref<40x128xf32, #tpu.memory_space<vmem_shared>>)
    %barrier3A = arith.constant 0 : index
    tpu.barrier barrier_id(%barrier3A)
    %scan3A = arith.constant 0 : i32
    %scan3A_269 = arith.constant 0 : i32
    %scan3A_270 = arith.constant 62 : i32
    %scan3A_271 = arith.addi %scan3A_269, %scan3A_270 : i32
    %scan3A_272 = arith.constant 1 : i32
    scf.for %scan3A_490 = %scan3A_269 to %scan3A_271 step %scan3A_272  : i32 {
      %mul3A_491 = arith.constant 2 : i32
      %mul3A_492 = arith.muli %mul3A_491, %scan3A_490 : i32
      %add3A_493 = arith.constant 1 : i32
      %add3A_494 = arith.addi %mul3A_492, %add3A_493 : i32
      %dma_wait3A_495 = arith.constant 0 : i32
      %dma_wait3A_496 = tpu.memref_slice %arg7[%mul3A_492, %dma_wait3A_495] : memref<125x80xi32, #tpu.memory_space<vmem>> -> memref<1x80xi32, #tpu.memory_space<vmem>>
      %dma_wait3A_497 = tpu.memref_squeeze %dma_wait3A_496 : memref<1x80xi32, #tpu.memory_space<vmem>> -> memref<80xi32, #tpu.memory_space<vmem>>
      %dma_wait3A_498 = arith.constant 0 : i32
      %dma_wait3A_499 = arith.constant 0 : i32
      %dma_wait3A_500 = tpu.memref_slice %arg2[%dma_wait3A_498, %dma_wait3A_499] : memref<10000x128xf32, #tpu.memory_space<hbm>> -> memref<10000x128xf32, #tpu.memory_space<hbm>>
      tpu.wait_indirect_dma semaphore(%arg12 : memref<!tpu.dma_semaphore, #tpu.memory_space<semaphore_mem>>) src(%dma_wait3A_500 : memref<10000x128xf32, #tpu.memory_space<hbm>>) dst(%arg9 : memref<80x128xf32, #tpu.memory_space<vmem>>)
      "tpu.region"() ({
        %run_scoped3A_519 = tpu.sem_alloc : memref<!tpu.dma_semaphore, #tpu.memory_space<semaphore_mem>>
        %dma_start3A_520 = arith.constant 0 : i32
        %dma_start3A_521 = tpu.memref_slice %arg8[%mul3A_492, %dma_start3A_520] : memref<125x80xi32, #tpu.memory_space<vmem>> -> memref<1x80xi32, #tpu.memory_space<vmem>>
        %dma_start3A_522 = tpu.memref_squeeze %dma_start3A_521 : memref<1x80xi32, #tpu.memory_space<vmem>> -> memref<80xi32, #tpu.memory_space<vmem>>
        %dma_start3A_523 = arith.constant 0 : i32
        %dma_start3A_524 = arith.constant 0 : i32
        %dma_start3A_525 = tpu.memref_slice %arg15[%dma_start3A_523, %dma_start3A_524] : memref<10240x128xf32, #tpu.memory_space<vmem_shared>> -> memref<10240x128xf32, #tpu.memory_space<vmem_shared>>
        tpu.enqueue_indirect_dma source(%arg9 : memref<80x128xf32, #tpu.memory_space<vmem>>) target(%dma_start3A_525 : memref<10240x128xf32, #tpu.memory_space<vmem_shared>>) offsets(%dma_start3A_522 : memref<80xi32, #tpu.memory_space<vmem>>) semaphore(%run_scoped3A_519 : memref<!tpu.dma_semaphore, #tpu.memory_space<semaphore_mem>>) {add = true}
        %dma_wait3A_526 = arith.constant 0 : i32
        %dma_wait3A_527 = tpu.memref_slice %arg8[%mul3A_492, %dma_wait3A_526] : memref<125x80xi32, #tpu.memory_space<vmem>> -> memref<1x80xi32, #tpu.memory_space<vmem>>
        %dma_wait3A_528 = tpu.memref_squeeze %dma_wait3A_527 : memref<1x80xi32, #tpu.memory_space<vmem>> -> memref<80xi32, #tpu.memory_space<vmem>>
        %dma_wait3A_529 = arith.constant 0 : i32
        %dma_wait3A_530 = arith.constant 0 : i32
        %dma_wait3A_531 = tpu.memref_slice %arg15[%dma_wait3A_529, %dma_wait3A_530] : memref<10240x128xf32, #tpu.memory_space<vmem_shared>> -> memref<10240x128xf32, #tpu.memory_space<vmem_shared>>
        tpu.wait_indirect_dma semaphore(%run_scoped3A_519 : memref<!tpu.dma_semaphore, #tpu.memory_space<semaphore_mem>>) src(%arg9 : memref<80x128xf32, #tpu.memory_space<vmem>>) dst(%dma_wait3A_531 : memref<10240x128xf32, #tpu.memory_space<vmem_shared>>)
        tpu.yield
      }) : () -> ()
      %add3A_501 = arith.constant 2 : i32
      %add3A_502 = arith.addi %mul3A_492, %add3A_501 : i32
      %dma_start3A_503 = arith.constant 0 : i32
      %dma_start3A_504 = tpu.memref_slice %arg7[%add3A_502, %dma_start3A_503] : memref<125x80xi32, #tpu.memory_space<vmem>> -> memref<1x80xi32, #tpu.memory_space<vmem>>
      %dma_start3A_505 = tpu.memref_squeeze %dma_start3A_504 : memref<1x80xi32, #tpu.memory_space<vmem>> -> memref<80xi32, #tpu.memory_space<vmem>>
      %dma_start3A_506 = arith.constant 0 : i32
      %dma_start3A_507 = arith.constant 0 : i32
      %dma_start3A_508 = tpu.memref_slice %arg2[%dma_start3A_506, %dma_start3A_507] : memref<10000x128xf32, #tpu.memory_space<hbm>> -> memref<10000x128xf32, #tpu.memory_space<hbm>>
      tpu.enqueue_indirect_dma source(%dma_start3A_508 : memref<10000x128xf32, #tpu.memory_space<hbm>>) target(%arg9 : memref<80x128xf32, #tpu.memory_space<vmem>>) offsets(%dma_start3A_505 : memref<80xi32, #tpu.memory_space<vmem>>) semaphore(%arg12 : memref<!tpu.dma_semaphore, #tpu.memory_space<semaphore_mem>>)
      %dma_wait3A_509 = arith.constant 0 : i32
      %dma_wait3A_510 = tpu.memref_slice %arg7[%add3A_494, %dma_wait3A_509] : memref<125x80xi32, #tpu.memory_space<vmem>> -> memref<1x80xi32, #tpu.memory_space<vmem>>
      %dma_wait3A_511 = tpu.memref_squeeze %dma_wait3A_510 : memref<1x80xi32, #tpu.memory_space<vmem>> -> memref<80xi32, #tpu.memory_space<vmem>>
      %dma_wait3A_512 = arith.constant 0 : i32
      %dma_wait3A_513 = arith.constant 0 : i32
      %dma_wait3A_514 = tpu.memref_slice %arg2[%dma_wait3A_512, %dma_wait3A_513] : memref<10000x128xf32, #tpu.memory_space<hbm>> -> memref<10000x128xf32, #tpu.memory_space<hbm>>
      tpu.wait_indirect_dma semaphore(%arg13 : memref<!tpu.dma_semaphore, #tpu.memory_space<semaphore_mem>>) src(%dma_wait3A_514 : memref<10000x128xf32, #tpu.memory_space<hbm>>) dst(%arg10 : memref<80x128xf32, #tpu.memory_space<vmem>>)
      "tpu.region"() ({
        %run_scoped3A_519 = tpu.sem_alloc : memref<!tpu.dma_semaphore, #tpu.memory_space<semaphore_mem>>
        %dma_start3A_520 = arith.constant 0 : i32
        %dma_start3A_521 = tpu.memref_slice %arg8[%add3A_494, %dma_start3A_520] : memref<125x80xi32, #tpu.memory_space<vmem>> -> memref<1x80xi32, #tpu.memory_space<vmem>>
        %dma_start3A_522 = tpu.memref_squeeze %dma_start3A_521 : memref<1x80xi32, #tpu.memory_space<vmem>> -> memref<80xi32, #tpu.memory_space<vmem>>
        %dma_start3A_523 = arith.constant 0 : i32
        %dma_start3A_524 = arith.constant 0 : i32
        %dma_start3A_525 = tpu.memref_slice %arg15[%dma_start3A_523, %dma_start3A_524] : memref<10240x128xf32, #tpu.memory_space<vmem_shared>> -> memref<10240x128xf32, #tpu.memory_space<vmem_shared>>
        tpu.enqueue_indirect_dma source(%arg10 : memref<80x128xf32, #tpu.memory_space<vmem>>) target(%dma_start3A_525 : memref<10240x128xf32, #tpu.memory_space<vmem_shared>>) offsets(%dma_start3A_522 : memref<80xi32, #tpu.memory_space<vmem>>) semaphore(%run_scoped3A_519 : memref<!tpu.dma_semaphore, #tpu.memory_space<semaphore_mem>>) {add = true}
        %dma_wait3A_526 = arith.constant 0 : i32
        %dma_wait3A_527 = tpu.memref_slice %arg8[%add3A_494, %dma_wait3A_526] : memref<125x80xi32, #tpu.memory_space<vmem>> -> memref<1x80xi32, #tpu.memory_space<vmem>>
        %dma_wait3A_528 = tpu.memref_squeeze %dma_wait3A_527 : memref<1x80xi32, #tpu.memory_space<vmem>> -> memref<80xi32, #tpu.memory_space<vmem>>
        %dma_wait3A_529 = arith.constant 0 : i32
        %dma_wait3A_530 = arith.constant 0 : i32
        %dma_wait3A_531 = tpu.memref_slice %arg15[%dma_wait3A_529, %dma_wait3A_530] : memref<10240x128xf32, #tpu.memory_space<vmem_shared>> -> memref<10240x128xf32, #tpu.memory_space<vmem_shared>>
        tpu.wait_indirect_dma semaphore(%run_scoped3A_519 : memref<!tpu.dma_semaphore, #tpu.memory_space<semaphore_mem>>) src(%arg10 : memref<80x128xf32, #tpu.memory_space<vmem>>) dst(%dma_wait3A_531 : memref<10240x128xf32, #tpu.memory_space<vmem_shared>>)
        tpu.yield
      }) : () -> ()
      %add3A_515 = arith.constant 2 : i32
      %add3A_516 = arith.addi %add3A_494, %add3A_515 : i32
      %lt3A = arith.constant 125 : i32
      %lt3A_517 = arith.cmpi slt, %add3A_516, %lt3A : i32
      %convert_element_type3A = arith.extui %lt3A_517 : i1 to i32
      %cond3A = arith.constant 0 : i32
      %cond3A_518 = arith.cmpi ne, %convert_element_type3A, %cond3A : i32
      scf.if %cond3A_518 {
        %add3A_519 = arith.constant 2 : i32
        %add3A_520 = arith.addi %add3A_494, %add3A_519 : i32
        %dma_start3A_521 = arith.constant 0 : i32
        %dma_start3A_522 = tpu.memref_slice %arg7[%add3A_520, %dma_start3A_521] : memref<125x80xi32, #tpu.memory_space<vmem>> -> memref<1x80xi32, #tpu.memory_space<vmem>>
        %dma_start3A_523 = tpu.memref_squeeze %dma_start3A_522 : memref<1x80xi32, #tpu.memory_space<vmem>> -> memref<80xi32, #tpu.memory_space<vmem>>
        %dma_start3A_524 = arith.constant 0 : i32
        %dma_start3A_525 = arith.constant 0 : i32
        %dma_start3A_526 = tpu.memref_slice %arg2[%dma_start3A_524, %dma_start3A_525] : memref<10000x128xf32, #tpu.memory_space<hbm>> -> memref<10000x128xf32, #tpu.memory_space<hbm>>
        tpu.enqueue_indirect_dma source(%dma_start3A_526 : memref<10000x128xf32, #tpu.memory_space<hbm>>) target(%arg10 : memref<80x128xf32, #tpu.memory_space<vmem>>) offsets(%dma_start3A_523 : memref<80xi32, #tpu.memory_space<vmem>>) semaphore(%arg13 : memref<!tpu.dma_semaphore, #tpu.memory_space<semaphore_mem>>)
      } else {
      }
    }
    %scan3A_273 = arith.constant 62 : i32
    %dma_wait3A_274 = arith.constant 124 : i32
    %dma_wait3A_275 = arith.constant 0 : i32
    %dma_wait3A_276 = tpu.memref_slice %arg7[%dma_wait3A_274, %dma_wait3A_275] : memref<125x80xi32, #tpu.memory_space<vmem>> -> memref<1x80xi32, #tpu.memory_space<vmem>>
    %dma_wait3A_277 = tpu.memref_squeeze %dma_wait3A_276 : memref<1x80xi32, #tpu.memory_space<vmem>> -> memref<80xi32, #tpu.memory_space<vmem>>
    %dma_wait3A_278 = arith.constant 0 : i32
    %dma_wait3A_279 = arith.constant 0 : i32
    %dma_wait3A_280 = tpu.memref_slice %arg2[%dma_wait3A_278, %dma_wait3A_279] : memref<10000x128xf32, #tpu.memory_space<hbm>> -> memref<10000x128xf32, #tpu.memory_space<hbm>>
    tpu.wait_indirect_dma semaphore(%arg12 : memref<!tpu.dma_semaphore, #tpu.memory_space<semaphore_mem>>) src(%dma_wait3A_280 : memref<10000x128xf32, #tpu.memory_space<hbm>>) dst(%arg9 : memref<80x128xf32, #tpu.memory_space<vmem>>)
    %run_scoped3A = arith.constant 124 : i32
    "tpu.region"() ({
      %run_scoped3A_490 = tpu.sem_alloc : memref<!tpu.dma_semaphore, #tpu.memory_space<semaphore_mem>>
      %dma_start3A_491 = arith.constant 0 : i32
      %dma_start3A_492 = tpu.memref_slice %arg8[%run_scoped3A, %dma_start3A_491] : memref<125x80xi32, #tpu.memory_space<vmem>> -> memref<1x80xi32, #tpu.memory_space<vmem>>
      %dma_start3A_493 = tpu.memref_squeeze %dma_start3A_492 : memref<1x80xi32, #tpu.memory_space<vmem>> -> memref<80xi32, #tpu.memory_space<vmem>>
      %dma_start3A_494 = arith.constant 0 : i32
      %dma_start3A_495 = arith.constant 0 : i32
      %dma_start3A_496 = tpu.memref_slice %arg15[%dma_start3A_494, %dma_start3A_495] : memref<10240x128xf32, #tpu.memory_space<vmem_shared>> -> memref<10240x128xf32, #tpu.memory_space<vmem_shared>>
      tpu.enqueue_indirect_dma source(%arg9 : memref<80x128xf32, #tpu.memory_space<vmem>>) target(%dma_start3A_496 : memref<10240x128xf32, #tpu.memory_space<vmem_shared>>) offsets(%dma_start3A_493 : memref<80xi32, #tpu.memory_space<vmem>>) semaphore(%run_scoped3A_490 : memref<!tpu.dma_semaphore, #tpu.memory_space<semaphore_mem>>) {add = true}
      %dma_wait3A_497 = arith.constant 0 : i32
      %dma_wait3A_498 = tpu.memref_slice %arg8[%run_scoped3A, %dma_wait3A_497] : memref<125x80xi32, #tpu.memory_space<vmem>> -> memref<1x80xi32, #tpu.memory_space<vmem>>
      %dma_wait3A_499 = tpu.memref_squeeze %dma_wait3A_498 : memref<1x80xi32, #tpu.memory_space<vmem>> -> memref<80xi32, #tpu.memory_space<vmem>>
      %dma_wait3A_500 = arith.constant 0 : i32
      %dma_wait3A_501 = arith.constant 0 : i32
      %dma_wait3A_502 = tpu.memref_slice %arg15[%dma_wait3A_500, %dma_wait3A_501] : memref<10240x128xf32, #tpu.memory_space<vmem_shared>> -> memref<10240x128xf32, #tpu.memory_space<vmem_shared>>
      tpu.wait_indirect_dma semaphore(%run_scoped3A_490 : memref<!tpu.dma_semaphore, #tpu.memory_space<semaphore_mem>>) src(%arg9 : memref<80x128xf32, #tpu.memory_space<vmem>>) dst(%dma_wait3A_502 : memref<10240x128xf32, #tpu.memory_space<vmem_shared>>)
      tpu.yield
    }) : () -> ()
    %barrier3A_281 = arith.constant 0 : index
    tpu.barrier barrier_id(%barrier3A_281)
    %mul3A_282 = arith.constant 640 : i32
    %mul3A_283 = arith.muli %arg1, %mul3A_282 : i32
    %add3A_284 = arith.constant 0 : i32
    %add3A_285 = arith.addi %mul3A_283, %add3A_284 : i32
    "tpu.region"() ({
      %run_scoped3A_490 = tpu.sem_alloc : memref<!tpu.dma_semaphore, #tpu.memory_space<semaphore_mem>>
      %dma_start3A_491 = arith.constant 0 : i32
      %dma_start3A_492 = tpu.memref_slice %arg15[%add3A_285, %dma_start3A_491] : memref<10240x128xf32, #tpu.memory_space<vmem_shared>> -> memref<80x128xf32, #tpu.memory_space<vmem_shared>>
      %dma_start3A_493 = arith.constant 0 : i32
      %dma_start3A_494 = tpu.memref_slice %arg15[%add3A_285, %dma_start3A_493] : memref<10240x128xf32, #tpu.memory_space<vmem_shared>> -> memref<80x128xf32, #tpu.memory_space<vmem_shared>>
      tpu.enqueue_dma source(%dma_start3A_494 : memref<80x128xf32, #tpu.memory_space<vmem_shared>>) target(%arg9 : memref<80x128xf32, #tpu.memory_space<vmem>>) target_semaphore(%run_scoped3A_490 : memref<!tpu.dma_semaphore, #tpu.memory_space<semaphore_mem>>)
      %dma_wait3A_495 = arith.constant 0 : i32
      %dma_wait3A_496 = tpu.memref_slice %arg15[%add3A_285, %dma_wait3A_495] : memref<10240x128xf32, #tpu.memory_space<vmem_shared>> -> memref<80x128xf32, #tpu.memory_space<vmem_shared>>
      %dma_wait3A_497 = arith.constant 0 : i32
      %dma_wait3A_498 = tpu.memref_slice %arg15[%add3A_285, %dma_wait3A_497] : memref<10240x128xf32, #tpu.memory_space<vmem_shared>> -> memref<80x128xf32, #tpu.memory_space<vmem_shared>>
      tpu.wait_dma2 semaphore(%run_scoped3A_490 : memref<!tpu.dma_semaphore, #tpu.memory_space<semaphore_mem>>) src(%dma_wait3A_498 : memref<80x128xf32, #tpu.memory_space<vmem_shared>>) dst(%arg9 : memref<80x128xf32, #tpu.memory_space<vmem>>)
      tpu.yield
    }) : () -> ()
    %mul3A_286 = arith.constant 10240 : i32
    %mul3A_287 = arith.muli %arg0, %mul3A_286 : i32
    %mul3A_288 = arith.constant 640 : i32
    %mul3A_289 = arith.muli %arg1, %mul3A_288 : i32
    %add3A_290 = arith.addi %mul3A_287, %mul3A_289 : i32
    %add3A_291 = arith.constant 0 : i32
    %add3A_292 = arith.addi %add3A_290, %add3A_291 : i32
    %dma_start3A_293 = arith.constant 0 : i32
    %dma_start3A_294 = tpu.memref_slice %arg6[%add3A_292, %dma_start3A_293] : memref<20480x128xf32, #tpu.memory_space<hbm>> -> memref<80x128xf32, #tpu.memory_space<hbm>>
    %dma_start3A_295 = arith.constant 0 : i32
    %dma_start3A_296 = tpu.memref_slice %arg6[%add3A_292, %dma_start3A_295] : memref<20480x128xf32, #tpu.memory_space<hbm>> -> memref<80x128xf32, #tpu.memory_space<hbm>>
    tpu.enqueue_dma source(%arg9 : memref<80x128xf32, #tpu.memory_space<vmem>>) target(%dma_start3A_296 : memref<80x128xf32, #tpu.memory_space<hbm>>) target_semaphore(%arg12 : memref<!tpu.dma_semaphore, #tpu.memory_space<semaphore_mem>>)
    %mul3A_297 = arith.constant 640 : i32
    %mul3A_298 = arith.muli %arg1, %mul3A_297 : i32
    %add3A_299 = arith.constant 80 : i32
    %add3A_300 = arith.addi %mul3A_298, %add3A_299 : i32
    "tpu.region"() ({
      %run_scoped3A_490 = tpu.sem_alloc : memref<!tpu.dma_semaphore, #tpu.memory_space<semaphore_mem>>
      %dma_start3A_491 = arith.constant 0 : i32
      %dma_start3A_492 = tpu.memref_slice %arg15[%add3A_300, %dma_start3A_491] : memref<10240x128xf32, #tpu.memory_space<vmem_shared>> -> memref<80x128xf32, #tpu.memory_space<vmem_shared>>
      %dma_start3A_493 = arith.constant 0 : i32
      %dma_start3A_494 = tpu.memref_slice %arg15[%add3A_300, %dma_start3A_493] : memref<10240x128xf32, #tpu.memory_space<vmem_shared>> -> memref<80x128xf32, #tpu.memory_space<vmem_shared>>
      tpu.enqueue_dma source(%dma_start3A_494 : memref<80x128xf32, #tpu.memory_space<vmem_shared>>) target(%arg10 : memref<80x128xf32, #tpu.memory_space<vmem>>) target_semaphore(%run_scoped3A_490 : memref<!tpu.dma_semaphore, #tpu.memory_space<semaphore_mem>>)
      %dma_wait3A_495 = arith.constant 0 : i32
      %dma_wait3A_496 = tpu.memref_slice %arg15[%add3A_300, %dma_wait3A_495] : memref<10240x128xf32, #tpu.memory_space<vmem_shared>> -> memref<80x128xf32, #tpu.memory_space<vmem_shared>>
      %dma_wait3A_497 = arith.constant 0 : i32
      %dma_wait3A_498 = tpu.memref_slice %arg15[%add3A_300, %dma_wait3A_497] : memref<10240x128xf32, #tpu.memory_space<vmem_shared>> -> memref<80x128xf32, #tpu.memory_space<vmem_shared>>
      tpu.wait_dma2 semaphore(%run_scoped3A_490 : memref<!tpu.dma_semaphore, #tpu.memory_space<semaphore_mem>>) src(%dma_wait3A_498 : memref<80x128xf32, #tpu.memory_space<vmem_shared>>) dst(%arg10 : memref<80x128xf32, #tpu.memory_space<vmem>>)
      tpu.yield
    }) : () -> ()
    %mul3A_301 = arith.constant 10240 : i32
    %mul3A_302 = arith.muli %arg0, %mul3A_301 : i32
    %mul3A_303 = arith.constant 640 : i32
    %mul3A_304 = arith.muli %arg1, %mul3A_303 : i32
    %add3A_305 = arith.addi %mul3A_302, %mul3A_304 : i32
    %add3A_306 = arith.constant 80 : i32
    %add3A_307 = arith.addi %add3A_305, %add3A_306 : i32
    %dma_start3A_308 = arith.constant 0 : i32
    %dma_start3A_309 = tpu.memref_slice %arg6[%add3A_307, %dma_start3A_308] : memref<20480x128xf32, #tpu.memory_space<hbm>> -> memref<80x128xf32, #tpu.memory_space<hbm>>
    %dma_start3A_310 = arith.constant 0 : i32
    %dma_start3A_311 = tpu.memref_slice %arg6[%add3A_307, %dma_start3A_310] : memref<20480x128xf32, #tpu.memory_space<hbm>> -> memref<80x128xf32, #tpu.memory_space<hbm>>
    tpu.enqueue_dma source(%arg10 : memref<80x128xf32, #tpu.memory_space<vmem>>) target(%dma_start3A_311 : memref<80x128xf32, #tpu.memory_space<hbm>>) target_semaphore(%arg13 : memref<!tpu.dma_semaphore, #tpu.memory_space<semaphore_mem>>)
    %mul3A_312 = arith.constant 10240 : i32
    %mul3A_313 = arith.muli %arg0, %mul3A_312 : i32
    %mul3A_314 = arith.constant 640 : i32
    %mul3A_315 = arith.muli %arg1, %mul3A_314 : i32
    %add3A_316 = arith.addi %mul3A_313, %mul3A_315 : i32
    %add3A_317 = arith.constant 0 : i32
    %add3A_318 = arith.addi %add3A_316, %add3A_317 : i32
    %dma_wait3A_319 = arith.constant 0 : i32
    %dma_wait3A_320 = tpu.memref_slice %arg6[%add3A_318, %dma_wait3A_319] : memref<20480x128xf32, #tpu.memory_space<hbm>> -> memref<80x128xf32, #tpu.memory_space<hbm>>
    %dma_wait3A_321 = arith.constant 0 : i32
    %dma_wait3A_322 = tpu.memref_slice %arg6[%add3A_318, %dma_wait3A_321] : memref<20480x128xf32, #tpu.memory_space<hbm>> -> memref<80x128xf32, #tpu.memory_space<hbm>>
    tpu.wait_dma2 semaphore(%arg12 : memref<!tpu.dma_semaphore, #tpu.memory_space<semaphore_mem>>) src(%arg9 : memref<80x128xf32, #tpu.memory_space<vmem>>) dst(%dma_wait3A_322 : memref<80x128xf32, #tpu.memory_space<hbm>>)
    %mul3A_323 = arith.constant 640 : i32
    %mul3A_324 = arith.muli %arg1, %mul3A_323 : i32
    %add3A_325 = arith.constant 160 : i32
    %add3A_326 = arith.addi %mul3A_324, %add3A_325 : i32
    "tpu.region"() ({
      %run_scoped3A_490 = tpu.sem_alloc : memref<!tpu.dma_semaphore, #tpu.memory_space<semaphore_mem>>
      %dma_start3A_491 = arith.constant 0 : i32
      %dma_start3A_492 = tpu.memref_slice %arg15[%add3A_326, %dma_start3A_491] : memref<10240x128xf32, #tpu.memory_space<vmem_shared>> -> memref<80x128xf32, #tpu.memory_space<vmem_shared>>
      %dma_start3A_493 = arith.constant 0 : i32
      %dma_start3A_494 = tpu.memref_slice %arg15[%add3A_326, %dma_start3A_493] : memref<10240x128xf32, #tpu.memory_space<vmem_shared>> -> memref<80x128xf32, #tpu.memory_space<vmem_shared>>
      tpu.enqueue_dma source(%dma_start3A_494 : memref<80x128xf32, #tpu.memory_space<vmem_shared>>) target(%arg9 : memref<80x128xf32, #tpu.memory_space<vmem>>) target_semaphore(%run_scoped3A_490 : memref<!tpu.dma_semaphore, #tpu.memory_space<semaphore_mem>>)
      %dma_wait3A_495 = arith.constant 0 : i32
      %dma_wait3A_496 = tpu.memref_slice %arg15[%add3A_326, %dma_wait3A_495] : memref<10240x128xf32, #tpu.memory_space<vmem_shared>> -> memref<80x128xf32, #tpu.memory_space<vmem_shared>>
      %dma_wait3A_497 = arith.constant 0 : i32
      %dma_wait3A_498 = tpu.memref_slice %arg15[%add3A_326, %dma_wait3A_497] : memref<10240x128xf32, #tpu.memory_space<vmem_shared>> -> memref<80x128xf32, #tpu.memory_space<vmem_shared>>
      tpu.wait_dma2 semaphore(%run_scoped3A_490 : memref<!tpu.dma_semaphore, #tpu.memory_space<semaphore_mem>>) src(%dma_wait3A_498 : memref<80x128xf32, #tpu.memory_space<vmem_shared>>) dst(%arg9 : memref<80x128xf32, #tpu.memory_space<vmem>>)
      tpu.yield
    }) : () -> ()
    %mul3A_327 = arith.constant 10240 : i32
    %mul3A_328 = arith.muli %arg0, %mul3A_327 : i32
    %mul3A_329 = arith.constant 640 : i32
    %mul3A_330 = arith.muli %arg1, %mul3A_329 : i32
    %add3A_331 = arith.addi %mul3A_328, %mul3A_330 : i32
    %add3A_332 = arith.constant 160 : i32
    %add3A_333 = arith.addi %add3A_331, %add3A_332 : i32
    %dma_start3A_334 = arith.constant 0 : i32
    %dma_start3A_335 = tpu.memref_slice %arg6[%add3A_333, %dma_start3A_334] : memref<20480x128xf32, #tpu.memory_space<hbm>> -> memref<80x128xf32, #tpu.memory_space<hbm>>
    %dma_start3A_336 = arith.constant 0 : i32
    %dma_start3A_337 = tpu.memref_slice %arg6[%add3A_333, %dma_start3A_336] : memref<20480x128xf32, #tpu.memory_space<hbm>> -> memref<80x128xf32, #tpu.memory_space<hbm>>
    tpu.enqueue_dma source(%arg9 : memref<80x128xf32, #tpu.memory_space<vmem>>) target(%dma_start3A_337 : memref<80x128xf32, #tpu.memory_space<hbm>>) target_semaphore(%arg12 : memref<!tpu.dma_semaphore, #tpu.memory_space<semaphore_mem>>)
    %mul3A_338 = arith.constant 10240 : i32
    %mul3A_339 = arith.muli %arg0, %mul3A_338 : i32
    %mul3A_340 = arith.constant 640 : i32
    %mul3A_341 = arith.muli %arg1, %mul3A_340 : i32
    %add3A_342 = arith.addi %mul3A_339, %mul3A_341 : i32
    %add3A_343 = arith.constant 80 : i32
    %add3A_344 = arith.addi %add3A_342, %add3A_343 : i32
    %dma_wait3A_345 = arith.constant 0 : i32
    %dma_wait3A_346 = tpu.memref_slice %arg6[%add3A_344, %dma_wait3A_345] : memref<20480x128xf32, #tpu.memory_space<hbm>> -> memref<80x128xf32, #tpu.memory_space<hbm>>
    %dma_wait3A_347 = arith.constant 0 : i32
    %dma_wait3A_348 = tpu.memref_slice %arg6[%add3A_344, %dma_wait3A_347] : memref<20480x128xf32, #tpu.memory_space<hbm>> -> memref<80x128xf32, #tpu.memory_space<hbm>>
    tpu.wait_dma2 semaphore(%arg13 : memref<!tpu.dma_semaphore, #tpu.memory_space<semaphore_mem>>) src(%arg10 : memref<80x128xf32, #tpu.memory_space<vmem>>) dst(%dma_wait3A_348 : memref<80x128xf32, #tpu.memory_space<hbm>>)
    %mul3A_349 = arith.constant 640 : i32
    %mul3A_350 = arith.muli %arg1, %mul3A_349 : i32
    %add3A_351 = arith.constant 240 : i32
    %add3A_352 = arith.addi %mul3A_350, %add3A_351 : i32
    "tpu.region"() ({
      %run_scoped3A_490 = tpu.sem_alloc : memref<!tpu.dma_semaphore, #tpu.memory_space<semaphore_mem>>
      %dma_start3A_491 = arith.constant 0 : i32
      %dma_start3A_492 = tpu.memref_slice %arg15[%add3A_352, %dma_start3A_491] : memref<10240x128xf32, #tpu.memory_space<vmem_shared>> -> memref<80x128xf32, #tpu.memory_space<vmem_shared>>
      %dma_start3A_493 = arith.constant 0 : i32
      %dma_start3A_494 = tpu.memref_slice %arg15[%add3A_352, %dma_start3A_493] : memref<10240x128xf32, #tpu.memory_space<vmem_shared>> -> memref<80x128xf32, #tpu.memory_space<vmem_shared>>
      tpu.enqueue_dma source(%dma_start3A_494 : memref<80x128xf32, #tpu.memory_space<vmem_shared>>) target(%arg10 : memref<80x128xf32, #tpu.memory_space<vmem>>) target_semaphore(%run_scoped3A_490 : memref<!tpu.dma_semaphore, #tpu.memory_space<semaphore_mem>>)
      %dma_wait3A_495 = arith.constant 0 : i32
      %dma_wait3A_496 = tpu.memref_slice %arg15[%add3A_352, %dma_wait3A_495] : memref<10240x128xf32, #tpu.memory_space<vmem_shared>> -> memref<80x128xf32, #tpu.memory_space<vmem_shared>>
      %dma_wait3A_497 = arith.constant 0 : i32
      %dma_wait3A_498 = tpu.memref_slice %arg15[%add3A_352, %dma_wait3A_497] : memref<10240x128xf32, #tpu.memory_space<vmem_shared>> -> memref<80x128xf32, #tpu.memory_space<vmem_shared>>
      tpu.wait_dma2 semaphore(%run_scoped3A_490 : memref<!tpu.dma_semaphore, #tpu.memory_space<semaphore_mem>>) src(%dma_wait3A_498 : memref<80x128xf32, #tpu.memory_space<vmem_shared>>) dst(%arg10 : memref<80x128xf32, #tpu.memory_space<vmem>>)
      tpu.yield
    }) : () -> ()
    %mul3A_353 = arith.constant 10240 : i32
    %mul3A_354 = arith.muli %arg0, %mul3A_353 : i32
    %mul3A_355 = arith.constant 640 : i32
    %mul3A_356 = arith.muli %arg1, %mul3A_355 : i32
    %add3A_357 = arith.addi %mul3A_354, %mul3A_356 : i32
    %add3A_358 = arith.constant 240 : i32
    %add3A_359 = arith.addi %add3A_357, %add3A_358 : i32
    %dma_start3A_360 = arith.constant 0 : i32
    %dma_start3A_361 = tpu.memref_slice %arg6[%add3A_359, %dma_start3A_360] : memref<20480x128xf32, #tpu.memory_space<hbm>> -> memref<80x128xf32, #tpu.memory_space<hbm>>
    %dma_start3A_362 = arith.constant 0 : i32
    %dma_start3A_363 = tpu.memref_slice %arg6[%add3A_359, %dma_start3A_362] : memref<20480x128xf32, #tpu.memory_space<hbm>> -> memref<80x128xf32, #tpu.memory_space<hbm>>
    tpu.enqueue_dma source(%arg10 : memref<80x128xf32, #tpu.memory_space<vmem>>) target(%dma_start3A_363 : memref<80x128xf32, #tpu.memory_space<hbm>>) target_semaphore(%arg13 : memref<!tpu.dma_semaphore, #tpu.memory_space<semaphore_mem>>)
    %mul3A_364 = arith.constant 10240 : i32
    %mul3A_365 = arith.muli %arg0, %mul3A_364 : i32
    %mul3A_366 = arith.constant 640 : i32
    %mul3A_367 = arith.muli %arg1, %mul3A_366 : i32
    %add3A_368 = arith.addi %mul3A_365, %mul3A_367 : i32
    %add3A_369 = arith.constant 160 : i32
    %add3A_370 = arith.addi %add3A_368, %add3A_369 : i32
    %dma_wait3A_371 = arith.constant 0 : i32
    %dma_wait3A_372 = tpu.memref_slice %arg6[%add3A_370, %dma_wait3A_371] : memref<20480x128xf32, #tpu.memory_space<hbm>> -> memref<80x128xf32, #tpu.memory_space<hbm>>
    %dma_wait3A_373 = arith.constant 0 : i32
    %dma_wait3A_374 = tpu.memref_slice %arg6[%add3A_370, %dma_wait3A_373] : memref<20480x128xf32, #tpu.memory_space<hbm>> -> memref<80x128xf32, #tpu.memory_space<hbm>>
    tpu.wait_dma2 semaphore(%arg12 : memref<!tpu.dma_semaphore, #tpu.memory_space<semaphore_mem>>) src(%arg9 : memref<80x128xf32, #tpu.memory_space<vmem>>) dst(%dma_wait3A_374 : memref<80x128xf32, #tpu.memory_space<hbm>>)
    %mul3A_375 = arith.constant 640 : i32
    %mul3A_376 = arith.muli %arg1, %mul3A_375 : i32
    %add3A_377 = arith.constant 320 : i32
    %add3A_378 = arith.addi %mul3A_376, %add3A_377 : i32
    "tpu.region"() ({
      %run_scoped3A_490 = tpu.sem_alloc : memref<!tpu.dma_semaphore, #tpu.memory_space<semaphore_mem>>
      %dma_start3A_491 = arith.constant 0 : i32
      %dma_start3A_492 = tpu.memref_slice %arg15[%add3A_378, %dma_start3A_491] : memref<10240x128xf32, #tpu.memory_space<vmem_shared>> -> memref<80x128xf32, #tpu.memory_space<vmem_shared>>
      %dma_start3A_493 = arith.constant 0 : i32
      %dma_start3A_494 = tpu.memref_slice %arg15[%add3A_378, %dma_start3A_493] : memref<10240x128xf32, #tpu.memory_space<vmem_shared>> -> memref<80x128xf32, #tpu.memory_space<vmem_shared>>
      tpu.enqueue_dma source(%dma_start3A_494 : memref<80x128xf32, #tpu.memory_space<vmem_shared>>) target(%arg9 : memref<80x128xf32, #tpu.memory_space<vmem>>) target_semaphore(%run_scoped3A_490 : memref<!tpu.dma_semaphore, #tpu.memory_space<semaphore_mem>>)
      %dma_wait3A_495 = arith.constant 0 : i32
      %dma_wait3A_496 = tpu.memref_slice %arg15[%add3A_378, %dma_wait3A_495] : memref<10240x128xf32, #tpu.memory_space<vmem_shared>> -> memref<80x128xf32, #tpu.memory_space<vmem_shared>>
      %dma_wait3A_497 = arith.constant 0 : i32
      %dma_wait3A_498 = tpu.memref_slice %arg15[%add3A_378, %dma_wait3A_497] : memref<10240x128xf32, #tpu.memory_space<vmem_shared>> -> memref<80x128xf32, #tpu.memory_space<vmem_shared>>
      tpu.wait_dma2 semaphore(%run_scoped3A_490 : memref<!tpu.dma_semaphore, #tpu.memory_space<semaphore_mem>>) src(%dma_wait3A_498 : memref<80x128xf32, #tpu.memory_space<vmem_shared>>) dst(%arg9 : memref<80x128xf32, #tpu.memory_space<vmem>>)
      tpu.yield
    }) : () -> ()
    %mul3A_379 = arith.constant 10240 : i32
    %mul3A_380 = arith.muli %arg0, %mul3A_379 : i32
    %mul3A_381 = arith.constant 640 : i32
    %mul3A_382 = arith.muli %arg1, %mul3A_381 : i32
    %add3A_383 = arith.addi %mul3A_380, %mul3A_382 : i32
    %add3A_384 = arith.constant 320 : i32
    %add3A_385 = arith.addi %add3A_383, %add3A_384 : i32
    %dma_start3A_386 = arith.constant 0 : i32
    %dma_start3A_387 = tpu.memref_slice %arg6[%add3A_385, %dma_start3A_386] : memref<20480x128xf32, #tpu.memory_space<hbm>> -> memref<80x128xf32, #tpu.memory_space<hbm>>
    %dma_start3A_388 = arith.constant 0 : i32
    %dma_start3A_389 = tpu.memref_slice %arg6[%add3A_385, %dma_start3A_388] : memref<20480x128xf32, #tpu.memory_space<hbm>> -> memref<80x128xf32, #tpu.memory_space<hbm>>
    tpu.enqueue_dma source(%arg9 : memref<80x128xf32, #tpu.memory_space<vmem>>) target(%dma_start3A_389 : memref<80x128xf32, #tpu.memory_space<hbm>>) target_semaphore(%arg12 : memref<!tpu.dma_semaphore, #tpu.memory_space<semaphore_mem>>)
    %mul3A_390 = arith.constant 10240 : i32
    %mul3A_391 = arith.muli %arg0, %mul3A_390 : i32
    %mul3A_392 = arith.constant 640 : i32
    %mul3A_393 = arith.muli %arg1, %mul3A_392 : i32
    %add3A_394 = arith.addi %mul3A_391, %mul3A_393 : i32
    %add3A_395 = arith.constant 240 : i32
    %add3A_396 = arith.addi %add3A_394, %add3A_395 : i32
    %dma_wait3A_397 = arith.constant 0 : i32
    %dma_wait3A_398 = tpu.memref_slice %arg6[%add3A_396, %dma_wait3A_397] : memref<20480x128xf32, #tpu.memory_space<hbm>> -> memref<80x128xf32, #tpu.memory_space<hbm>>
    %dma_wait3A_399 = arith.constant 0 : i32
    %dma_wait3A_400 = tpu.memref_slice %arg6[%add3A_396, %dma_wait3A_399] : memref<20480x128xf32, #tpu.memory_space<hbm>> -> memref<80x128xf32, #tpu.memory_space<hbm>>
    tpu.wait_dma2 semaphore(%arg13 : memref<!tpu.dma_semaphore, #tpu.memory_space<semaphore_mem>>) src(%arg10 : memref<80x128xf32, #tpu.memory_space<vmem>>) dst(%dma_wait3A_400 : memref<80x128xf32, #tpu.memory_space<hbm>>)
    %mul3A_401 = arith.constant 640 : i32
    %mul3A_402 = arith.muli %arg1, %mul3A_401 : i32
    %add3A_403 = arith.constant 400 : i32
    %add3A_404 = arith.addi %mul3A_402, %add3A_403 : i32
    "tpu.region"() ({
      %run_scoped3A_490 = tpu.sem_alloc : memref<!tpu.dma_semaphore, #tpu.memory_space<semaphore_mem>>
      %dma_start3A_491 = arith.constant 0 : i32
      %dma_start3A_492 = tpu.memref_slice %arg15[%add3A_404, %dma_start3A_491] : memref<10240x128xf32, #tpu.memory_space<vmem_shared>> -> memref<80x128xf32, #tpu.memory_space<vmem_shared>>
      %dma_start3A_493 = arith.constant 0 : i32
      %dma_start3A_494 = tpu.memref_slice %arg15[%add3A_404, %dma_start3A_493] : memref<10240x128xf32, #tpu.memory_space<vmem_shared>> -> memref<80x128xf32, #tpu.memory_space<vmem_shared>>
      tpu.enqueue_dma source(%dma_start3A_494 : memref<80x128xf32, #tpu.memory_space<vmem_shared>>) target(%arg10 : memref<80x128xf32, #tpu.memory_space<vmem>>) target_semaphore(%run_scoped3A_490 : memref<!tpu.dma_semaphore, #tpu.memory_space<semaphore_mem>>)
      %dma_wait3A_495 = arith.constant 0 : i32
      %dma_wait3A_496 = tpu.memref_slice %arg15[%add3A_404, %dma_wait3A_495] : memref<10240x128xf32, #tpu.memory_space<vmem_shared>> -> memref<80x128xf32, #tpu.memory_space<vmem_shared>>
      %dma_wait3A_497 = arith.constant 0 : i32
      %dma_wait3A_498 = tpu.memref_slice %arg15[%add3A_404, %dma_wait3A_497] : memref<10240x128xf32, #tpu.memory_space<vmem_shared>> -> memref<80x128xf32, #tpu.memory_space<vmem_shared>>
      tpu.wait_dma2 semaphore(%run_scoped3A_490 : memref<!tpu.dma_semaphore, #tpu.memory_space<semaphore_mem>>) src(%dma_wait3A_498 : memref<80x128xf32, #tpu.memory_space<vmem_shared>>) dst(%arg10 : memref<80x128xf32, #tpu.memory_space<vmem>>)
      tpu.yield
    }) : () -> ()
    %mul3A_405 = arith.constant 10240 : i32
    %mul3A_406 = arith.muli %arg0, %mul3A_405 : i32
    %mul3A_407 = arith.constant 640 : i32
    %mul3A_408 = arith.muli %arg1, %mul3A_407 : i32
    %add3A_409 = arith.addi %mul3A_406, %mul3A_408 : i32
    %add3A_410 = arith.constant 400 : i32
    %add3A_411 = arith.addi %add3A_409, %add3A_410 : i32
    %dma_start3A_412 = arith.constant 0 : i32
    %dma_start3A_413 = tpu.memref_slice %arg6[%add3A_411, %dma_start3A_412] : memref<20480x128xf32, #tpu.memory_space<hbm>> -> memref<80x128xf32, #tpu.memory_space<hbm>>
    %dma_start3A_414 = arith.constant 0 : i32
    %dma_start3A_415 = tpu.memref_slice %arg6[%add3A_411, %dma_start3A_414] : memref<20480x128xf32, #tpu.memory_space<hbm>> -> memref<80x128xf32, #tpu.memory_space<hbm>>
    tpu.enqueue_dma source(%arg10 : memref<80x128xf32, #tpu.memory_space<vmem>>) target(%dma_start3A_415 : memref<80x128xf32, #tpu.memory_space<hbm>>) target_semaphore(%arg13 : memref<!tpu.dma_semaphore, #tpu.memory_space<semaphore_mem>>)
    %mul3A_416 = arith.constant 10240 : i32
    %mul3A_417 = arith.muli %arg0, %mul3A_416 : i32
    %mul3A_418 = arith.constant 640 : i32
    %mul3A_419 = arith.muli %arg1, %mul3A_418 : i32
    %add3A_420 = arith.addi %mul3A_417, %mul3A_419 : i32
    %add3A_421 = arith.constant 320 : i32
    %add3A_422 = arith.addi %add3A_420, %add3A_421 : i32
    %dma_wait3A_423 = arith.constant 0 : i32
    %dma_wait3A_424 = tpu.memref_slice %arg6[%add3A_422, %dma_wait3A_423] : memref<20480x128xf32, #tpu.memory_space<hbm>> -> memref<80x128xf32, #tpu.memory_space<hbm>>
    %dma_wait3A_425 = arith.constant 0 : i32
    %dma_wait3A_426 = tpu.memref_slice %arg6[%add3A_422, %dma_wait3A_425] : memref<20480x128xf32, #tpu.memory_space<hbm>> -> memref<80x128xf32, #tpu.memory_space<hbm>>
    tpu.wait_dma2 semaphore(%arg12 : memref<!tpu.dma_semaphore, #tpu.memory_space<semaphore_mem>>) src(%arg9 : memref<80x128xf32, #tpu.memory_space<vmem>>) dst(%dma_wait3A_426 : memref<80x128xf32, #tpu.memory_space<hbm>>)
    %mul3A_427 = arith.constant 640 : i32
    %mul3A_428 = arith.muli %arg1, %mul3A_427 : i32
    %add3A_429 = arith.constant 480 : i32
    %add3A_430 = arith.addi %mul3A_428, %add3A_429 : i32
    "tpu.region"() ({
      %run_scoped3A_490 = tpu.sem_alloc : memref<!tpu.dma_semaphore, #tpu.memory_space<semaphore_mem>>
      %dma_start3A_491 = arith.constant 0 : i32
      %dma_start3A_492 = tpu.memref_slice %arg15[%add3A_430, %dma_start3A_491] : memref<10240x128xf32, #tpu.memory_space<vmem_shared>> -> memref<80x128xf32, #tpu.memory_space<vmem_shared>>
      %dma_start3A_493 = arith.constant 0 : i32
      %dma_start3A_494 = tpu.memref_slice %arg15[%add3A_430, %dma_start3A_493] : memref<10240x128xf32, #tpu.memory_space<vmem_shared>> -> memref<80x128xf32, #tpu.memory_space<vmem_shared>>
      tpu.enqueue_dma source(%dma_start3A_494 : memref<80x128xf32, #tpu.memory_space<vmem_shared>>) target(%arg9 : memref<80x128xf32, #tpu.memory_space<vmem>>) target_semaphore(%run_scoped3A_490 : memref<!tpu.dma_semaphore, #tpu.memory_space<semaphore_mem>>)
      %dma_wait3A_495 = arith.constant 0 : i32
      %dma_wait3A_496 = tpu.memref_slice %arg15[%add3A_430, %dma_wait3A_495] : memref<10240x128xf32, #tpu.memory_space<vmem_shared>> -> memref<80x128xf32, #tpu.memory_space<vmem_shared>>
      %dma_wait3A_497 = arith.constant 0 : i32
      %dma_wait3A_498 = tpu.memref_slice %arg15[%add3A_430, %dma_wait3A_497] : memref<10240x128xf32, #tpu.memory_space<vmem_shared>> -> memref<80x128xf32, #tpu.memory_space<vmem_shared>>
      tpu.wait_dma2 semaphore(%run_scoped3A_490 : memref<!tpu.dma_semaphore, #tpu.memory_space<semaphore_mem>>) src(%dma_wait3A_498 : memref<80x128xf32, #tpu.memory_space<vmem_shared>>) dst(%arg9 : memref<80x128xf32, #tpu.memory_space<vmem>>)
      tpu.yield
    }) : () -> ()
    %mul3A_431 = arith.constant 10240 : i32
    %mul3A_432 = arith.muli %arg0, %mul3A_431 : i32
    %mul3A_433 = arith.constant 640 : i32
    %mul3A_434 = arith.muli %arg1, %mul3A_433 : i32
    %add3A_435 = arith.addi %mul3A_432, %mul3A_434 : i32
    %add3A_436 = arith.constant 480 : i32
    %add3A_437 = arith.addi %add3A_435, %add3A_436 : i32
    %dma_start3A_438 = arith.constant 0 : i32
    %dma_start3A_439 = tpu.memref_slice %arg6[%add3A_437, %dma_start3A_438] : memref<20480x128xf32, #tpu.memory_space<hbm>> -> memref<80x128xf32, #tpu.memory_space<hbm>>
    %dma_start3A_440 = arith.constant 0 : i32
    %dma_start3A_441 = tpu.memref_slice %arg6[%add3A_437, %dma_start3A_440] : memref<20480x128xf32, #tpu.memory_space<hbm>> -> memref<80x128xf32, #tpu.memory_space<hbm>>
    tpu.enqueue_dma source(%arg9 : memref<80x128xf32, #tpu.memory_space<vmem>>) target(%dma_start3A_441 : memref<80x128xf32, #tpu.memory_space<hbm>>) target_semaphore(%arg12 : memref<!tpu.dma_semaphore, #tpu.memory_space<semaphore_mem>>)
    %mul3A_442 = arith.constant 10240 : i32
    %mul3A_443 = arith.muli %arg0, %mul3A_442 : i32
    %mul3A_444 = arith.constant 640 : i32
    %mul3A_445 = arith.muli %arg1, %mul3A_444 : i32
    %add3A_446 = arith.addi %mul3A_443, %mul3A_445 : i32
    %add3A_447 = arith.constant 400 : i32
    %add3A_448 = arith.addi %add3A_446, %add3A_447 : i32
    %dma_wait3A_449 = arith.constant 0 : i32
    %dma_wait3A_450 = tpu.memref_slice %arg6[%add3A_448, %dma_wait3A_449] : memref<20480x128xf32, #tpu.memory_space<hbm>> -> memref<80x128xf32, #tpu.memory_space<hbm>>
    %dma_wait3A_451 = arith.constant 0 : i32
    %dma_wait3A_452 = tpu.memref_slice %arg6[%add3A_448, %dma_wait3A_451] : memref<20480x128xf32, #tpu.memory_space<hbm>> -> memref<80x128xf32, #tpu.memory_space<hbm>>
    tpu.wait_dma2 semaphore(%arg13 : memref<!tpu.dma_semaphore, #tpu.memory_space<semaphore_mem>>) src(%arg10 : memref<80x128xf32, #tpu.memory_space<vmem>>) dst(%dma_wait3A_452 : memref<80x128xf32, #tpu.memory_space<hbm>>)
    %mul3A_453 = arith.constant 640 : i32
    %mul3A_454 = arith.muli %arg1, %mul3A_453 : i32
    %add3A_455 = arith.constant 560 : i32
    %add3A_456 = arith.addi %mul3A_454, %add3A_455 : i32
    "tpu.region"() ({
      %run_scoped3A_490 = tpu.sem_alloc : memref<!tpu.dma_semaphore, #tpu.memory_space<semaphore_mem>>
      %dma_start3A_491 = arith.constant 0 : i32
      %dma_start3A_492 = tpu.memref_slice %arg15[%add3A_456, %dma_start3A_491] : memref<10240x128xf32, #tpu.memory_space<vmem_shared>> -> memref<80x128xf32, #tpu.memory_space<vmem_shared>>
      %dma_start3A_493 = arith.constant 0 : i32
      %dma_start3A_494 = tpu.memref_slice %arg15[%add3A_456, %dma_start3A_493] : memref<10240x128xf32, #tpu.memory_space<vmem_shared>> -> memref<80x128xf32, #tpu.memory_space<vmem_shared>>
      tpu.enqueue_dma source(%dma_start3A_494 : memref<80x128xf32, #tpu.memory_space<vmem_shared>>) target(%arg10 : memref<80x128xf32, #tpu.memory_space<vmem>>) target_semaphore(%run_scoped3A_490 : memref<!tpu.dma_semaphore, #tpu.memory_space<semaphore_mem>>)
      %dma_wait3A_495 = arith.constant 0 : i32
      %dma_wait3A_496 = tpu.memref_slice %arg15[%add3A_456, %dma_wait3A_495] : memref<10240x128xf32, #tpu.memory_space<vmem_shared>> -> memref<80x128xf32, #tpu.memory_space<vmem_shared>>
      %dma_wait3A_497 = arith.constant 0 : i32
      %dma_wait3A_498 = tpu.memref_slice %arg15[%add3A_456, %dma_wait3A_497] : memref<10240x128xf32, #tpu.memory_space<vmem_shared>> -> memref<80x128xf32, #tpu.memory_space<vmem_shared>>
      tpu.wait_dma2 semaphore(%run_scoped3A_490 : memref<!tpu.dma_semaphore, #tpu.memory_space<semaphore_mem>>) src(%dma_wait3A_498 : memref<80x128xf32, #tpu.memory_space<vmem_shared>>) dst(%arg10 : memref<80x128xf32, #tpu.memory_space<vmem>>)
      tpu.yield
    }) : () -> ()
    %mul3A_457 = arith.constant 10240 : i32
    %mul3A_458 = arith.muli %arg0, %mul3A_457 : i32
    %mul3A_459 = arith.constant 640 : i32
    %mul3A_460 = arith.muli %arg1, %mul3A_459 : i32
    %add3A_461 = arith.addi %mul3A_458, %mul3A_460 : i32
    %add3A_462 = arith.constant 560 : i32
    %add3A_463 = arith.addi %add3A_461, %add3A_462 : i32
    %dma_start3A_464 = arith.constant 0 : i32
    %dma_start3A_465 = tpu.memref_slice %arg6[%add3A_463, %dma_start3A_464] : memref<20480x128xf32, #tpu.memory_space<hbm>> -> memref<80x128xf32, #tpu.memory_space<hbm>>
    %dma_start3A_466 = arith.constant 0 : i32
    %dma_start3A_467 = tpu.memref_slice %arg6[%add3A_463, %dma_start3A_466] : memref<20480x128xf32, #tpu.memory_space<hbm>> -> memref<80x128xf32, #tpu.memory_space<hbm>>
    tpu.enqueue_dma source(%arg10 : memref<80x128xf32, #tpu.memory_space<vmem>>) target(%dma_start3A_467 : memref<80x128xf32, #tpu.memory_space<hbm>>) target_semaphore(%arg13 : memref<!tpu.dma_semaphore, #tpu.memory_space<semaphore_mem>>)
    %mul3A_468 = arith.constant 10240 : i32
    %mul3A_469 = arith.muli %arg0, %mul3A_468 : i32
    %mul3A_470 = arith.constant 640 : i32
    %mul3A_471 = arith.muli %arg1, %mul3A_470 : i32
    %add3A_472 = arith.addi %mul3A_469, %mul3A_471 : i32
    %add3A_473 = arith.constant 480 : i32
    %add3A_474 = arith.addi %add3A_472, %add3A_473 : i32
    %dma_wait3A_475 = arith.constant 0 : i32
    %dma_wait3A_476 = tpu.memref_slice %arg6[%add3A_474, %dma_wait3A_475] : memref<20480x128xf32, #tpu.memory_space<hbm>> -> memref<80x128xf32, #tpu.memory_space<hbm>>
    %dma_wait3A_477 = arith.constant 0 : i32
    %dma_wait3A_478 = tpu.memref_slice %arg6[%add3A_474, %dma_wait3A_477] : memref<20480x128xf32, #tpu.memory_space<hbm>> -> memref<80x128xf32, #tpu.memory_space<hbm>>
    tpu.wait_dma2 semaphore(%arg12 : memref<!tpu.dma_semaphore, #tpu.memory_space<semaphore_mem>>) src(%arg9 : memref<80x128xf32, #tpu.memory_space<vmem>>) dst(%dma_wait3A_478 : memref<80x128xf32, #tpu.memory_space<hbm>>)
    %mul3A_479 = arith.constant 10240 : i32
    %mul3A_480 = arith.muli %arg0, %mul3A_479 : i32
    %mul3A_481 = arith.constant 640 : i32
    %mul3A_482 = arith.muli %arg1, %mul3A_481 : i32
    %add3A_483 = arith.addi %mul3A_480, %mul3A_482 : i32
    %add3A_484 = arith.constant 560 : i32
    %add3A_485 = arith.addi %add3A_483, %add3A_484 : i32
    %dma_wait3A_486 = arith.constant 0 : i32
    %dma_wait3A_487 = tpu.memref_slice %arg6[%add3A_485, %dma_wait3A_486] : memref<20480x128xf32, #tpu.memory_space<hbm>> -> memref<80x128xf32, #tpu.memory_space<hbm>>
    %dma_wait3A_488 = arith.constant 0 : i32
    %dma_wait3A_489 = tpu.memref_slice %arg6[%add3A_485, %dma_wait3A_488] : memref<20480x128xf32, #tpu.memory_space<hbm>> -> memref<80x128xf32, #tpu.memory_space<hbm>>
    tpu.wait_dma2 semaphore(%arg13 : memref<!tpu.dma_semaphore, #tpu.memory_space<semaphore_mem>>) src(%arg10 : memref<80x128xf32, #tpu.memory_space<vmem>>) dst(%dma_wait3A_489 : memref<80x128xf32, #tpu.memory_space<hbm>>)
    return
  }
}

#map = affine_map<(d0, d1) -> (0, 0)>
#map1 = affine_map<(d0, d1) -> (0, 0, 0)>
module attributes {stable_mosaic.version = 14 : i64} {
  func.func @body(%arg0: i32, %arg1: i32, %arg2: memref<10000x128xf32, #tpu.memory_space<hbm>>, %arg3: memref<32x125x80xi32, #tpu.memory_space<hbm>>, %arg4: memref<32x125x80xi32, #tpu.memory_space<hbm>>, %arg5: memref<40x128xf32, #tpu.memory_space<hbm>>, %arg6: memref<20480x128xf32, #tpu.memory_space<hbm>>, %arg7: memref<125x80xi32, #tpu.memory_space<vmem>>, %arg8: memref<125x80xi32, #tpu.memory_space<vmem>>, %arg9: memref<80x128xf32, #tpu.memory_space<vmem>>, %arg10: memref<80x128xf32, #tpu.memory_space<vmem>>, %arg11: memref<40x128xf32, #tpu.memory_space<vmem>>, %arg12: memref<!tpu.dma_semaphore, #tpu.memory_space<semaphore_mem>>, %arg13: memref<!tpu.dma_semaphore, #tpu.memory_space<semaphore_mem>>, %arg14: memref<!tpu.dma_semaphore, #tpu.memory_space<semaphore_mem>>, %arg15: memref<10240x128xf32, #tpu.memory_space<vmem_shared>>) attributes {dimension_semantics = [#tpu.dimension_semantics<core_parallel>, #tpu.dimension_semantics<subcore_parallel>], iteration_bounds = array<i64: 2, 16>, scalar_prefetch = 0 : i64, scratch_operands = 9 : i64, tpu.core_type = #tpu.core_type<sc_vector_subcore>, window_params = [{transform_indices = #map}, {transform_indices = #map1}, {transform_indices = #map1}, {transform_indices = #map}, {transform_indices = #map}]} {
    %mul3A = arith.constant 2 : i32
    %mul3A_0 = arith.muli %arg1, %mul3A : i32
    %add3A = arith.addi %mul3A_0, %arg0 : i32
    "tpu.region"() ({
      %run_scoped3A_490 = tpu.sem_alloc : memref<!tpu.dma_semaphore, #tpu.memory_space<semaphore_mem>>
      %dma_start3A_491 = arith.constant 0 : i32
      %dma_start3A_492 = arith.constant 0 : i32
      %dma_start3A_493 = tpu.memref_slice %arg3[%add3A, %dma_start3A_491, %dma_start3A_492] : memref<32x125x80xi32, #tpu.memory_space<hbm>> -> memref<1x125x80xi32, #tpu.memory_space<hbm>>
      %dma_start3A_494 = tpu.memref_squeeze %dma_start3A_493 : memref<1x125x80xi32, #tpu.memory_space<hbm>> -> memref<125x80xi32, #tpu.memory_space<hbm>>
      %dma_start3A_495 = arith.constant 0 : i32
      %dma_start3A_496 = arith.constant 0 : i32
      %dma_start3A_497 = tpu.memref_slice %arg3[%add3A, %dma_start3A_495, %dma_start3A_496] : memref<32x125x80xi32, #tpu.memory_space<hbm>> -> memref<1x125x80xi32, #tpu.memory_space<hbm>>
      %dma_start3A_498 = tpu.memref_squeeze %dma_start3A_497 : memref<1x125x80xi32, #tpu.memory_space<hbm>> -> memref<125x80xi32, #tpu.memory_space<hbm>>
      tpu.enqueue_dma source(%dma_start3A_498 : memref<125x80xi32, #tpu.memory_space<hbm>>) target(%arg7 : memref<125x80xi32, #tpu.memory_space<vmem>>) target_semaphore(%run_scoped3A_490 : memref<!tpu.dma_semaphore, #tpu.memory_space<semaphore_mem>>)
      %dma_wait3A_499 = arith.constant 0 : i32
      %dma_wait3A_500 = arith.constant 0 : i32
      %dma_wait3A_501 = tpu.memref_slice %arg3[%add3A, %dma_wait3A_499, %dma_wait3A_500] : memref<32x125x80xi32, #tpu.memory_space<hbm>> -> memref<1x125x80xi32, #tpu.memory_space<hbm>>
      %dma_wait3A_502 = tpu.memref_squeeze %dma_wait3A_501 : memref<1x125x80xi32, #tpu.memory_space<hbm>> -> memref<125x80xi32, #tpu.memory_space<hbm>>
      %dma_wait3A_503 = arith.constant 0 : i32
      %dma_wait3A_504 = arith.constant 0 : i32
      %dma_wait3A_505 = tpu.memref_slice %arg3[%add3A, %dma_wait3A_503, %dma_wait3A_504] : memref<32x125x80xi32, #tpu.memory_space<hbm>> -> memref<1x125x80xi32, #tpu.memory_space<hbm>>
      %dma_wait3A_506 = tpu.memref_squeeze %dma_wait3A_505 : memref<1x125x80xi32, #tpu.memory_space<hbm>> -> memref<125x80xi32, #tpu.memory_space<hbm>>
      tpu.wait_dma2 semaphore(%run_scoped3A_490 : memref<!tpu.dma_semaphore, #tpu.memory_space<semaphore_mem>>) src(%dma_wait3A_506 : memref<125x80xi32, #tpu.memory_space<hbm>>) dst(%arg7 : memref<125x80xi32, #tpu.memory_space<vmem>>)
      tpu.yield
    }) : () -> ()
    %dma_start3A = arith.constant 0 : i32
    %dma_start3A_1 = arith.constant 0 : i32
    %dma_start3A_2 = tpu.memref_slice %arg7[%dma_start3A, %dma_start3A_1] : memref<125x80xi32, #tpu.memory_space<vmem>> -> memref<1x80xi32, #tpu.memory_space<vmem>>
    %dma_start3A_3 = tpu.memref_squeeze %dma_start3A_2 : memref<1x80xi32, #tpu.memory_space<vmem>> -> memref<80xi32, #tpu.memory_space<vmem>>
    %dma_start3A_4 = arith.constant 0 : i32
    %dma_start3A_5 = arith.constant 0 : i32
    %dma_start3A_6 = tpu.memref_slice %arg2[%dma_start3A_4, %dma_start3A_5] : memref<10000x128xf32, #tpu.memory_space<hbm>> -> memref<10000x128xf32, #tpu.memory_space<hbm>>
    tpu.enqueue_indirect_dma source(%dma_start3A_6 : memref<10000x128xf32, #tpu.memory_space<hbm>>) target(%arg9 : memref<80x128xf32, #tpu.memory_space<vmem>>) offsets(%dma_start3A_3 : memref<80xi32, #tpu.memory_space<vmem>>) semaphore(%arg12 : memref<!tpu.dma_semaphore, #tpu.memory_space<semaphore_mem>>)
    %dma_start3A_7 = arith.constant 1 : i32
    %dma_start3A_8 = arith.constant 0 : i32
    %dma_start3A_9 = tpu.memref_slice %arg7[%dma_start3A_7, %dma_start3A_8] : memref<125x80xi32, #tpu.memory_space<vmem>> -> memref<1x80xi32, #tpu.memory_space<vmem>>
    %dma_start3A_10 = tpu.memref_squeeze %dma_start3A_9 : memref<1x80xi32, #tpu.memory_space<vmem>> -> memref<80xi32, #tpu.memory_space<vmem>>
    %dma_start3A_11 = arith.constant 0 : i32
    %dma_start3A_12 = arith.constant 0 : i32
    %dma_start3A_13 = tpu.memref_slice %arg2[%dma_start3A_11, %dma_start3A_12] : memref<10000x128xf32, #tpu.memory_space<hbm>> -> memref<10000x128xf32, #tpu.memory_space<hbm>>
    tpu.enqueue_indirect_dma source(%dma_start3A_13 : memref<10000x128xf32, #tpu.memory_space<hbm>>) target(%arg10 : memref<80x128xf32, #tpu.memory_space<vmem>>) offsets(%dma_start3A_10 : memref<80xi32, #tpu.memory_space<vmem>>) semaphore(%arg13 : memref<!tpu.dma_semaphore, #tpu.memory_space<semaphore_mem>>)
    "tpu.region"() ({
      %run_scoped3A_490 = tpu.sem_alloc : memref<!tpu.dma_semaphore, #tpu.memory_space<semaphore_mem>>
      %dma_start3A_491 = arith.constant 0 : i32
      %dma_start3A_492 = arith.constant 0 : i32
      %dma_start3A_493 = tpu.memref_slice %arg4[%add3A, %dma_start3A_491, %dma_start3A_492] : memref<32x125x80xi32, #tpu.memory_space<hbm>> -> memref<1x125x80xi32, #tpu.memory_space<hbm>>
      %dma_start3A_494 = tpu.memref_squeeze %dma_start3A_493 : memref<1x125x80xi32, #tpu.memory_space<hbm>> -> memref<125x80xi32, #tpu.memory_space<hbm>>
      %dma_start3A_495 = arith.constant 0 : i32
      %dma_start3A_496 = arith.constant 0 : i32
      %dma_start3A_497 = tpu.memref_slice %arg4[%add3A, %dma_start3A_495, %dma_start3A_496] : memref<32x125x80xi32, #tpu.memory_space<hbm>> -> memref<1x125x80xi32, #tpu.memory_space<hbm>>
      %dma_start3A_498 = tpu.memref_squeeze %dma_start3A_497 : memref<1x125x80xi32, #tpu.memory_space<hbm>> -> memref<125x80xi32, #tpu.memory_space<hbm>>
      tpu.enqueue_dma source(%dma_start3A_498 : memref<125x80xi32, #tpu.memory_space<hbm>>) target(%arg8 : memref<125x80xi32, #tpu.memory_space<vmem>>) target_semaphore(%run_scoped3A_490 : memref<!tpu.dma_semaphore, #tpu.memory_space<semaphore_mem>>)
      %dma_wait3A_499 = arith.constant 0 : i32
      %dma_wait3A_500 = arith.constant 0 : i32
      %dma_wait3A_501 = tpu.memref_slice %arg4[%add3A, %dma_wait3A_499, %dma_wait3A_500] : memref<32x125x80xi32, #tpu.memory_space<hbm>> -> memref<1x125x80xi32, #tpu.memory_space<hbm>>
      %dma_wait3A_502 = tpu.memref_squeeze %dma_wait3A_501 : memref<1x125x80xi32, #tpu.memory_space<hbm>> -> memref<125x80xi32, #tpu.memory_space<hbm>>
      %dma_wait3A_503 = arith.constant 0 : i32
      %dma_wait3A_504 = arith.constant 0 : i32
      %dma_wait3A_505 = tpu.memref_slice %arg4[%add3A, %dma_wait3A_503, %dma_wait3A_504] : memref<32x125x80xi32, #tpu.memory_space<hbm>> -> memref<1x125x80xi32, #tpu.memory_space<hbm>>
      %dma_wait3A_506 = tpu.memref_squeeze %dma_wait3A_505 : memref<1x125x80xi32, #tpu.memory_space<hbm>> -> memref<125x80xi32, #tpu.memory_space<hbm>>
      tpu.wait_dma2 semaphore(%run_scoped3A_490 : memref<!tpu.dma_semaphore, #tpu.memory_space<semaphore_mem>>) src(%dma_wait3A_506 : memref<125x80xi32, #tpu.memory_space<hbm>>) dst(%arg8 : memref<125x80xi32, #tpu.memory_space<vmem>>)
      tpu.yield
    }) : () -> ()
    "tpu.region"() ({
      %run_scoped3A_490 = tpu.sem_alloc : memref<!tpu.dma_semaphore, #tpu.memory_space<semaphore_mem>>
      tpu.enqueue_dma source(%arg5 : memref<40x128xf32, #tpu.memory_space<hbm>>) target(%arg11 : memref<40x128xf32, #tpu.memory_space<vmem>>) target_semaphore(%run_scoped3A_490 : memref<!tpu.dma_semaphore, #tpu.memory_space<semaphore_mem>>)
      tpu.wait_dma2 semaphore(%run_scoped3A_490 : memref<!tpu.dma_semaphore, #tpu.memory_space<semaphore_mem>>) src(%arg5 : memref<40x128xf32, #tpu.memory_space<hbm>>) dst(%arg11 : memref<40x128xf32, #tpu.memory_space<vmem>>)
      tpu.yield
    }) : () -> ()
    %mul3A_14 = arith.constant 640 : i32
    %mul3A_15 = arith.muli %arg1, %mul3A_14 : i32
    %add3A_16 = arith.constant 0 : i32
    %add3A_17 = arith.addi %mul3A_15, %add3A_16 : i32
    %dma_start3A_18 = arith.constant 0 : i32
    %dma_start3A_19 = tpu.memref_slice %arg15[%add3A_17, %dma_start3A_18] : memref<10240x128xf32, #tpu.memory_space<vmem_shared>> -> memref<40x128xf32, #tpu.memory_space<vmem_shared>>
    %dma_start3A_20 = arith.constant 0 : i32
    %dma_start3A_21 = tpu.memref_slice %arg15[%add3A_17, %dma_start3A_20] : memref<10240x128xf32, #tpu.memory_space<vmem_shared>> -> memref<40x128xf32, #tpu.memory_space<vmem_shared>>
    tpu.enqueue_dma source(%arg11 : memref<40x128xf32, #tpu.memory_space<vmem>>) target(%dma_start3A_21 : memref<40x128xf32, #tpu.memory_space<vmem_shared>>) target_semaphore(%arg14 : memref<!tpu.dma_semaphore, #tpu.memory_space<semaphore_mem>>)
    %mul3A_22 = arith.constant 640 : i32
    %mul3A_23 = arith.muli %arg1, %mul3A_22 : i32
    %add3A_24 = arith.constant 40 : i32
    %add3A_25 = arith.addi %mul3A_23, %add3A_24 : i32
    %dma_start3A_26 = arith.constant 0 : i32
    %dma_start3A_27 = tpu.memref_slice %arg15[%add3A_25, %dma_start3A_26] : memref<10240x128xf32, #tpu.memory_space<vmem_shared>> -> memref<40x128xf32, #tpu.memory_space<vmem_shared>>
    %dma_start3A_28 = arith.constant 0 : i32
    %dma_start3A_29 = tpu.memref_slice %arg15[%add3A_25, %dma_start3A_28] : memref<10240x128xf32, #tpu.memory_space<vmem_shared>> -> memref<40x128xf32, #tpu.memory_space<vmem_shared>>
    tpu.enqueue_dma source(%arg11 : memref<40x128xf32, #tpu.memory_space<vmem>>) target(%dma_start3A_29 : memref<40x128xf32, #tpu.memory_space<vmem_shared>>) target_semaphore(%arg14 : memref<!tpu.dma_semaphore, #tpu.memory_space<semaphore_mem>>)
    %mul3A_30 = arith.constant 640 : i32
    %mul3A_31 = arith.muli %arg1, %mul3A_30 : i32
    %add3A_32 = arith.constant 80 : i32
    %add3A_33 = arith.addi %mul3A_31, %add3A_32 : i32
    %dma_start3A_34 = arith.constant 0 : i32
    %dma_start3A_35 = tpu.memref_slice %arg15[%add3A_33, %dma_start3A_34] : memref<10240x128xf32, #tpu.memory_space<vmem_shared>> -> memref<40x128xf32, #tpu.memory_space<vmem_shared>>
    %dma_start3A_36 = arith.constant 0 : i32
    %dma_start3A_37 = tpu.memref_slice %arg15[%add3A_33, %dma_start3A_36] : memref<10240x128xf32, #tpu.memory_space<vmem_shared>> -> memref<40x128xf32, #tpu.memory_space<vmem_shared>>
    tpu.enqueue_dma source(%arg11 : memref<40x128xf32, #tpu.memory_space<vmem>>) target(%dma_start3A_37 : memref<40x128xf32, #tpu.memory_space<vmem_shared>>) target_semaphore(%arg14 : memref<!tpu.dma_semaphore, #tpu.memory_space<semaphore_mem>>)
    %mul3A_38 = arith.constant 640 : i32
    %mul3A_39 = arith.muli %arg1, %mul3A_38 : i32
    %add3A_40 = arith.constant 120 : i32
    %add3A_41 = arith.addi %mul3A_39, %add3A_40 : i32
    %dma_start3A_42 = arith.constant 0 : i32
    %dma_start3A_43 = tpu.memref_slice %arg15[%add3A_41, %dma_start3A_42] : memref<10240x128xf32, #tpu.memory_space<vmem_shared>> -> memref<40x128xf32, #tpu.memory_space<vmem_shared>>
    %dma_start3A_44 = arith.constant 0 : i32
    %dma_start3A_45 = tpu.memref_slice %arg15[%add3A_41, %dma_start3A_44] : memref<10240x128xf32, #tpu.memory_space<vmem_shared>> -> memref<40x128xf32, #tpu.memory_space<vmem_shared>>
    tpu.enqueue_dma source(%arg11 : memref<40x128xf32, #tpu.memory_space<vmem>>) target(%dma_start3A_45 : memref<40x128xf32, #tpu.memory_space<vmem_shared>>) target_semaphore(%arg14 : memref<!tpu.dma_semaphore, #tpu.memory_space<semaphore_mem>>)
    %mul3A_46 = arith.constant 640 : i32
    %mul3A_47 = arith.muli %arg1, %mul3A_46 : i32
    %add3A_48 = arith.constant 160 : i32
    %add3A_49 = arith.addi %mul3A_47, %add3A_48 : i32
    %dma_start3A_50 = arith.constant 0 : i32
    %dma_start3A_51 = tpu.memref_slice %arg15[%add3A_49, %dma_start3A_50] : memref<10240x128xf32, #tpu.memory_space<vmem_shared>> -> memref<40x128xf32, #tpu.memory_space<vmem_shared>>
    %dma_start3A_52 = arith.constant 0 : i32
    %dma_start3A_53 = tpu.memref_slice %arg15[%add3A_49, %dma_start3A_52] : memref<10240x128xf32, #tpu.memory_space<vmem_shared>> -> memref<40x128xf32, #tpu.memory_space<vmem_shared>>
    tpu.enqueue_dma source(%arg11 : memref<40x128xf32, #tpu.memory_space<vmem>>) target(%dma_start3A_53 : memref<40x128xf32, #tpu.memory_space<vmem_shared>>) target_semaphore(%arg14 : memref<!tpu.dma_semaphore, #tpu.memory_space<semaphore_mem>>)
    %mul3A_54 = arith.constant 640 : i32
    %mul3A_55 = arith.muli %arg1, %mul3A_54 : i32
    %add3A_56 = arith.constant 200 : i32
    %add3A_57 = arith.addi %mul3A_55, %add3A_56 : i32
    %dma_start3A_58 = arith.constant 0 : i32
    %dma_start3A_59 = tpu.memref_slice %arg15[%add3A_57, %dma_start3A_58] : memref<10240x128xf32, #tpu.memory_space<vmem_shared>> -> memref<40x128xf32, #tpu.memory_space<vmem_shared>>
    %dma_start3A_60 = arith.constant 0 : i32
    %dma_start3A_61 = tpu.memref_slice %arg15[%add3A_57, %dma_start3A_60] : memref<10240x128xf32, #tpu.memory_space<vmem_shared>> -> memref<40x128xf32, #tpu.memory_space<vmem_shared>>
    tpu.enqueue_dma source(%arg11 : memref<40x128xf32, #tpu.memory_space<vmem>>) target(%dma_start3A_61 : memref<40x128xf32, #tpu.memory_space<vmem_shared>>) target_semaphore(%arg14 : memref<!tpu.dma_semaphore, #tpu.memory_space<semaphore_mem>>)
    %mul3A_62 = arith.constant 640 : i32
    %mul3A_63 = arith.muli %arg1, %mul3A_62 : i32
    %add3A_64 = arith.constant 240 : i32
    %add3A_65 = arith.addi %mul3A_63, %add3A_64 : i32
    %dma_start3A_66 = arith.constant 0 : i32
    %dma_start3A_67 = tpu.memref_slice %arg15[%add3A_65, %dma_start3A_66] : memref<10240x128xf32, #tpu.memory_space<vmem_shared>> -> memref<40x128xf32, #tpu.memory_space<vmem_shared>>
    %dma_start3A_68 = arith.constant 0 : i32
    %dma_start3A_69 = tpu.memref_slice %arg15[%add3A_65, %dma_start3A_68] : memref<10240x128xf32, #tpu.memory_space<vmem_shared>> -> memref<40x128xf32, #tpu.memory_space<vmem_shared>>
    tpu.enqueue_dma source(%arg11 : memref<40x128xf32, #tpu.memory_space<vmem>>) target(%dma_start3A_69 : memref<40x128xf32, #tpu.memory_space<vmem_shared>>) target_semaphore(%arg14 : memref<!tpu.dma_semaphore, #tpu.memory_space<semaphore_mem>>)
    %mul3A_70 = arith.constant 640 : i32
    %mul3A_71 = arith.muli %arg1, %mul3A_70 : i32
    %add3A_72 = arith.constant 280 : i32
    %add3A_73 = arith.addi %mul3A_71, %add3A_72 : i32
    %dma_start3A_74 = arith.constant 0 : i32
    %dma_start3A_75 = tpu.memref_slice %arg15[%add3A_73, %dma_start3A_74] : memref<10240x128xf32, #tpu.memory_space<vmem_shared>> -> memref<40x128xf32, #tpu.memory_space<vmem_shared>>
    %dma_start3A_76 = arith.constant 0 : i32
    %dma_start3A_77 = tpu.memref_slice %arg15[%add3A_73, %dma_start3A_76] : memref<10240x128xf32, #tpu.memory_space<vmem_shared>> -> memref<40x128xf32, #tpu.memory_space<vmem_shared>>
    tpu.enqueue_dma source(%arg11 : memref<40x128xf32, #tpu.memory_space<vmem>>) target(%dma_start3A_77 : memref<40x128xf32, #tpu.memory_space<vmem_shared>>) target_semaphore(%arg14 : memref<!tpu.dma_semaphore, #tpu.memory_space<semaphore_mem>>)
    %mul3A_78 = arith.constant 640 : i32
    %mul3A_79 = arith.muli %arg1, %mul3A_78 : i32
    %add3A_80 = arith.constant 320 : i32
    %add3A_81 = arith.addi %mul3A_79, %add3A_80 : i32
    %dma_start3A_82 = arith.constant 0 : i32
    %dma_start3A_83 = tpu.memref_slice %arg15[%add3A_81, %dma_start3A_82] : memref<10240x128xf32, #tpu.memory_space<vmem_shared>> -> memref<40x128xf32, #tpu.memory_space<vmem_shared>>
    %dma_start3A_84 = arith.constant 0 : i32
    %dma_start3A_85 = tpu.memref_slice %arg15[%add3A_81, %dma_start3A_84] : memref<10240x128xf32, #tpu.memory_space<vmem_shared>> -> memref<40x128xf32, #tpu.memory_space<vmem_shared>>
    tpu.enqueue_dma source(%arg11 : memref<40x128xf32, #tpu.memory_space<vmem>>) target(%dma_start3A_85 : memref<40x128xf32, #tpu.memory_space<vmem_shared>>) target_semaphore(%arg14 : memref<!tpu.dma_semaphore, #tpu.memory_space<semaphore_mem>>)
    %mul3A_86 = arith.constant 640 : i32
    %mul3A_87 = arith.muli %arg1, %mul3A_86 : i32
    %add3A_88 = arith.constant 360 : i32
    %add3A_89 = arith.addi %mul3A_87, %add3A_88 : i32
    %dma_start3A_90 = arith.constant 0 : i32
    %dma_start3A_91 = tpu.memref_slice %arg15[%add3A_89, %dma_start3A_90] : memref<10240x128xf32, #tpu.memory_space<vmem_shared>> -> memref<40x128xf32, #tpu.memory_space<vmem_shared>>
    %dma_start3A_92 = arith.constant 0 : i32
    %dma_start3A_93 = tpu.memref_slice %arg15[%add3A_89, %dma_start3A_92] : memref<10240x128xf32, #tpu.memory_space<vmem_shared>> -> memref<40x128xf32, #tpu.memory_space<vmem_shared>>
    tpu.enqueue_dma source(%arg11 : memref<40x128xf32, #tpu.memory_space<vmem>>) target(%dma_start3A_93 : memref<40x128xf32, #tpu.memory_space<vmem_shared>>) target_semaphore(%arg14 : memref<!tpu.dma_semaphore, #tpu.memory_space<semaphore_mem>>)
    %mul3A_94 = arith.constant 640 : i32
    %mul3A_95 = arith.muli %arg1, %mul3A_94 : i32
    %add3A_96 = arith.constant 400 : i32
    %add3A_97 = arith.addi %mul3A_95, %add3A_96 : i32
    %dma_start3A_98 = arith.constant 0 : i32
    %dma_start3A_99 = tpu.memref_slice %arg15[%add3A_97, %dma_start3A_98] : memref<10240x128xf32, #tpu.memory_space<vmem_shared>> -> memref<40x128xf32, #tpu.memory_space<vmem_shared>>
    %dma_start3A_100 = arith.constant 0 : i32
    %dma_start3A_101 = tpu.memref_slice %arg15[%add3A_97, %dma_start3A_100] : memref<10240x128xf32, #tpu.memory_space<vmem_shared>> -> memref<40x128xf32, #tpu.memory_space<vmem_shared>>
    tpu.enqueue_dma source(%arg11 : memref<40x128xf32, #tpu.memory_space<vmem>>) target(%dma_start3A_101 : memref<40x128xf32, #tpu.memory_space<vmem_shared>>) target_semaphore(%arg14 : memref<!tpu.dma_semaphore, #tpu.memory_space<semaphore_mem>>)
    %mul3A_102 = arith.constant 640 : i32
    %mul3A_103 = arith.muli %arg1, %mul3A_102 : i32
    %add3A_104 = arith.constant 440 : i32
    %add3A_105 = arith.addi %mul3A_103, %add3A_104 : i32
    %dma_start3A_106 = arith.constant 0 : i32
    %dma_start3A_107 = tpu.memref_slice %arg15[%add3A_105, %dma_start3A_106] : memref<10240x128xf32, #tpu.memory_space<vmem_shared>> -> memref<40x128xf32, #tpu.memory_space<vmem_shared>>
    %dma_start3A_108 = arith.constant 0 : i32
    %dma_start3A_109 = tpu.memref_slice %arg15[%add3A_105, %dma_start3A_108] : memref<10240x128xf32, #tpu.memory_space<vmem_shared>> -> memref<40x128xf32, #tpu.memory_space<vmem_shared>>
    tpu.enqueue_dma source(%arg11 : memref<40x128xf32, #tpu.memory_space<vmem>>) target(%dma_start3A_109 : memref<40x128xf32, #tpu.memory_space<vmem_shared>>) target_semaphore(%arg14 : memref<!tpu.dma_semaphore, #tpu.memory_space<semaphore_mem>>)
    %mul3A_110 = arith.constant 640 : i32
    %mul3A_111 = arith.muli %arg1, %mul3A_110 : i32
    %add3A_112 = arith.constant 480 : i32
    %add3A_113 = arith.addi %mul3A_111, %add3A_112 : i32
    %dma_start3A_114 = arith.constant 0 : i32
    %dma_start3A_115 = tpu.memref_slice %arg15[%add3A_113, %dma_start3A_114] : memref<10240x128xf32, #tpu.memory_space<vmem_shared>> -> memref<40x128xf32, #tpu.memory_space<vmem_shared>>
    %dma_start3A_116 = arith.constant 0 : i32
    %dma_start3A_117 = tpu.memref_slice %arg15[%add3A_113, %dma_start3A_116] : memref<10240x128xf32, #tpu.memory_space<vmem_shared>> -> memref<40x128xf32, #tpu.memory_space<vmem_shared>>
    tpu.enqueue_dma source(%arg11 : memref<40x128xf32, #tpu.memory_space<vmem>>) target(%dma_start3A_117 : memref<40x128xf32, #tpu.memory_space<vmem_shared>>) target_semaphore(%arg14 : memref<!tpu.dma_semaphore, #tpu.memory_space<semaphore_mem>>)
    %mul3A_118 = arith.constant 640 : i32
    %mul3A_119 = arith.muli %arg1, %mul3A_118 : i32
    %add3A_120 = arith.constant 520 : i32
    %add3A_121 = arith.addi %mul3A_119, %add3A_120 : i32
    %dma_start3A_122 = arith.constant 0 : i32
    %dma_start3A_123 = tpu.memref_slice %arg15[%add3A_121, %dma_start3A_122] : memref<10240x128xf32, #tpu.memory_space<vmem_shared>> -> memref<40x128xf32, #tpu.memory_space<vmem_shared>>
    %dma_start3A_124 = arith.constant 0 : i32
    %dma_start3A_125 = tpu.memref_slice %arg15[%add3A_121, %dma_start3A_124] : memref<10240x128xf32, #tpu.memory_space<vmem_shared>> -> memref<40x128xf32, #tpu.memory_space<vmem_shared>>
    tpu.enqueue_dma source(%arg11 : memref<40x128xf32, #tpu.memory_space<vmem>>) target(%dma_start3A_125 : memref<40x128xf32, #tpu.memory_space<vmem_shared>>) target_semaphore(%arg14 : memref<!tpu.dma_semaphore, #tpu.memory_space<semaphore_mem>>)
    %mul3A_126 = arith.constant 640 : i32
    %mul3A_127 = arith.muli %arg1, %mul3A_126 : i32
    %add3A_128 = arith.constant 560 : i32
    %add3A_129 = arith.addi %mul3A_127, %add3A_128 : i32
    %dma_start3A_130 = arith.constant 0 : i32
    %dma_start3A_131 = tpu.memref_slice %arg15[%add3A_129, %dma_start3A_130] : memref<10240x128xf32, #tpu.memory_space<vmem_shared>> -> memref<40x128xf32, #tpu.memory_space<vmem_shared>>
    %dma_start3A_132 = arith.constant 0 : i32
    %dma_start3A_133 = tpu.memref_slice %arg15[%add3A_129, %dma_start3A_132] : memref<10240x128xf32, #tpu.memory_space<vmem_shared>> -> memref<40x128xf32, #tpu.memory_space<vmem_shared>>
    tpu.enqueue_dma source(%arg11 : memref<40x128xf32, #tpu.memory_space<vmem>>) target(%dma_start3A_133 : memref<40x128xf32, #tpu.memory_space<vmem_shared>>) target_semaphore(%arg14 : memref<!tpu.dma_semaphore, #tpu.memory_space<semaphore_mem>>)
    %mul3A_134 = arith.constant 640 : i32
    %mul3A_135 = arith.muli %arg1, %mul3A_134 : i32
    %add3A_136 = arith.constant 600 : i32
    %add3A_137 = arith.addi %mul3A_135, %add3A_136 : i32
    %dma_start3A_138 = arith.constant 0 : i32
    %dma_start3A_139 = tpu.memref_slice %arg15[%add3A_137, %dma_start3A_138] : memref<10240x128xf32, #tpu.memory_space<vmem_shared>> -> memref<40x128xf32, #tpu.memory_space<vmem_shared>>
    %dma_start3A_140 = arith.constant 0 : i32
    %dma_start3A_141 = tpu.memref_slice %arg15[%add3A_137, %dma_start3A_140] : memref<10240x128xf32, #tpu.memory_space<vmem_shared>> -> memref<40x128xf32, #tpu.memory_space<vmem_shared>>
    tpu.enqueue_dma source(%arg11 : memref<40x128xf32, #tpu.memory_space<vmem>>) target(%dma_start3A_141 : memref<40x128xf32, #tpu.memory_space<vmem_shared>>) target_semaphore(%arg14 : memref<!tpu.dma_semaphore, #tpu.memory_space<semaphore_mem>>)
    %mul3A_142 = arith.constant 640 : i32
    %mul3A_143 = arith.muli %arg1, %mul3A_142 : i32
    %add3A_144 = arith.constant 0 : i32
    %add3A_145 = arith.addi %mul3A_143, %add3A_144 : i32
    %dma_wait3A = arith.constant 0 : i32
    %dma_wait3A_146 = tpu.memref_slice %arg15[%add3A_145, %dma_wait3A] : memref<10240x128xf32, #tpu.memory_space<vmem_shared>> -> memref<40x128xf32, #tpu.memory_space<vmem_shared>>
    %dma_wait3A_147 = arith.constant 0 : i32
    %dma_wait3A_148 = tpu.memref_slice %arg15[%add3A_145, %dma_wait3A_147] : memref<10240x128xf32, #tpu.memory_space<vmem_shared>> -> memref<40x128xf32, #tpu.memory_space<vmem_shared>>
    tpu.wait_dma2 semaphore(%arg14 : memref<!tpu.dma_semaphore, #tpu.memory_space<semaphore_mem>>) src(%arg11 : memref<40x128xf32, #tpu.memory_space<vmem>>) dst(%dma_wait3A_148 : memref<40x128xf32, #tpu.memory_space<vmem_shared>>)
    %mul3A_149 = arith.constant 640 : i32
    %mul3A_150 = arith.muli %arg1, %mul3A_149 : i32
    %add3A_151 = arith.constant 40 : i32
    %add3A_152 = arith.addi %mul3A_150, %add3A_151 : i32
    %dma_wait3A_153 = arith.constant 0 : i32
    %dma_wait3A_154 = tpu.memref_slice %arg15[%add3A_152, %dma_wait3A_153] : memref<10240x128xf32, #tpu.memory_space<vmem_shared>> -> memref<40x128xf32, #tpu.memory_space<vmem_shared>>
    %dma_wait3A_155 = arith.constant 0 : i32
    %dma_wait3A_156 = tpu.memref_slice %arg15[%add3A_152, %dma_wait3A_155] : memref<10240x128xf32, #tpu.memory_space<vmem_shared>> -> memref<40x128xf32, #tpu.memory_space<vmem_shared>>
    tpu.wait_dma2 semaphore(%arg14 : memref<!tpu.dma_semaphore, #tpu.memory_space<semaphore_mem>>) src(%arg11 : memref<40x128xf32, #tpu.memory_space<vmem>>) dst(%dma_wait3A_156 : memref<40x128xf32, #tpu.memory_space<vmem_shared>>)
    %mul3A_157 = arith.constant 640 : i32
    %mul3A_158 = arith.muli %arg1, %mul3A_157 : i32
    %add3A_159 = arith.constant 80 : i32
    %add3A_160 = arith.addi %mul3A_158, %add3A_159 : i32
    %dma_wait3A_161 = arith.constant 0 : i32
    %dma_wait3A_162 = tpu.memref_slice %arg15[%add3A_160, %dma_wait3A_161] : memref<10240x128xf32, #tpu.memory_space<vmem_shared>> -> memref<40x128xf32, #tpu.memory_space<vmem_shared>>
    %dma_wait3A_163 = arith.constant 0 : i32
    %dma_wait3A_164 = tpu.memref_slice %arg15[%add3A_160, %dma_wait3A_163] : memref<10240x128xf32, #tpu.memory_space<vmem_shared>> -> memref<40x128xf32, #tpu.memory_space<vmem_shared>>
    tpu.wait_dma2 semaphore(%arg14 : memref<!tpu.dma_semaphore, #tpu.memory_space<semaphore_mem>>) src(%arg11 : memref<40x128xf32, #tpu.memory_space<vmem>>) dst(%dma_wait3A_164 : memref<40x128xf32, #tpu.memory_space<vmem_shared>>)
    %mul3A_165 = arith.constant 640 : i32
    %mul3A_166 = arith.muli %arg1, %mul3A_165 : i32
    %add3A_167 = arith.constant 120 : i32
    %add3A_168 = arith.addi %mul3A_166, %add3A_167 : i32
    %dma_wait3A_169 = arith.constant 0 : i32
    %dma_wait3A_170 = tpu.memref_slice %arg15[%add3A_168, %dma_wait3A_169] : memref<10240x128xf32, #tpu.memory_space<vmem_shared>> -> memref<40x128xf32, #tpu.memory_space<vmem_shared>>
    %dma_wait3A_171 = arith.constant 0 : i32
    %dma_wait3A_172 = tpu.memref_slice %arg15[%add3A_168, %dma_wait3A_171] : memref<10240x128xf32, #tpu.memory_space<vmem_shared>> -> memref<40x128xf32, #tpu.memory_space<vmem_shared>>
    tpu.wait_dma2 semaphore(%arg14 : memref<!tpu.dma_semaphore, #tpu.memory_space<semaphore_mem>>) src(%arg11 : memref<40x128xf32, #tpu.memory_space<vmem>>) dst(%dma_wait3A_172 : memref<40x128xf32, #tpu.memory_space<vmem_shared>>)
    %mul3A_173 = arith.constant 640 : i32
    %mul3A_174 = arith.muli %arg1, %mul3A_173 : i32
    %add3A_175 = arith.constant 160 : i32
    %add3A_176 = arith.addi %mul3A_174, %add3A_175 : i32
    %dma_wait3A_177 = arith.constant 0 : i32
    %dma_wait3A_178 = tpu.memref_slice %arg15[%add3A_176, %dma_wait3A_177] : memref<10240x128xf32, #tpu.memory_space<vmem_shared>> -> memref<40x128xf32, #tpu.memory_space<vmem_shared>>
    %dma_wait3A_179 = arith.constant 0 : i32
    %dma_wait3A_180 = tpu.memref_slice %arg15[%add3A_176, %dma_wait3A_179] : memref<10240x128xf32, #tpu.memory_space<vmem_shared>> -> memref<40x128xf32, #tpu.memory_space<vmem_shared>>
    tpu.wait_dma2 semaphore(%arg14 : memref<!tpu.dma_semaphore, #tpu.memory_space<semaphore_mem>>) src(%arg11 : memref<40x128xf32, #tpu.memory_space<vmem>>) dst(%dma_wait3A_180 : memref<40x128xf32, #tpu.memory_space<vmem_shared>>)
    %mul3A_181 = arith.constant 640 : i32
    %mul3A_182 = arith.muli %arg1, %mul3A_181 : i32
    %add3A_183 = arith.constant 200 : i32
    %add3A_184 = arith.addi %mul3A_182, %add3A_183 : i32
    %dma_wait3A_185 = arith.constant 0 : i32
    %dma_wait3A_186 = tpu.memref_slice %arg15[%add3A_184, %dma_wait3A_185] : memref<10240x128xf32, #tpu.memory_space<vmem_shared>> -> memref<40x128xf32, #tpu.memory_space<vmem_shared>>
    %dma_wait3A_187 = arith.constant 0 : i32
    %dma_wait3A_188 = tpu.memref_slice %arg15[%add3A_184, %dma_wait3A_187] : memref<10240x128xf32, #tpu.memory_space<vmem_shared>> -> memref<40x128xf32, #tpu.memory_space<vmem_shared>>
    tpu.wait_dma2 semaphore(%arg14 : memref<!tpu.dma_semaphore, #tpu.memory_space<semaphore_mem>>) src(%arg11 : memref<40x128xf32, #tpu.memory_space<vmem>>) dst(%dma_wait3A_188 : memref<40x128xf32, #tpu.memory_space<vmem_shared>>)
    %mul3A_189 = arith.constant 640 : i32
    %mul3A_190 = arith.muli %arg1, %mul3A_189 : i32
    %add3A_191 = arith.constant 240 : i32
    %add3A_192 = arith.addi %mul3A_190, %add3A_191 : i32
    %dma_wait3A_193 = arith.constant 0 : i32
    %dma_wait3A_194 = tpu.memref_slice %arg15[%add3A_192, %dma_wait3A_193] : memref<10240x128xf32, #tpu.memory_space<vmem_shared>> -> memref<40x128xf32, #tpu.memory_space<vmem_shared>>
    %dma_wait3A_195 = arith.constant 0 : i32
    %dma_wait3A_196 = tpu.memref_slice %arg15[%add3A_192, %dma_wait3A_195] : memref<10240x128xf32, #tpu.memory_space<vmem_shared>> -> memref<40x128xf32, #tpu.memory_space<vmem_shared>>
    tpu.wait_dma2 semaphore(%arg14 : memref<!tpu.dma_semaphore, #tpu.memory_space<semaphore_mem>>) src(%arg11 : memref<40x128xf32, #tpu.memory_space<vmem>>) dst(%dma_wait3A_196 : memref<40x128xf32, #tpu.memory_space<vmem_shared>>)
    %mul3A_197 = arith.constant 640 : i32
    %mul3A_198 = arith.muli %arg1, %mul3A_197 : i32
    %add3A_199 = arith.constant 280 : i32
    %add3A_200 = arith.addi %mul3A_198, %add3A_199 : i32
    %dma_wait3A_201 = arith.constant 0 : i32
    %dma_wait3A_202 = tpu.memref_slice %arg15[%add3A_200, %dma_wait3A_201] : memref<10240x128xf32, #tpu.memory_space<vmem_shared>> -> memref<40x128xf32, #tpu.memory_space<vmem_shared>>
    %dma_wait3A_203 = arith.constant 0 : i32
    %dma_wait3A_204 = tpu.memref_slice %arg15[%add3A_200, %dma_wait3A_203] : memref<10240x128xf32, #tpu.memory_space<vmem_shared>> -> memref<40x128xf32, #tpu.memory_space<vmem_shared>>
    tpu.wait_dma2 semaphore(%arg14 : memref<!tpu.dma_semaphore, #tpu.memory_space<semaphore_mem>>) src(%arg11 : memref<40x128xf32, #tpu.memory_space<vmem>>) dst(%dma_wait3A_204 : memref<40x128xf32, #tpu.memory_space<vmem_shared>>)
    %mul3A_205 = arith.constant 640 : i32
    %mul3A_206 = arith.muli %arg1, %mul3A_205 : i32
    %add3A_207 = arith.constant 320 : i32
    %add3A_208 = arith.addi %mul3A_206, %add3A_207 : i32
    %dma_wait3A_209 = arith.constant 0 : i32
    %dma_wait3A_210 = tpu.memref_slice %arg15[%add3A_208, %dma_wait3A_209] : memref<10240x128xf32, #tpu.memory_space<vmem_shared>> -> memref<40x128xf32, #tpu.memory_space<vmem_shared>>
    %dma_wait3A_211 = arith.constant 0 : i32
    %dma_wait3A_212 = tpu.memref_slice %arg15[%add3A_208, %dma_wait3A_211] : memref<10240x128xf32, #tpu.memory_space<vmem_shared>> -> memref<40x128xf32, #tpu.memory_space<vmem_shared>>
    tpu.wait_dma2 semaphore(%arg14 : memref<!tpu.dma_semaphore, #tpu.memory_space<semaphore_mem>>) src(%arg11 : memref<40x128xf32, #tpu.memory_space<vmem>>) dst(%dma_wait3A_212 : memref<40x128xf32, #tpu.memory_space<vmem_shared>>)
    %mul3A_213 = arith.constant 640 : i32
    %mul3A_214 = arith.muli %arg1, %mul3A_213 : i32
    %add3A_215 = arith.constant 360 : i32
    %add3A_216 = arith.addi %mul3A_214, %add3A_215 : i32
    %dma_wait3A_217 = arith.constant 0 : i32
    %dma_wait3A_218 = tpu.memref_slice %arg15[%add3A_216, %dma_wait3A_217] : memref<10240x128xf32, #tpu.memory_space<vmem_shared>> -> memref<40x128xf32, #tpu.memory_space<vmem_shared>>
    %dma_wait3A_219 = arith.constant 0 : i32
    %dma_wait3A_220 = tpu.memref_slice %arg15[%add3A_216, %dma_wait3A_219] : memref<10240x128xf32, #tpu.memory_space<vmem_shared>> -> memref<40x128xf32, #tpu.memory_space<vmem_shared>>
    tpu.wait_dma2 semaphore(%arg14 : memref<!tpu.dma_semaphore, #tpu.memory_space<semaphore_mem>>) src(%arg11 : memref<40x128xf32, #tpu.memory_space<vmem>>) dst(%dma_wait3A_220 : memref<40x128xf32, #tpu.memory_space<vmem_shared>>)
    %mul3A_221 = arith.constant 640 : i32
    %mul3A_222 = arith.muli %arg1, %mul3A_221 : i32
    %add3A_223 = arith.constant 400 : i32
    %add3A_224 = arith.addi %mul3A_222, %add3A_223 : i32
    %dma_wait3A_225 = arith.constant 0 : i32
    %dma_wait3A_226 = tpu.memref_slice %arg15[%add3A_224, %dma_wait3A_225] : memref<10240x128xf32, #tpu.memory_space<vmem_shared>> -> memref<40x128xf32, #tpu.memory_space<vmem_shared>>
    %dma_wait3A_227 = arith.constant 0 : i32
    %dma_wait3A_228 = tpu.memref_slice %arg15[%add3A_224, %dma_wait3A_227] : memref<10240x128xf32, #tpu.memory_space<vmem_shared>> -> memref<40x128xf32, #tpu.memory_space<vmem_shared>>
    tpu.wait_dma2 semaphore(%arg14 : memref<!tpu.dma_semaphore, #tpu.memory_space<semaphore_mem>>) src(%arg11 : memref<40x128xf32, #tpu.memory_space<vmem>>) dst(%dma_wait3A_228 : memref<40x128xf32, #tpu.memory_space<vmem_shared>>)
    %mul3A_229 = arith.constant 640 : i32
    %mul3A_230 = arith.muli %arg1, %mul3A_229 : i32
    %add3A_231 = arith.constant 440 : i32
    %add3A_232 = arith.addi %mul3A_230, %add3A_231 : i32
    %dma_wait3A_233 = arith.constant 0 : i32
    %dma_wait3A_234 = tpu.memref_slice %arg15[%add3A_232, %dma_wait3A_233] : memref<10240x128xf32, #tpu.memory_space<vmem_shared>> -> memref<40x128xf32, #tpu.memory_space<vmem_shared>>
    %dma_wait3A_235 = arith.constant 0 : i32
    %dma_wait3A_236 = tpu.memref_slice %arg15[%add3A_232, %dma_wait3A_235] : memref<10240x128xf32, #tpu.memory_space<vmem_shared>> -> memref<40x128xf32, #tpu.memory_space<vmem_shared>>
    tpu.wait_dma2 semaphore(%arg14 : memref<!tpu.dma_semaphore, #tpu.memory_space<semaphore_mem>>) src(%arg11 : memref<40x128xf32, #tpu.memory_space<vmem>>) dst(%dma_wait3A_236 : memref<40x128xf32, #tpu.memory_space<vmem_shared>>)
    %mul3A_237 = arith.constant 640 : i32
    %mul3A_238 = arith.muli %arg1, %mul3A_237 : i32
    %add3A_239 = arith.constant 480 : i32
    %add3A_240 = arith.addi %mul3A_238, %add3A_239 : i32
    %dma_wait3A_241 = arith.constant 0 : i32
    %dma_wait3A_242 = tpu.memref_slice %arg15[%add3A_240, %dma_wait3A_241] : memref<10240x128xf32, #tpu.memory_space<vmem_shared>> -> memref<40x128xf32, #tpu.memory_space<vmem_shared>>
    %dma_wait3A_243 = arith.constant 0 : i32
    %dma_wait3A_244 = tpu.memref_slice %arg15[%add3A_240, %dma_wait3A_243] : memref<10240x128xf32, #tpu.memory_space<vmem_shared>> -> memref<40x128xf32, #tpu.memory_space<vmem_shared>>
    tpu.wait_dma2 semaphore(%arg14 : memref<!tpu.dma_semaphore, #tpu.memory_space<semaphore_mem>>) src(%arg11 : memref<40x128xf32, #tpu.memory_space<vmem>>) dst(%dma_wait3A_244 : memref<40x128xf32, #tpu.memory_space<vmem_shared>>)
    %mul3A_245 = arith.constant 640 : i32
    %mul3A_246 = arith.muli %arg1, %mul3A_245 : i32
    %add3A_247 = arith.constant 520 : i32
    %add3A_248 = arith.addi %mul3A_246, %add3A_247 : i32
    %dma_wait3A_249 = arith.constant 0 : i32
    %dma_wait3A_250 = tpu.memref_slice %arg15[%add3A_248, %dma_wait3A_249] : memref<10240x128xf32, #tpu.memory_space<vmem_shared>> -> memref<40x128xf32, #tpu.memory_space<vmem_shared>>
    %dma_wait3A_251 = arith.constant 0 : i32
    %dma_wait3A_252 = tpu.memref_slice %arg15[%add3A_248, %dma_wait3A_251] : memref<10240x128xf32, #tpu.memory_space<vmem_shared>> -> memref<40x128xf32, #tpu.memory_space<vmem_shared>>
    tpu.wait_dma2 semaphore(%arg14 : memref<!tpu.dma_semaphore, #tpu.memory_space<semaphore_mem>>) src(%arg11 : memref<40x128xf32, #tpu.memory_space<vmem>>) dst(%dma_wait3A_252 : memref<40x128xf32, #tpu.memory_space<vmem_shared>>)
    %mul3A_253 = arith.constant 640 : i32
    %mul3A_254 = arith.muli %arg1, %mul3A_253 : i32
    %add3A_255 = arith.constant 560 : i32
    %add3A_256 = arith.addi %mul3A_254, %add3A_255 : i32
    %dma_wait3A_257 = arith.constant 0 : i32
    %dma_wait3A_258 = tpu.memref_slice %arg15[%add3A_256, %dma_wait3A_257] : memref<10240x128xf32, #tpu.memory_space<vmem_shared>> -> memref<40x128xf32, #tpu.memory_space<vmem_shared>>
    %dma_wait3A_259 = arith.constant 0 : i32
    %dma_wait3A_260 = tpu.memref_slice %arg15[%add3A_256, %dma_wait3A_259] : memref<10240x128xf32, #tpu.memory_space<vmem_shared>> -> memref<40x128xf32, #tpu.memory_space<vmem_shared>>
    tpu.wait_dma2 semaphore(%arg14 : memref<!tpu.dma_semaphore, #tpu.memory_space<semaphore_mem>>) src(%arg11 : memref<40x128xf32, #tpu.memory_space<vmem>>) dst(%dma_wait3A_260 : memref<40x128xf32, #tpu.memory_space<vmem_shared>>)
    %mul3A_261 = arith.constant 640 : i32
    %mul3A_262 = arith.muli %arg1, %mul3A_261 : i32
    %add3A_263 = arith.constant 600 : i32
    %add3A_264 = arith.addi %mul3A_262, %add3A_263 : i32
    %dma_wait3A_265 = arith.constant 0 : i32
    %dma_wait3A_266 = tpu.memref_slice %arg15[%add3A_264, %dma_wait3A_265] : memref<10240x128xf32, #tpu.memory_space<vmem_shared>> -> memref<40x128xf32, #tpu.memory_space<vmem_shared>>
    %dma_wait3A_267 = arith.constant 0 : i32
    %dma_wait3A_268 = tpu.memref_slice %arg15[%add3A_264, %dma_wait3A_267] : memref<10240x128xf32, #tpu.memory_space<vmem_shared>> -> memref<40x128xf32, #tpu.memory_space<vmem_shared>>
    tpu.wait_dma2 semaphore(%arg14 : memref<!tpu.dma_semaphore, #tpu.memory_space<semaphore_mem>>) src(%arg11 : memref<40x128xf32, #tpu.memory_space<vmem>>) dst(%dma_wait3A_268 : memref<40x128xf32, #tpu.memory_space<vmem_shared>>)
    %barrier3A = arith.constant 0 : index
    tpu.barrier barrier_id(%barrier3A)
    %scan3A = arith.constant 0 : i32
    %scan3A_269 = arith.constant 0 : i32
    %scan3A_270 = arith.constant 62 : i32
    %scan3A_271 = arith.addi %scan3A_269, %scan3A_270 : i32
    %scan3A_272 = arith.constant 1 : i32
    scf.for %scan3A_490 = %scan3A_269 to %scan3A_271 step %scan3A_272  : i32 {
      %mul3A_491 = arith.constant 2 : i32
      %mul3A_492 = arith.muli %mul3A_491, %scan3A_490 : i32
      %add3A_493 = arith.constant 1 : i32
      %add3A_494 = arith.addi %mul3A_492, %add3A_493 : i32
      %dma_wait3A_495 = arith.constant 0 : i32
      %dma_wait3A_496 = tpu.memref_slice %arg7[%mul3A_492, %dma_wait3A_495] : memref<125x80xi32, #tpu.memory_space<vmem>> -> memref<1x80xi32, #tpu.memory_space<vmem>>
      %dma_wait3A_497 = tpu.memref_squeeze %dma_wait3A_496 : memref<1x80xi32, #tpu.memory_space<vmem>> -> memref<80xi32, #tpu.memory_space<vmem>>
      %dma_wait3A_498 = arith.constant 0 : i32
      %dma_wait3A_499 = arith.constant 0 : i32
      %dma_wait3A_500 = tpu.memref_slice %arg2[%dma_wait3A_498, %dma_wait3A_499] : memref<10000x128xf32, #tpu.memory_space<hbm>> -> memref<10000x128xf32, #tpu.memory_space<hbm>>
      tpu.wait_indirect_dma semaphore(%arg12 : memref<!tpu.dma_semaphore, #tpu.memory_space<semaphore_mem>>) src(%dma_wait3A_500 : memref<10000x128xf32, #tpu.memory_space<hbm>>) dst(%arg9 : memref<80x128xf32, #tpu.memory_space<vmem>>)
      "tpu.region"() ({
        %run_scoped3A_519 = tpu.sem_alloc : memref<!tpu.dma_semaphore, #tpu.memory_space<semaphore_mem>>
        %dma_start3A_520 = arith.constant 0 : i32
        %dma_start3A_521 = tpu.memref_slice %arg8[%mul3A_492, %dma_start3A_520] : memref<125x80xi32, #tpu.memory_space<vmem>> -> memref<1x80xi32, #tpu.memory_space<vmem>>
        %dma_start3A_522 = tpu.memref_squeeze %dma_start3A_521 : memref<1x80xi32, #tpu.memory_space<vmem>> -> memref<80xi32, #tpu.memory_space<vmem>>
        %dma_start3A_523 = arith.constant 0 : i32
        %dma_start3A_524 = arith.constant 0 : i32
        %dma_start3A_525 = tpu.memref_slice %arg15[%dma_start3A_523, %dma_start3A_524] : memref<10240x128xf32, #tpu.memory_space<vmem_shared>> -> memref<10240x128xf32, #tpu.memory_space<vmem_shared>>
        tpu.enqueue_indirect_dma source(%arg9 : memref<80x128xf32, #tpu.memory_space<vmem>>) target(%dma_start3A_525 : memref<10240x128xf32, #tpu.memory_space<vmem_shared>>) offsets(%dma_start3A_522 : memref<80xi32, #tpu.memory_space<vmem>>) semaphore(%run_scoped3A_519 : memref<!tpu.dma_semaphore, #tpu.memory_space<semaphore_mem>>) {add = true}
        %dma_wait3A_526 = arith.constant 0 : i32
        %dma_wait3A_527 = tpu.memref_slice %arg8[%mul3A_492, %dma_wait3A_526] : memref<125x80xi32, #tpu.memory_space<vmem>> -> memref<1x80xi32, #tpu.memory_space<vmem>>
        %dma_wait3A_528 = tpu.memref_squeeze %dma_wait3A_527 : memref<1x80xi32, #tpu.memory_space<vmem>> -> memref<80xi32, #tpu.memory_space<vmem>>
        %dma_wait3A_529 = arith.constant 0 : i32
        %dma_wait3A_530 = arith.constant 0 : i32
        %dma_wait3A_531 = tpu.memref_slice %arg15[%dma_wait3A_529, %dma_wait3A_530] : memref<10240x128xf32, #tpu.memory_space<vmem_shared>> -> memref<10240x128xf32, #tpu.memory_space<vmem_shared>>
        tpu.wait_indirect_dma semaphore(%run_scoped3A_519 : memref<!tpu.dma_semaphore, #tpu.memory_space<semaphore_mem>>) src(%arg9 : memref<80x128xf32, #tpu.memory_space<vmem>>) dst(%dma_wait3A_531 : memref<10240x128xf32, #tpu.memory_space<vmem_shared>>)
        tpu.yield
      }) : () -> ()
      %add3A_501 = arith.constant 2 : i32
      %add3A_502 = arith.addi %mul3A_492, %add3A_501 : i32
      %dma_start3A_503 = arith.constant 0 : i32
      %dma_start3A_504 = tpu.memref_slice %arg7[%add3A_502, %dma_start3A_503] : memref<125x80xi32, #tpu.memory_space<vmem>> -> memref<1x80xi32, #tpu.memory_space<vmem>>
      %dma_start3A_505 = tpu.memref_squeeze %dma_start3A_504 : memref<1x80xi32, #tpu.memory_space<vmem>> -> memref<80xi32, #tpu.memory_space<vmem>>
      %dma_start3A_506 = arith.constant 0 : i32
      %dma_start3A_507 = arith.constant 0 : i32
      %dma_start3A_508 = tpu.memref_slice %arg2[%dma_start3A_506, %dma_start3A_507] : memref<10000x128xf32, #tpu.memory_space<hbm>> -> memref<10000x128xf32, #tpu.memory_space<hbm>>
      tpu.enqueue_indirect_dma source(%dma_start3A_508 : memref<10000x128xf32, #tpu.memory_space<hbm>>) target(%arg9 : memref<80x128xf32, #tpu.memory_space<vmem>>) offsets(%dma_start3A_505 : memref<80xi32, #tpu.memory_space<vmem>>) semaphore(%arg12 : memref<!tpu.dma_semaphore, #tpu.memory_space<semaphore_mem>>)
      %dma_wait3A_509 = arith.constant 0 : i32
      %dma_wait3A_510 = tpu.memref_slice %arg7[%add3A_494, %dma_wait3A_509] : memref<125x80xi32, #tpu.memory_space<vmem>> -> memref<1x80xi32, #tpu.memory_space<vmem>>
      %dma_wait3A_511 = tpu.memref_squeeze %dma_wait3A_510 : memref<1x80xi32, #tpu.memory_space<vmem>> -> memref<80xi32, #tpu.memory_space<vmem>>
      %dma_wait3A_512 = arith.constant 0 : i32
      %dma_wait3A_513 = arith.constant 0 : i32
      %dma_wait3A_514 = tpu.memref_slice %arg2[%dma_wait3A_512, %dma_wait3A_513] : memref<10000x128xf32, #tpu.memory_space<hbm>> -> memref<10000x128xf32, #tpu.memory_space<hbm>>
      tpu.wait_indirect_dma semaphore(%arg13 : memref<!tpu.dma_semaphore, #tpu.memory_space<semaphore_mem>>) src(%dma_wait3A_514 : memref<10000x128xf32, #tpu.memory_space<hbm>>) dst(%arg10 : memref<80x128xf32, #tpu.memory_space<vmem>>)
      "tpu.region"() ({
        %run_scoped3A_519 = tpu.sem_alloc : memref<!tpu.dma_semaphore, #tpu.memory_space<semaphore_mem>>
        %dma_start3A_520 = arith.constant 0 : i32
        %dma_start3A_521 = tpu.memref_slice %arg8[%add3A_494, %dma_start3A_520] : memref<125x80xi32, #tpu.memory_space<vmem>> -> memref<1x80xi32, #tpu.memory_space<vmem>>
        %dma_start3A_522 = tpu.memref_squeeze %dma_start3A_521 : memref<1x80xi32, #tpu.memory_space<vmem>> -> memref<80xi32, #tpu.memory_space<vmem>>
        %dma_start3A_523 = arith.constant 0 : i32
        %dma_start3A_524 = arith.constant 0 : i32
        %dma_start3A_525 = tpu.memref_slice %arg15[%dma_start3A_523, %dma_start3A_524] : memref<10240x128xf32, #tpu.memory_space<vmem_shared>> -> memref<10240x128xf32, #tpu.memory_space<vmem_shared>>
        tpu.enqueue_indirect_dma source(%arg10 : memref<80x128xf32, #tpu.memory_space<vmem>>) target(%dma_start3A_525 : memref<10240x128xf32, #tpu.memory_space<vmem_shared>>) offsets(%dma_start3A_522 : memref<80xi32, #tpu.memory_space<vmem>>) semaphore(%run_scoped3A_519 : memref<!tpu.dma_semaphore, #tpu.memory_space<semaphore_mem>>) {add = true}
        %dma_wait3A_526 = arith.constant 0 : i32
        %dma_wait3A_527 = tpu.memref_slice %arg8[%add3A_494, %dma_wait3A_526] : memref<125x80xi32, #tpu.memory_space<vmem>> -> memref<1x80xi32, #tpu.memory_space<vmem>>
        %dma_wait3A_528 = tpu.memref_squeeze %dma_wait3A_527 : memref<1x80xi32, #tpu.memory_space<vmem>> -> memref<80xi32, #tpu.memory_space<vmem>>
        %dma_wait3A_529 = arith.constant 0 : i32
        %dma_wait3A_530 = arith.constant 0 : i32
        %dma_wait3A_531 = tpu.memref_slice %arg15[%dma_wait3A_529, %dma_wait3A_530] : memref<10240x128xf32, #tpu.memory_space<vmem_shared>> -> memref<10240x128xf32, #tpu.memory_space<vmem_shared>>
        tpu.wait_indirect_dma semaphore(%run_scoped3A_519 : memref<!tpu.dma_semaphore, #tpu.memory_space<semaphore_mem>>) src(%arg10 : memref<80x128xf32, #tpu.memory_space<vmem>>) dst(%dma_wait3A_531 : memref<10240x128xf32, #tpu.memory_space<vmem_shared>>)
        tpu.yield
      }) : () -> ()
      %add3A_515 = arith.constant 2 : i32
      %add3A_516 = arith.addi %add3A_494, %add3A_515 : i32
      %lt3A = arith.constant 125 : i32
      %lt3A_517 = arith.cmpi slt, %add3A_516, %lt3A : i32
      %convert_element_type3A = arith.extui %lt3A_517 : i1 to i32
      %cond3A = arith.constant 0 : i32
      %cond3A_518 = arith.cmpi ne, %convert_element_type3A, %cond3A : i32
      scf.if %cond3A_518 {
        %add3A_519 = arith.constant 2 : i32
        %add3A_520 = arith.addi %add3A_494, %add3A_519 : i32
        %dma_start3A_521 = arith.constant 0 : i32
        %dma_start3A_522 = tpu.memref_slice %arg7[%add3A_520, %dma_start3A_521] : memref<125x80xi32, #tpu.memory_space<vmem>> -> memref<1x80xi32, #tpu.memory_space<vmem>>
        %dma_start3A_523 = tpu.memref_squeeze %dma_start3A_522 : memref<1x80xi32, #tpu.memory_space<vmem>> -> memref<80xi32, #tpu.memory_space<vmem>>
        %dma_start3A_524 = arith.constant 0 : i32
        %dma_start3A_525 = arith.constant 0 : i32
        %dma_start3A_526 = tpu.memref_slice %arg2[%dma_start3A_524, %dma_start3A_525] : memref<10000x128xf32, #tpu.memory_space<hbm>> -> memref<10000x128xf32, #tpu.memory_space<hbm>>
        tpu.enqueue_indirect_dma source(%dma_start3A_526 : memref<10000x128xf32, #tpu.memory_space<hbm>>) target(%arg10 : memref<80x128xf32, #tpu.memory_space<vmem>>) offsets(%dma_start3A_523 : memref<80xi32, #tpu.memory_space<vmem>>) semaphore(%arg13 : memref<!tpu.dma_semaphore, #tpu.memory_space<semaphore_mem>>)
      } else {
      }
    }
    %scan3A_273 = arith.constant 62 : i32
    %dma_wait3A_274 = arith.constant 124 : i32
    %dma_wait3A_275 = arith.constant 0 : i32
    %dma_wait3A_276 = tpu.memref_slice %arg7[%dma_wait3A_274, %dma_wait3A_275] : memref<125x80xi32, #tpu.memory_space<vmem>> -> memref<1x80xi32, #tpu.memory_space<vmem>>
    %dma_wait3A_277 = tpu.memref_squeeze %dma_wait3A_276 : memref<1x80xi32, #tpu.memory_space<vmem>> -> memref<80xi32, #tpu.memory_space<vmem>>
    %dma_wait3A_278 = arith.constant 0 : i32
    %dma_wait3A_279 = arith.constant 0 : i32
    %dma_wait3A_280 = tpu.memref_slice %arg2[%dma_wait3A_278, %dma_wait3A_279] : memref<10000x128xf32, #tpu.memory_space<hbm>> -> memref<10000x128xf32, #tpu.memory_space<hbm>>
    tpu.wait_indirect_dma semaphore(%arg12 : memref<!tpu.dma_semaphore, #tpu.memory_space<semaphore_mem>>) src(%dma_wait3A_280 : memref<10000x128xf32, #tpu.memory_space<hbm>>) dst(%arg9 : memref<80x128xf32, #tpu.memory_space<vmem>>)
    %run_scoped3A = arith.constant 124 : i32
    "tpu.region"() ({
      %run_scoped3A_490 = tpu.sem_alloc : memref<!tpu.dma_semaphore, #tpu.memory_space<semaphore_mem>>
      %dma_start3A_491 = arith.constant 0 : i32
      %dma_start3A_492 = tpu.memref_slice %arg8[%run_scoped3A, %dma_start3A_491] : memref<125x80xi32, #tpu.memory_space<vmem>> -> memref<1x80xi32, #tpu.memory_space<vmem>>
      %dma_start3A_493 = tpu.memref_squeeze %dma_start3A_492 : memref<1x80xi32, #tpu.memory_space<vmem>> -> memref<80xi32, #tpu.memory_space<vmem>>
      %dma_start3A_494 = arith.constant 0 : i32
      %dma_start3A_495 = arith.constant 0 : i32
      %dma_start3A_496 = tpu.memref_slice %arg15[%dma_start3A_494, %dma_start3A_495] : memref<10240x128xf32, #tpu.memory_space<vmem_shared>> -> memref<10240x128xf32, #tpu.memory_space<vmem_shared>>
      tpu.enqueue_indirect_dma source(%arg9 : memref<80x128xf32, #tpu.memory_space<vmem>>) target(%dma_start3A_496 : memref<10240x128xf32, #tpu.memory_space<vmem_shared>>) offsets(%dma_start3A_493 : memref<80xi32, #tpu.memory_space<vmem>>) semaphore(%run_scoped3A_490 : memref<!tpu.dma_semaphore, #tpu.memory_space<semaphore_mem>>) {add = true}
      %dma_wait3A_497 = arith.constant 0 : i32
      %dma_wait3A_498 = tpu.memref_slice %arg8[%run_scoped3A, %dma_wait3A_497] : memref<125x80xi32, #tpu.memory_space<vmem>> -> memref<1x80xi32, #tpu.memory_space<vmem>>
      %dma_wait3A_499 = tpu.memref_squeeze %dma_wait3A_498 : memref<1x80xi32, #tpu.memory_space<vmem>> -> memref<80xi32, #tpu.memory_space<vmem>>
      %dma_wait3A_500 = arith.constant 0 : i32
      %dma_wait3A_501 = arith.constant 0 : i32
      %dma_wait3A_502 = tpu.memref_slice %arg15[%dma_wait3A_500, %dma_wait3A_501] : memref<10240x128xf32, #tpu.memory_space<vmem_shared>> -> memref<10240x128xf32, #tpu.memory_space<vmem_shared>>
      tpu.wait_indirect_dma semaphore(%run_scoped3A_490 : memref<!tpu.dma_semaphore, #tpu.memory_space<semaphore_mem>>) src(%arg9 : memref<80x128xf32, #tpu.memory_space<vmem>>) dst(%dma_wait3A_502 : memref<10240x128xf32, #tpu.memory_space<vmem_shared>>)
      tpu.yield
    }) : () -> ()
    %barrier3A_281 = arith.constant 0 : index
    tpu.barrier barrier_id(%barrier3A_281)
    %mul3A_282 = arith.constant 640 : i32
    %mul3A_283 = arith.muli %arg1, %mul3A_282 : i32
    %add3A_284 = arith.constant 0 : i32
    %add3A_285 = arith.addi %mul3A_283, %add3A_284 : i32
    "tpu.region"() ({
      %run_scoped3A_490 = tpu.sem_alloc : memref<!tpu.dma_semaphore, #tpu.memory_space<semaphore_mem>>
      %dma_start3A_491 = arith.constant 0 : i32
      %dma_start3A_492 = tpu.memref_slice %arg15[%add3A_285, %dma_start3A_491] : memref<10240x128xf32, #tpu.memory_space<vmem_shared>> -> memref<80x128xf32, #tpu.memory_space<vmem_shared>>
      %dma_start3A_493 = arith.constant 0 : i32
      %dma_start3A_494 = tpu.memref_slice %arg15[%add3A_285, %dma_start3A_493] : memref<10240x128xf32, #tpu.memory_space<vmem_shared>> -> memref<80x128xf32, #tpu.memory_space<vmem_shared>>
      tpu.enqueue_dma source(%dma_start3A_494 : memref<80x128xf32, #tpu.memory_space<vmem_shared>>) target(%arg9 : memref<80x128xf32, #tpu.memory_space<vmem>>) target_semaphore(%run_scoped3A_490 : memref<!tpu.dma_semaphore, #tpu.memory_space<semaphore_mem>>)
      %dma_wait3A_495 = arith.constant 0 : i32
      %dma_wait3A_496 = tpu.memref_slice %arg15[%add3A_285, %dma_wait3A_495] : memref<10240x128xf32, #tpu.memory_space<vmem_shared>> -> memref<80x128xf32, #tpu.memory_space<vmem_shared>>
      %dma_wait3A_497 = arith.constant 0 : i32
      %dma_wait3A_498 = tpu.memref_slice %arg15[%add3A_285, %dma_wait3A_497] : memref<10240x128xf32, #tpu.memory_space<vmem_shared>> -> memref<80x128xf32, #tpu.memory_space<vmem_shared>>
      tpu.wait_dma2 semaphore(%run_scoped3A_490 : memref<!tpu.dma_semaphore, #tpu.memory_space<semaphore_mem>>) src(%dma_wait3A_498 : memref<80x128xf32, #tpu.memory_space<vmem_shared>>) dst(%arg9 : memref<80x128xf32, #tpu.memory_space<vmem>>)
      tpu.yield
    }) : () -> ()
    %mul3A_286 = arith.constant 10240 : i32
    %mul3A_287 = arith.muli %arg0, %mul3A_286 : i32
    %mul3A_288 = arith.constant 640 : i32
    %mul3A_289 = arith.muli %arg1, %mul3A_288 : i32
    %add3A_290 = arith.addi %mul3A_287, %mul3A_289 : i32
    %add3A_291 = arith.constant 0 : i32
    %add3A_292 = arith.addi %add3A_290, %add3A_291 : i32
    %dma_start3A_293 = arith.constant 0 : i32
    %dma_start3A_294 = tpu.memref_slice %arg6[%add3A_292, %dma_start3A_293] : memref<20480x128xf32, #tpu.memory_space<hbm>> -> memref<80x128xf32, #tpu.memory_space<hbm>>
    %dma_start3A_295 = arith.constant 0 : i32
    %dma_start3A_296 = tpu.memref_slice %arg6[%add3A_292, %dma_start3A_295] : memref<20480x128xf32, #tpu.memory_space<hbm>> -> memref<80x128xf32, #tpu.memory_space<hbm>>
    tpu.enqueue_dma source(%arg9 : memref<80x128xf32, #tpu.memory_space<vmem>>) target(%dma_start3A_296 : memref<80x128xf32, #tpu.memory_space<hbm>>) target_semaphore(%arg12 : memref<!tpu.dma_semaphore, #tpu.memory_space<semaphore_mem>>)
    %mul3A_297 = arith.constant 640 : i32
    %mul3A_298 = arith.muli %arg1, %mul3A_297 : i32
    %add3A_299 = arith.constant 80 : i32
    %add3A_300 = arith.addi %mul3A_298, %add3A_299 : i32
    "tpu.region"() ({
      %run_scoped3A_490 = tpu.sem_alloc : memref<!tpu.dma_semaphore, #tpu.memory_space<semaphore_mem>>
      %dma_start3A_491 = arith.constant 0 : i32
      %dma_start3A_492 = tpu.memref_slice %arg15[%add3A_300, %dma_start3A_491] : memref<10240x128xf32, #tpu.memory_space<vmem_shared>> -> memref<80x128xf32, #tpu.memory_space<vmem_shared>>
      %dma_start3A_493 = arith.constant 0 : i32
      %dma_start3A_494 = tpu.memref_slice %arg15[%add3A_300, %dma_start3A_493] : memref<10240x128xf32, #tpu.memory_space<vmem_shared>> -> memref<80x128xf32, #tpu.memory_space<vmem_shared>>
      tpu.enqueue_dma source(%dma_start3A_494 : memref<80x128xf32, #tpu.memory_space<vmem_shared>>) target(%arg10 : memref<80x128xf32, #tpu.memory_space<vmem>>) target_semaphore(%run_scoped3A_490 : memref<!tpu.dma_semaphore, #tpu.memory_space<semaphore_mem>>)
      %dma_wait3A_495 = arith.constant 0 : i32
      %dma_wait3A_496 = tpu.memref_slice %arg15[%add3A_300, %dma_wait3A_495] : memref<10240x128xf32, #tpu.memory_space<vmem_shared>> -> memref<80x128xf32, #tpu.memory_space<vmem_shared>>
      %dma_wait3A_497 = arith.constant 0 : i32
      %dma_wait3A_498 = tpu.memref_slice %arg15[%add3A_300, %dma_wait3A_497] : memref<10240x128xf32, #tpu.memory_space<vmem_shared>> -> memref<80x128xf32, #tpu.memory_space<vmem_shared>>
      tpu.wait_dma2 semaphore(%run_scoped3A_490 : memref<!tpu.dma_semaphore, #tpu.memory_space<semaphore_mem>>) src(%dma_wait3A_498 : memref<80x128xf32, #tpu.memory_space<vmem_shared>>) dst(%arg10 : memref<80x128xf32, #tpu.memory_space<vmem>>)
      tpu.yield
    }) : () -> ()
    %mul3A_301 = arith.constant 10240 : i32
    %mul3A_302 = arith.muli %arg0, %mul3A_301 : i32
    %mul3A_303 = arith.constant 640 : i32
    %mul3A_304 = arith.muli %arg1, %mul3A_303 : i32
    %add3A_305 = arith.addi %mul3A_302, %mul3A_304 : i32
    %add3A_306 = arith.constant 80 : i32
    %add3A_307 = arith.addi %add3A_305, %add3A_306 : i32
    %dma_start3A_308 = arith.constant 0 : i32
    %dma_start3A_309 = tpu.memref_slice %arg6[%add3A_307, %dma_start3A_308] : memref<20480x128xf32, #tpu.memory_space<hbm>> -> memref<80x128xf32, #tpu.memory_space<hbm>>
    %dma_start3A_310 = arith.constant 0 : i32
    %dma_start3A_311 = tpu.memref_slice %arg6[%add3A_307, %dma_start3A_310] : memref<20480x128xf32, #tpu.memory_space<hbm>> -> memref<80x128xf32, #tpu.memory_space<hbm>>
    tpu.enqueue_dma source(%arg10 : memref<80x128xf32, #tpu.memory_space<vmem>>) target(%dma_start3A_311 : memref<80x128xf32, #tpu.memory_space<hbm>>) target_semaphore(%arg13 : memref<!tpu.dma_semaphore, #tpu.memory_space<semaphore_mem>>)
    %mul3A_312 = arith.constant 10240 : i32
    %mul3A_313 = arith.muli %arg0, %mul3A_312 : i32
    %mul3A_314 = arith.constant 640 : i32
    %mul3A_315 = arith.muli %arg1, %mul3A_314 : i32
    %add3A_316 = arith.addi %mul3A_313, %mul3A_315 : i32
    %add3A_317 = arith.constant 0 : i32
    %add3A_318 = arith.addi %add3A_316, %add3A_317 : i32
    %dma_wait3A_319 = arith.constant 0 : i32
    %dma_wait3A_320 = tpu.memref_slice %arg6[%add3A_318, %dma_wait3A_319] : memref<20480x128xf32, #tpu.memory_space<hbm>> -> memref<80x128xf32, #tpu.memory_space<hbm>>
    %dma_wait3A_321 = arith.constant 0 : i32
    %dma_wait3A_322 = tpu.memref_slice %arg6[%add3A_318, %dma_wait3A_321] : memref<20480x128xf32, #tpu.memory_space<hbm>> -> memref<80x128xf32, #tpu.memory_space<hbm>>
    tpu.wait_dma2 semaphore(%arg12 : memref<!tpu.dma_semaphore, #tpu.memory_space<semaphore_mem>>) src(%arg9 : memref<80x128xf32, #tpu.memory_space<vmem>>) dst(%dma_wait3A_322 : memref<80x128xf32, #tpu.memory_space<hbm>>)
    %mul3A_323 = arith.constant 640 : i32
    %mul3A_324 = arith.muli %arg1, %mul3A_323 : i32
    %add3A_325 = arith.constant 160 : i32
    %add3A_326 = arith.addi %mul3A_324, %add3A_325 : i32
    "tpu.region"() ({
      %run_scoped3A_490 = tpu.sem_alloc : memref<!tpu.dma_semaphore, #tpu.memory_space<semaphore_mem>>
      %dma_start3A_491 = arith.constant 0 : i32
      %dma_start3A_492 = tpu.memref_slice %arg15[%add3A_326, %dma_start3A_491] : memref<10240x128xf32, #tpu.memory_space<vmem_shared>> -> memref<80x128xf32, #tpu.memory_space<vmem_shared>>
      %dma_start3A_493 = arith.constant 0 : i32
      %dma_start3A_494 = tpu.memref_slice %arg15[%add3A_326, %dma_start3A_493] : memref<10240x128xf32, #tpu.memory_space<vmem_shared>> -> memref<80x128xf32, #tpu.memory_space<vmem_shared>>
      tpu.enqueue_dma source(%dma_start3A_494 : memref<80x128xf32, #tpu.memory_space<vmem_shared>>) target(%arg9 : memref<80x128xf32, #tpu.memory_space<vmem>>) target_semaphore(%run_scoped3A_490 : memref<!tpu.dma_semaphore, #tpu.memory_space<semaphore_mem>>)
      %dma_wait3A_495 = arith.constant 0 : i32
      %dma_wait3A_496 = tpu.memref_slice %arg15[%add3A_326, %dma_wait3A_495] : memref<10240x128xf32, #tpu.memory_space<vmem_shared>> -> memref<80x128xf32, #tpu.memory_space<vmem_shared>>
      %dma_wait3A_497 = arith.constant 0 : i32
      %dma_wait3A_498 = tpu.memref_slice %arg15[%add3A_326, %dma_wait3A_497] : memref<10240x128xf32, #tpu.memory_space<vmem_shared>> -> memref<80x128xf32, #tpu.memory_space<vmem_shared>>
      tpu.wait_dma2 semaphore(%run_scoped3A_490 : memref<!tpu.dma_semaphore, #tpu.memory_space<semaphore_mem>>) src(%dma_wait3A_498 : memref<80x128xf32, #tpu.memory_space<vmem_shared>>) dst(%arg9 : memref<80x128xf32, #tpu.memory_space<vmem>>)
      tpu.yield
    }) : () -> ()
    %mul3A_327 = arith.constant 10240 : i32
    %mul3A_328 = arith.muli %arg0, %mul3A_327 : i32
    %mul3A_329 = arith.constant 640 : i32
    %mul3A_330 = arith.muli %arg1, %mul3A_329 : i32
    %add3A_331 = arith.addi %mul3A_328, %mul3A_330 : i32
    %add3A_332 = arith.constant 160 : i32
    %add3A_333 = arith.addi %add3A_331, %add3A_332 : i32
    %dma_start3A_334 = arith.constant 0 : i32
    %dma_start3A_335 = tpu.memref_slice %arg6[%add3A_333, %dma_start3A_334] : memref<20480x128xf32, #tpu.memory_space<hbm>> -> memref<80x128xf32, #tpu.memory_space<hbm>>
    %dma_start3A_336 = arith.constant 0 : i32
    %dma_start3A_337 = tpu.memref_slice %arg6[%add3A_333, %dma_start3A_336] : memref<20480x128xf32, #tpu.memory_space<hbm>> -> memref<80x128xf32, #tpu.memory_space<hbm>>
    tpu.enqueue_dma source(%arg9 : memref<80x128xf32, #tpu.memory_space<vmem>>) target(%dma_start3A_337 : memref<80x128xf32, #tpu.memory_space<hbm>>) target_semaphore(%arg12 : memref<!tpu.dma_semaphore, #tpu.memory_space<semaphore_mem>>)
    %mul3A_338 = arith.constant 10240 : i32
    %mul3A_339 = arith.muli %arg0, %mul3A_338 : i32
    %mul3A_340 = arith.constant 640 : i32
    %mul3A_341 = arith.muli %arg1, %mul3A_340 : i32
    %add3A_342 = arith.addi %mul3A_339, %mul3A_341 : i32
    %add3A_343 = arith.constant 80 : i32
    %add3A_344 = arith.addi %add3A_342, %add3A_343 : i32
    %dma_wait3A_345 = arith.constant 0 : i32
    %dma_wait3A_346 = tpu.memref_slice %arg6[%add3A_344, %dma_wait3A_345] : memref<20480x128xf32, #tpu.memory_space<hbm>> -> memref<80x128xf32, #tpu.memory_space<hbm>>
    %dma_wait3A_347 = arith.constant 0 : i32
    %dma_wait3A_348 = tpu.memref_slice %arg6[%add3A_344, %dma_wait3A_347] : memref<20480x128xf32, #tpu.memory_space<hbm>> -> memref<80x128xf32, #tpu.memory_space<hbm>>
    tpu.wait_dma2 semaphore(%arg13 : memref<!tpu.dma_semaphore, #tpu.memory_space<semaphore_mem>>) src(%arg10 : memref<80x128xf32, #tpu.memory_space<vmem>>) dst(%dma_wait3A_348 : memref<80x128xf32, #tpu.memory_space<hbm>>)
    %mul3A_349 = arith.constant 640 : i32
    %mul3A_350 = arith.muli %arg1, %mul3A_349 : i32
    %add3A_351 = arith.constant 240 : i32
    %add3A_352 = arith.addi %mul3A_350, %add3A_351 : i32
    "tpu.region"() ({
      %run_scoped3A_490 = tpu.sem_alloc : memref<!tpu.dma_semaphore, #tpu.memory_space<semaphore_mem>>
      %dma_start3A_491 = arith.constant 0 : i32
      %dma_start3A_492 = tpu.memref_slice %arg15[%add3A_352, %dma_start3A_491] : memref<10240x128xf32, #tpu.memory_space<vmem_shared>> -> memref<80x128xf32, #tpu.memory_space<vmem_shared>>
      %dma_start3A_493 = arith.constant 0 : i32
      %dma_start3A_494 = tpu.memref_slice %arg15[%add3A_352, %dma_start3A_493] : memref<10240x128xf32, #tpu.memory_space<vmem_shared>> -> memref<80x128xf32, #tpu.memory_space<vmem_shared>>
      tpu.enqueue_dma source(%dma_start3A_494 : memref<80x128xf32, #tpu.memory_space<vmem_shared>>) target(%arg10 : memref<80x128xf32, #tpu.memory_space<vmem>>) target_semaphore(%run_scoped3A_490 : memref<!tpu.dma_semaphore, #tpu.memory_space<semaphore_mem>>)
      %dma_wait3A_495 = arith.constant 0 : i32
      %dma_wait3A_496 = tpu.memref_slice %arg15[%add3A_352, %dma_wait3A_495] : memref<10240x128xf32, #tpu.memory_space<vmem_shared>> -> memref<80x128xf32, #tpu.memory_space<vmem_shared>>
      %dma_wait3A_497 = arith.constant 0 : i32
      %dma_wait3A_498 = tpu.memref_slice %arg15[%add3A_352, %dma_wait3A_497] : memref<10240x128xf32, #tpu.memory_space<vmem_shared>> -> memref<80x128xf32, #tpu.memory_space<vmem_shared>>
      tpu.wait_dma2 semaphore(%run_scoped3A_490 : memref<!tpu.dma_semaphore, #tpu.memory_space<semaphore_mem>>) src(%dma_wait3A_498 : memref<80x128xf32, #tpu.memory_space<vmem_shared>>) dst(%arg10 : memref<80x128xf32, #tpu.memory_space<vmem>>)
      tpu.yield
    }) : () -> ()
    %mul3A_353 = arith.constant 10240 : i32
    %mul3A_354 = arith.muli %arg0, %mul3A_353 : i32
    %mul3A_355 = arith.constant 640 : i32
    %mul3A_356 = arith.muli %arg1, %mul3A_355 : i32
    %add3A_357 = arith.addi %mul3A_354, %mul3A_356 : i32
    %add3A_358 = arith.constant 240 : i32
    %add3A_359 = arith.addi %add3A_357, %add3A_358 : i32
    %dma_start3A_360 = arith.constant 0 : i32
    %dma_start3A_361 = tpu.memref_slice %arg6[%add3A_359, %dma_start3A_360] : memref<20480x128xf32, #tpu.memory_space<hbm>> -> memref<80x128xf32, #tpu.memory_space<hbm>>
    %dma_start3A_362 = arith.constant 0 : i32
    %dma_start3A_363 = tpu.memref_slice %arg6[%add3A_359, %dma_start3A_362] : memref<20480x128xf32, #tpu.memory_space<hbm>> -> memref<80x128xf32, #tpu.memory_space<hbm>>
    tpu.enqueue_dma source(%arg10 : memref<80x128xf32, #tpu.memory_space<vmem>>) target(%dma_start3A_363 : memref<80x128xf32, #tpu.memory_space<hbm>>) target_semaphore(%arg13 : memref<!tpu.dma_semaphore, #tpu.memory_space<semaphore_mem>>)
    %mul3A_364 = arith.constant 10240 : i32
    %mul3A_365 = arith.muli %arg0, %mul3A_364 : i32
    %mul3A_366 = arith.constant 640 : i32
    %mul3A_367 = arith.muli %arg1, %mul3A_366 : i32
    %add3A_368 = arith.addi %mul3A_365, %mul3A_367 : i32
    %add3A_369 = arith.constant 160 : i32
    %add3A_370 = arith.addi %add3A_368, %add3A_369 : i32
    %dma_wait3A_371 = arith.constant 0 : i32
    %dma_wait3A_372 = tpu.memref_slice %arg6[%add3A_370, %dma_wait3A_371] : memref<20480x128xf32, #tpu.memory_space<hbm>> -> memref<80x128xf32, #tpu.memory_space<hbm>>
    %dma_wait3A_373 = arith.constant 0 : i32
    %dma_wait3A_374 = tpu.memref_slice %arg6[%add3A_370, %dma_wait3A_373] : memref<20480x128xf32, #tpu.memory_space<hbm>> -> memref<80x128xf32, #tpu.memory_space<hbm>>
    tpu.wait_dma2 semaphore(%arg12 : memref<!tpu.dma_semaphore, #tpu.memory_space<semaphore_mem>>) src(%arg9 : memref<80x128xf32, #tpu.memory_space<vmem>>) dst(%dma_wait3A_374 : memref<80x128xf32, #tpu.memory_space<hbm>>)
    %mul3A_375 = arith.constant 640 : i32
    %mul3A_376 = arith.muli %arg1, %mul3A_375 : i32
    %add3A_377 = arith.constant 320 : i32
    %add3A_378 = arith.addi %mul3A_376, %add3A_377 : i32
    "tpu.region"() ({
      %run_scoped3A_490 = tpu.sem_alloc : memref<!tpu.dma_semaphore, #tpu.memory_space<semaphore_mem>>
      %dma_start3A_491 = arith.constant 0 : i32
      %dma_start3A_492 = tpu.memref_slice %arg15[%add3A_378, %dma_start3A_491] : memref<10240x128xf32, #tpu.memory_space<vmem_shared>> -> memref<80x128xf32, #tpu.memory_space<vmem_shared>>
      %dma_start3A_493 = arith.constant 0 : i32
      %dma_start3A_494 = tpu.memref_slice %arg15[%add3A_378, %dma_start3A_493] : memref<10240x128xf32, #tpu.memory_space<vmem_shared>> -> memref<80x128xf32, #tpu.memory_space<vmem_shared>>
      tpu.enqueue_dma source(%dma_start3A_494 : memref<80x128xf32, #tpu.memory_space<vmem_shared>>) target(%arg9 : memref<80x128xf32, #tpu.memory_space<vmem>>) target_semaphore(%run_scoped3A_490 : memref<!tpu.dma_semaphore, #tpu.memory_space<semaphore_mem>>)
      %dma_wait3A_495 = arith.constant 0 : i32
      %dma_wait3A_496 = tpu.memref_slice %arg15[%add3A_378, %dma_wait3A_495] : memref<10240x128xf32, #tpu.memory_space<vmem_shared>> -> memref<80x128xf32, #tpu.memory_space<vmem_shared>>
      %dma_wait3A_497 = arith.constant 0 : i32
      %dma_wait3A_498 = tpu.memref_slice %arg15[%add3A_378, %dma_wait3A_497] : memref<10240x128xf32, #tpu.memory_space<vmem_shared>> -> memref<80x128xf32, #tpu.memory_space<vmem_shared>>
      tpu.wait_dma2 semaphore(%run_scoped3A_490 : memref<!tpu.dma_semaphore, #tpu.memory_space<semaphore_mem>>) src(%dma_wait3A_498 : memref<80x128xf32, #tpu.memory_space<vmem_shared>>) dst(%arg9 : memref<80x128xf32, #tpu.memory_space<vmem>>)
      tpu.yield
    }) : () -> ()
    %mul3A_379 = arith.constant 10240 : i32
    %mul3A_380 = arith.muli %arg0, %mul3A_379 : i32
    %mul3A_381 = arith.constant 640 : i32
    %mul3A_382 = arith.muli %arg1, %mul3A_381 : i32
    %add3A_383 = arith.addi %mul3A_380, %mul3A_382 : i32
    %add3A_384 = arith.constant 320 : i32
    %add3A_385 = arith.addi %add3A_383, %add3A_384 : i32
    %dma_start3A_386 = arith.constant 0 : i32
    %dma_start3A_387 = tpu.memref_slice %arg6[%add3A_385, %dma_start3A_386] : memref<20480x128xf32, #tpu.memory_space<hbm>> -> memref<80x128xf32, #tpu.memory_space<hbm>>
    %dma_start3A_388 = arith.constant 0 : i32
    %dma_start3A_389 = tpu.memref_slice %arg6[%add3A_385, %dma_start3A_388] : memref<20480x128xf32, #tpu.memory_space<hbm>> -> memref<80x128xf32, #tpu.memory_space<hbm>>
    tpu.enqueue_dma source(%arg9 : memref<80x128xf32, #tpu.memory_space<vmem>>) target(%dma_start3A_389 : memref<80x128xf32, #tpu.memory_space<hbm>>) target_semaphore(%arg12 : memref<!tpu.dma_semaphore, #tpu.memory_space<semaphore_mem>>)
    %mul3A_390 = arith.constant 10240 : i32
    %mul3A_391 = arith.muli %arg0, %mul3A_390 : i32
    %mul3A_392 = arith.constant 640 : i32
    %mul3A_393 = arith.muli %arg1, %mul3A_392 : i32
    %add3A_394 = arith.addi %mul3A_391, %mul3A_393 : i32
    %add3A_395 = arith.constant 240 : i32
    %add3A_396 = arith.addi %add3A_394, %add3A_395 : i32
    %dma_wait3A_397 = arith.constant 0 : i32
    %dma_wait3A_398 = tpu.memref_slice %arg6[%add3A_396, %dma_wait3A_397] : memref<20480x128xf32, #tpu.memory_space<hbm>> -> memref<80x128xf32, #tpu.memory_space<hbm>>
    %dma_wait3A_399 = arith.constant 0 : i32
    %dma_wait3A_400 = tpu.memref_slice %arg6[%add3A_396, %dma_wait3A_399] : memref<20480x128xf32, #tpu.memory_space<hbm>> -> memref<80x128xf32, #tpu.memory_space<hbm>>
    tpu.wait_dma2 semaphore(%arg13 : memref<!tpu.dma_semaphore, #tpu.memory_space<semaphore_mem>>) src(%arg10 : memref<80x128xf32, #tpu.memory_space<vmem>>) dst(%dma_wait3A_400 : memref<80x128xf32, #tpu.memory_space<hbm>>)
    %mul3A_401 = arith.constant 640 : i32
    %mul3A_402 = arith.muli %arg1, %mul3A_401 : i32
    %add3A_403 = arith.constant 400 : i32
    %add3A_404 = arith.addi %mul3A_402, %add3A_403 : i32
    "tpu.region"() ({
      %run_scoped3A_490 = tpu.sem_alloc : memref<!tpu.dma_semaphore, #tpu.memory_space<semaphore_mem>>
      %dma_start3A_491 = arith.constant 0 : i32
      %dma_start3A_492 = tpu.memref_slice %arg15[%add3A_404, %dma_start3A_491] : memref<10240x128xf32, #tpu.memory_space<vmem_shared>> -> memref<80x128xf32, #tpu.memory_space<vmem_shared>>
      %dma_start3A_493 = arith.constant 0 : i32
      %dma_start3A_494 = tpu.memref_slice %arg15[%add3A_404, %dma_start3A_493] : memref<10240x128xf32, #tpu.memory_space<vmem_shared>> -> memref<80x128xf32, #tpu.memory_space<vmem_shared>>
      tpu.enqueue_dma source(%dma_start3A_494 : memref<80x128xf32, #tpu.memory_space<vmem_shared>>) target(%arg10 : memref<80x128xf32, #tpu.memory_space<vmem>>) target_semaphore(%run_scoped3A_490 : memref<!tpu.dma_semaphore, #tpu.memory_space<semaphore_mem>>)
      %dma_wait3A_495 = arith.constant 0 : i32
      %dma_wait3A_496 = tpu.memref_slice %arg15[%add3A_404, %dma_wait3A_495] : memref<10240x128xf32, #tpu.memory_space<vmem_shared>> -> memref<80x128xf32, #tpu.memory_space<vmem_shared>>
      %dma_wait3A_497 = arith.constant 0 : i32
      %dma_wait3A_498 = tpu.memref_slice %arg15[%add3A_404, %dma_wait3A_497] : memref<10240x128xf32, #tpu.memory_space<vmem_shared>> -> memref<80x128xf32, #tpu.memory_space<vmem_shared>>
      tpu.wait_dma2 semaphore(%run_scoped3A_490 : memref<!tpu.dma_semaphore, #tpu.memory_space<semaphore_mem>>) src(%dma_wait3A_498 : memref<80x128xf32, #tpu.memory_space<vmem_shared>>) dst(%arg10 : memref<80x128xf32, #tpu.memory_space<vmem>>)
      tpu.yield
    }) : () -> ()
    %mul3A_405 = arith.constant 10240 : i32
    %mul3A_406 = arith.muli %arg0, %mul3A_405 : i32
    %mul3A_407 = arith.constant 640 : i32
    %mul3A_408 = arith.muli %arg1, %mul3A_407 : i32
    %add3A_409 = arith.addi %mul3A_406, %mul3A_408 : i32
    %add3A_410 = arith.constant 400 : i32
    %add3A_411 = arith.addi %add3A_409, %add3A_410 : i32
    %dma_start3A_412 = arith.constant 0 : i32
    %dma_start3A_413 = tpu.memref_slice %arg6[%add3A_411, %dma_start3A_412] : memref<20480x128xf32, #tpu.memory_space<hbm>> -> memref<80x128xf32, #tpu.memory_space<hbm>>
    %dma_start3A_414 = arith.constant 0 : i32
    %dma_start3A_415 = tpu.memref_slice %arg6[%add3A_411, %dma_start3A_414] : memref<20480x128xf32, #tpu.memory_space<hbm>> -> memref<80x128xf32, #tpu.memory_space<hbm>>
    tpu.enqueue_dma source(%arg10 : memref<80x128xf32, #tpu.memory_space<vmem>>) target(%dma_start3A_415 : memref<80x128xf32, #tpu.memory_space<hbm>>) target_semaphore(%arg13 : memref<!tpu.dma_semaphore, #tpu.memory_space<semaphore_mem>>)
    %mul3A_416 = arith.constant 10240 : i32
    %mul3A_417 = arith.muli %arg0, %mul3A_416 : i32
    %mul3A_418 = arith.constant 640 : i32
    %mul3A_419 = arith.muli %arg1, %mul3A_418 : i32
    %add3A_420 = arith.addi %mul3A_417, %mul3A_419 : i32
    %add3A_421 = arith.constant 320 : i32
    %add3A_422 = arith.addi %add3A_420, %add3A_421 : i32
    %dma_wait3A_423 = arith.constant 0 : i32
    %dma_wait3A_424 = tpu.memref_slice %arg6[%add3A_422, %dma_wait3A_423] : memref<20480x128xf32, #tpu.memory_space<hbm>> -> memref<80x128xf32, #tpu.memory_space<hbm>>
    %dma_wait3A_425 = arith.constant 0 : i32
    %dma_wait3A_426 = tpu.memref_slice %arg6[%add3A_422, %dma_wait3A_425] : memref<20480x128xf32, #tpu.memory_space<hbm>> -> memref<80x128xf32, #tpu.memory_space<hbm>>
    tpu.wait_dma2 semaphore(%arg12 : memref<!tpu.dma_semaphore, #tpu.memory_space<semaphore_mem>>) src(%arg9 : memref<80x128xf32, #tpu.memory_space<vmem>>) dst(%dma_wait3A_426 : memref<80x128xf32, #tpu.memory_space<hbm>>)
    %mul3A_427 = arith.constant 640 : i32
    %mul3A_428 = arith.muli %arg1, %mul3A_427 : i32
    %add3A_429 = arith.constant 480 : i32
    %add3A_430 = arith.addi %mul3A_428, %add3A_429 : i32
    "tpu.region"() ({
      %run_scoped3A_490 = tpu.sem_alloc : memref<!tpu.dma_semaphore, #tpu.memory_space<semaphore_mem>>
      %dma_start3A_491 = arith.constant 0 : i32
      %dma_start3A_492 = tpu.memref_slice %arg15[%add3A_430, %dma_start3A_491] : memref<10240x128xf32, #tpu.memory_space<vmem_shared>> -> memref<80x128xf32, #tpu.memory_space<vmem_shared>>
      %dma_start3A_493 = arith.constant 0 : i32
      %dma_start3A_494 = tpu.memref_slice %arg15[%add3A_430, %dma_start3A_493] : memref<10240x128xf32, #tpu.memory_space<vmem_shared>> -> memref<80x128xf32, #tpu.memory_space<vmem_shared>>
      tpu.enqueue_dma source(%dma_start3A_494 : memref<80x128xf32, #tpu.memory_space<vmem_shared>>) target(%arg9 : memref<80x128xf32, #tpu.memory_space<vmem>>) target_semaphore(%run_scoped3A_490 : memref<!tpu.dma_semaphore, #tpu.memory_space<semaphore_mem>>)
      %dma_wait3A_495 = arith.constant 0 : i32
      %dma_wait3A_496 = tpu.memref_slice %arg15[%add3A_430, %dma_wait3A_495] : memref<10240x128xf32, #tpu.memory_space<vmem_shared>> -> memref<80x128xf32, #tpu.memory_space<vmem_shared>>
      %dma_wait3A_497 = arith.constant 0 : i32
      %dma_wait3A_498 = tpu.memref_slice %arg15[%add3A_430, %dma_wait3A_497] : memref<10240x128xf32, #tpu.memory_space<vmem_shared>> -> memref<80x128xf32, #tpu.memory_space<vmem_shared>>
      tpu.wait_dma2 semaphore(%run_scoped3A_490 : memref<!tpu.dma_semaphore, #tpu.memory_space<semaphore_mem>>) src(%dma_wait3A_498 : memref<80x128xf32, #tpu.memory_space<vmem_shared>>) dst(%arg9 : memref<80x128xf32, #tpu.memory_space<vmem>>)
      tpu.yield
    }) : () -> ()
    %mul3A_431 = arith.constant 10240 : i32
    %mul3A_432 = arith.muli %arg0, %mul3A_431 : i32
    %mul3A_433 = arith.constant 640 : i32
    %mul3A_434 = arith.muli %arg1, %mul3A_433 : i32
    %add3A_435 = arith.addi %mul3A_432, %mul3A_434 : i32
    %add3A_436 = arith.constant 480 : i32
    %add3A_437 = arith.addi %add3A_435, %add3A_436 : i32
    %dma_start3A_438 = arith.constant 0 : i32
    %dma_start3A_439 = tpu.memref_slice %arg6[%add3A_437, %dma_start3A_438] : memref<20480x128xf32, #tpu.memory_space<hbm>> -> memref<80x128xf32, #tpu.memory_space<hbm>>
    %dma_start3A_440 = arith.constant 0 : i32
    %dma_start3A_441 = tpu.memref_slice %arg6[%add3A_437, %dma_start3A_440] : memref<20480x128xf32, #tpu.memory_space<hbm>> -> memref<80x128xf32, #tpu.memory_space<hbm>>
    tpu.enqueue_dma source(%arg9 : memref<80x128xf32, #tpu.memory_space<vmem>>) target(%dma_start3A_441 : memref<80x128xf32, #tpu.memory_space<hbm>>) target_semaphore(%arg12 : memref<!tpu.dma_semaphore, #tpu.memory_space<semaphore_mem>>)
    %mul3A_442 = arith.constant 10240 : i32
    %mul3A_443 = arith.muli %arg0, %mul3A_442 : i32
    %mul3A_444 = arith.constant 640 : i32
    %mul3A_445 = arith.muli %arg1, %mul3A_444 : i32
    %add3A_446 = arith.addi %mul3A_443, %mul3A_445 : i32
    %add3A_447 = arith.constant 400 : i32
    %add3A_448 = arith.addi %add3A_446, %add3A_447 : i32
    %dma_wait3A_449 = arith.constant 0 : i32
    %dma_wait3A_450 = tpu.memref_slice %arg6[%add3A_448, %dma_wait3A_449] : memref<20480x128xf32, #tpu.memory_space<hbm>> -> memref<80x128xf32, #tpu.memory_space<hbm>>
    %dma_wait3A_451 = arith.constant 0 : i32
    %dma_wait3A_452 = tpu.memref_slice %arg6[%add3A_448, %dma_wait3A_451] : memref<20480x128xf32, #tpu.memory_space<hbm>> -> memref<80x128xf32, #tpu.memory_space<hbm>>
    tpu.wait_dma2 semaphore(%arg13 : memref<!tpu.dma_semaphore, #tpu.memory_space<semaphore_mem>>) src(%arg10 : memref<80x128xf32, #tpu.memory_space<vmem>>) dst(%dma_wait3A_452 : memref<80x128xf32, #tpu.memory_space<hbm>>)
    %mul3A_453 = arith.constant 640 : i32
    %mul3A_454 = arith.muli %arg1, %mul3A_453 : i32
    %add3A_455 = arith.constant 560 : i32
    %add3A_456 = arith.addi %mul3A_454, %add3A_455 : i32
    "tpu.region"() ({
      %run_scoped3A_490 = tpu.sem_alloc : memref<!tpu.dma_semaphore, #tpu.memory_space<semaphore_mem>>
      %dma_start3A_491 = arith.constant 0 : i32
      %dma_start3A_492 = tpu.memref_slice %arg15[%add3A_456, %dma_start3A_491] : memref<10240x128xf32, #tpu.memory_space<vmem_shared>> -> memref<80x128xf32, #tpu.memory_space<vmem_shared>>
      %dma_start3A_493 = arith.constant 0 : i32
      %dma_start3A_494 = tpu.memref_slice %arg15[%add3A_456, %dma_start3A_493] : memref<10240x128xf32, #tpu.memory_space<vmem_shared>> -> memref<80x128xf32, #tpu.memory_space<vmem_shared>>
      tpu.enqueue_dma source(%dma_start3A_494 : memref<80x128xf32, #tpu.memory_space<vmem_shared>>) target(%arg10 : memref<80x128xf32, #tpu.memory_space<vmem>>) target_semaphore(%run_scoped3A_490 : memref<!tpu.dma_semaphore, #tpu.memory_space<semaphore_mem>>)
      %dma_wait3A_495 = arith.constant 0 : i32
      %dma_wait3A_496 = tpu.memref_slice %arg15[%add3A_456, %dma_wait3A_495] : memref<10240x128xf32, #tpu.memory_space<vmem_shared>> -> memref<80x128xf32, #tpu.memory_space<vmem_shared>>
      %dma_wait3A_497 = arith.constant 0 : i32
      %dma_wait3A_498 = tpu.memref_slice %arg15[%add3A_456, %dma_wait3A_497] : memref<10240x128xf32, #tpu.memory_space<vmem_shared>> -> memref<80x128xf32, #tpu.memory_space<vmem_shared>>
      tpu.wait_dma2 semaphore(%run_scoped3A_490 : memref<!tpu.dma_semaphore, #tpu.memory_space<semaphore_mem>>) src(%dma_wait3A_498 : memref<80x128xf32, #tpu.memory_space<vmem_shared>>) dst(%arg10 : memref<80x128xf32, #tpu.memory_space<vmem>>)
      tpu.yield
    }) : () -> ()
    %mul3A_457 = arith.constant 10240 : i32
    %mul3A_458 = arith.muli %arg0, %mul3A_457 : i32
    %mul3A_459 = arith.constant 640 : i32
    %mul3A_460 = arith.muli %arg1, %mul3A_459 : i32
    %add3A_461 = arith.addi %mul3A_458, %mul3A_460 : i32
    %add3A_462 = arith.constant 560 : i32
    %add3A_463 = arith.addi %add3A_461, %add3A_462 : i32
    %dma_start3A_464 = arith.constant 0 : i32
    %dma_start3A_465 = tpu.memref_slice %arg6[%add3A_463, %dma_start3A_464] : memref<20480x128xf32, #tpu.memory_space<hbm>> -> memref<80x128xf32, #tpu.memory_space<hbm>>
    %dma_start3A_466 = arith.constant 0 : i32
    %dma_start3A_467 = tpu.memref_slice %arg6[%add3A_463, %dma_start3A_466] : memref<20480x128xf32, #tpu.memory_space<hbm>> -> memref<80x128xf32, #tpu.memory_space<hbm>>
    tpu.enqueue_dma source(%arg10 : memref<80x128xf32, #tpu.memory_space<vmem>>) target(%dma_start3A_467 : memref<80x128xf32, #tpu.memory_space<hbm>>) target_semaphore(%arg13 : memref<!tpu.dma_semaphore, #tpu.memory_space<semaphore_mem>>)
    %mul3A_468 = arith.constant 10240 : i32
    %mul3A_469 = arith.muli %arg0, %mul3A_468 : i32
    %mul3A_470 = arith.constant 640 : i32
    %mul3A_471 = arith.muli %arg1, %mul3A_470 : i32
    %add3A_472 = arith.addi %mul3A_469, %mul3A_471 : i32
    %add3A_473 = arith.constant 480 : i32
    %add3A_474 = arith.addi %add3A_472, %add3A_473 : i32
    %dma_wait3A_475 = arith.constant 0 : i32
    %dma_wait3A_476 = tpu.memref_slice %arg6[%add3A_474, %dma_wait3A_475] : memref<20480x128xf32, #tpu.memory_space<hbm>> -> memref<80x128xf32, #tpu.memory_space<hbm>>
    %dma_wait3A_477 = arith.constant 0 : i32
    %dma_wait3A_478 = tpu.memref_slice %arg6[%add3A_474, %dma_wait3A_477] : memref<20480x128xf32, #tpu.memory_space<hbm>> -> memref<80x128xf32, #tpu.memory_space<hbm>>
    tpu.wait_dma2 semaphore(%arg12 : memref<!tpu.dma_semaphore, #tpu.memory_space<semaphore_mem>>) src(%arg9 : memref<80x128xf32, #tpu.memory_space<vmem>>) dst(%dma_wait3A_478 : memref<80x128xf32, #tpu.memory_space<hbm>>)
    %mul3A_479 = arith.constant 10240 : i32
    %mul3A_480 = arith.muli %arg0, %mul3A_479 : i32
    %mul3A_481 = arith.constant 640 : i32
    %mul3A_482 = arith.muli %arg1, %mul3A_481 : i32
    %add3A_483 = arith.addi %mul3A_480, %mul3A_482 : i32
    %add3A_484 = arith.constant 560 : i32
    %add3A_485 = arith.addi %add3A_483, %add3A_484 : i32
    %dma_wait3A_486 = arith.constant 0 : i32
    %dma_wait3A_487 = tpu.memref_slice %arg6[%add3A_485, %dma_wait3A_486] : memref<20480x128xf32, #tpu.memory_space<hbm>> -> memref<80x128xf32, #tpu.memory_space<hbm>>
    %dma_wait3A_488 = arith.constant 0 : i32
    %dma_wait3A_489 = tpu.memref_slice %arg6[%add3A_485, %dma_wait3A_488] : memref<20480x128xf32, #tpu.memory_space<hbm>> -> memref<80x128xf32, #tpu.memory_space<hbm>>
    tpu.wait_dma2 semaphore(%arg13 : memref<!tpu.dma_semaphore, #tpu.memory_space<semaphore_mem>>) src(%arg10 : memref<80x128xf32, #tpu.memory_space<vmem>>) dst(%dma_wait3A_489 : memref<80x128xf32, #tpu.memory_space<hbm>>)
    return
  }
}

module attributes {stable_mosaic.version = 14 : i64} {
  func.func @_tc_g1_body(%arg0: i32, %arg1: memref<2x2000x16xf32, #tpu.memory_space<vmem>>, %arg2: memref<2000x128xf32, #tpu.memory_space<vmem>>, %arg3: memref<128x128xf32, #tpu.memory_space<vmem>>, %arg4: memref<2000x128xf32, #tpu.memory_space<vmem>>) attributes {dimension_semantics = [#tpu.dimension_semantics<arbitrary>], iteration_bounds = array<i64: 5>, scalar_prefetch = 0 : i64, scratch_operands = 0 : i64, tpu.core_type = #tpu.core_type<tc>, window_params = [{transform_indices = @transform_0, window_bounds = array<i64: 2, 2000, 16>}, {transform_indices = @transform_1, window_bounds = array<i64: 2000, 128>}, {pipeline_mode = #tpu.pipeline_mode<synchronous>, transform_indices = @transform_2, window_bounds = array<i64: 128, 128>}, {transform_indices = @transform_3, window_bounds = array<i64: 2000, 128>}]} {
    %get3A = arith.constant 0 : index
    %get3A_0 = arith.constant 0 : index
    %get3A_1 = arith.constant 0 : index
    %get3A_2 = vector.load %arg1[%get3A, %get3A_0, %get3A_1] : memref<2x2000x16xf32, #tpu.memory_space<vmem>>, vector<1x2000x16xf32>
    %get3A_3 = vector.shape_cast %get3A_2 : vector<1x2000x16xf32> to vector<2000x16xf32>
    %reduce_sum3A = arith.constant dense<0.000000e+00> : vector<2000xf32>
    %reduce_sum3A_4 = vector.multi_reduction <add>, %get3A_3, %reduce_sum3A [1] : vector<2000x16xf32> to vector<2000xf32>
    %div3A = arith.constant 1.600000e+01 : f32
    %div3A_5 = vector.broadcast %div3A : f32 to vector<2000xf32>
    %div3A_6 = arith.divf %reduce_sum3A_4, %div3A_5 : vector<2000xf32>
    %get3A_7 = arith.constant 1 : index
    %get3A_8 = arith.constant 0 : index
    %get3A_9 = arith.constant 0 : index
    %get3A_10 = vector.load %arg1[%get3A_7, %get3A_8, %get3A_9] : memref<2x2000x16xf32, #tpu.memory_space<vmem>>, vector<1x2000x16xf32>
    %get3A_11 = vector.shape_cast %get3A_10 : vector<1x2000x16xf32> to vector<2000x16xf32>
    %reduce_sum3A_12 = arith.constant dense<0.000000e+00> : vector<2000xf32>
    %reduce_sum3A_13 = vector.multi_reduction <add>, %get3A_11, %reduce_sum3A_12 [1] : vector<2000x16xf32> to vector<2000xf32>
    %div3A_14 = arith.constant 1.600000e+01 : f32
    %div3A_15 = vector.broadcast %div3A_14 : f32 to vector<2000xf32>
    %div3A_16 = arith.divf %reduce_sum3A_13, %div3A_15 : vector<2000xf32>
    %add3A = arith.addf %div3A_6, %div3A_16 : vector<2000xf32>
    %add3A_17 = arith.constant 1.000000e+00 : f32
    %add3A_18 = vector.broadcast %add3A_17 : f32 to vector<2000xf32>
    %add3A_19 = arith.addf %add3A, %add3A_18 : vector<2000xf32>
    %rsqrt3A = math.rsqrt %add3A_19 : vector<2000xf32>
    %get3A_20 = arith.constant 0 : index
    %get3A_21 = arith.constant 0 : index
    %get3A_22 = vector.load %arg2[%get3A_20, %get3A_21] : memref<2000x128xf32, #tpu.memory_space<vmem>>, vector<2000x128xf32>
    %get3A_23 = arith.constant 0 : index
    %get3A_24 = arith.constant 0 : index
    %get3A_25 = vector.load %arg3[%get3A_23, %get3A_24] : memref<128x128xf32, #tpu.memory_space<vmem>>, vector<128x128xf32>
    %dot_general3A = arith.constant dense<0.000000e+00> : vector<2000x128xf32>
    %dot_general3A_26 = tpu.matmul %get3A_22, %get3A_25, %dot_general3A {dimension_numbers = #tpu.dot_dimension_numbers<[1], [0], [0], [1], [0, 0, 1, 1], [], []>, transpose_lhs_hint = false} : vector<2000x128xf32>, vector<128x128xf32>, vector<2000x128xf32> -> vector<2000x128xf32>
    %broadcast_in_dim3A = vector.shape_cast %rsqrt3A : vector<2000xf32> to vector<2000x1xf32>
    %mul3A = vector.broadcast %broadcast_in_dim3A : vector<2000x1xf32> to vector<2000x128xf32>
    %mul3A_27 = arith.mulf %mul3A, %dot_general3A_26 : vector<2000x128xf32>
    %swap3A = arith.constant 0 : index
    %swap3A_28 = arith.constant 0 : index
    %swap3A_29 = vector.load %arg4[%swap3A, %swap3A_28] : memref<2000x128xf32, #tpu.memory_space<vmem>>, vector<2000x128xf32>
    tpu.vector_store %arg4[%swap3A, %swap3A_28], %mul3A_27 {strides = array<i32>} : memref<2000x128xf32, #tpu.memory_space<vmem>>, vector<2000x128xf32>,
    return
  }
  func.func @transform_0(%arg0: i32) -> (i32, i32, i32) {
    %c0_i32 = arith.constant 0 : i32
    %c0_i32_0 = arith.constant 0 : i32
    %c0_i32_1 = arith.constant 0 : i32
    return %c0_i32, %arg0, %c0_i32_0 : i32, i32, i32
  }
  func.func @transform_1(%arg0: i32) -> (i32, i32) {
    %c0_i32 = arith.constant 0 : i32
    %c0_i32_0 = arith.constant 0 : i32
    return %arg0, %c0_i32 : i32, i32
  }
  func.func @transform_2(%arg0: i32) -> (i32, i32) {
    %c0_i32 = arith.constant 0 : i32
    %c0_i32_0 = arith.constant 0 : i32
    %c0_i32_1 = arith.constant 0 : i32
    return %c0_i32, %c0_i32_0 : i32, i32
  }
  func.func @transform_3(%arg0: i32) -> (i32, i32) {
    %c0_i32 = arith.constant 0 : i32
    %c0_i32_0 = arith.constant 0 : i32
    return %arg0, %c0_i32 : i32, i32
  }
}

module attributes {stable_mosaic.version = 14 : i64} {
  func.func @_tc_mid_body(%arg0: i32, %arg1: memref<2x2000x16xf32, #tpu.memory_space<vmem>>, %arg2: memref<2x2000x128xf32, #tpu.memory_space<vmem>>, %arg3: memref<2000x128xf32, #tpu.memory_space<vmem>>, %arg4: memref<128x128xf32, #tpu.memory_space<vmem>>, %arg5: memref<1x128xf32, #tpu.memory_space<vmem>>, %arg6: memref<2000x128xf32, #tpu.memory_space<vmem>>) attributes {dimension_semantics = [#tpu.dimension_semantics<arbitrary>], iteration_bounds = array<i64: 5>, scalar_prefetch = 0 : i64, scratch_operands = 0 : i64, tpu.core_type = #tpu.core_type<tc>, window_params = [{transform_indices = @transform_0, window_bounds = array<i64: 2, 2000, 16>}, {transform_indices = @transform_1, window_bounds = array<i64: 2, 2000, 128>}, {transform_indices = @transform_2, window_bounds = array<i64: 2000, 128>}, {pipeline_mode = #tpu.pipeline_mode<synchronous>, transform_indices = @transform_3, window_bounds = array<i64: 128, 128>}, {pipeline_mode = #tpu.pipeline_mode<synchronous>, transform_indices = @transform_4, window_bounds = array<i64: 1, 128>}, {transform_indices = @transform_5, window_bounds = array<i64: 2000, 128>}]} {
    %get3A = arith.constant 0 : index
    %get3A_0 = arith.constant 0 : index
    %get3A_1 = arith.constant 0 : index
    %get3A_2 = vector.load %arg1[%get3A, %get3A_0, %get3A_1] : memref<2x2000x16xf32, #tpu.memory_space<vmem>>, vector<1x2000x16xf32>
    %get3A_3 = vector.shape_cast %get3A_2 : vector<1x2000x16xf32> to vector<2000x16xf32>
    %reduce_sum3A = arith.constant dense<0.000000e+00> : vector<2000xf32>
    %reduce_sum3A_4 = vector.multi_reduction <add>, %get3A_3, %reduce_sum3A [1] : vector<2000x16xf32> to vector<2000xf32>
    %div3A = arith.constant 1.600000e+01 : f32
    %div3A_5 = vector.broadcast %div3A : f32 to vector<2000xf32>
    %div3A_6 = arith.divf %reduce_sum3A_4, %div3A_5 : vector<2000xf32>
    %get3A_7 = arith.constant 1 : index
    %get3A_8 = arith.constant 0 : index
    %get3A_9 = arith.constant 0 : index
    %get3A_10 = vector.load %arg1[%get3A_7, %get3A_8, %get3A_9] : memref<2x2000x16xf32, #tpu.memory_space<vmem>>, vector<1x2000x16xf32>
    %get3A_11 = vector.shape_cast %get3A_10 : vector<1x2000x16xf32> to vector<2000x16xf32>
    %reduce_sum3A_12 = arith.constant dense<0.000000e+00> : vector<2000xf32>
    %reduce_sum3A_13 = vector.multi_reduction <add>, %get3A_11, %reduce_sum3A_12 [1] : vector<2000x16xf32> to vector<2000xf32>
    %div3A_14 = arith.constant 1.600000e+01 : f32
    %div3A_15 = vector.broadcast %div3A_14 : f32 to vector<2000xf32>
    %div3A_16 = arith.divf %reduce_sum3A_13, %div3A_15 : vector<2000xf32>
    %add3A = arith.addf %div3A_6, %div3A_16 : vector<2000xf32>
    %add3A_17 = arith.constant 1.000000e+00 : f32
    %add3A_18 = vector.broadcast %add3A_17 : f32 to vector<2000xf32>
    %add3A_19 = arith.addf %add3A, %add3A_18 : vector<2000xf32>
    %rsqrt3A = math.rsqrt %add3A_19 : vector<2000xf32>
    %get3A_20 = arith.constant 0 : index
    %get3A_21 = arith.constant 0 : index
    %get3A_22 = arith.constant 0 : index
    %get3A_23 = vector.load %arg2[%get3A_20, %get3A_21, %get3A_22] : memref<2x2000x128xf32, #tpu.memory_space<vmem>>, vector<1x2000x128xf32>
    %get3A_24 = vector.shape_cast %get3A_23 : vector<1x2000x128xf32> to vector<2000x128xf32>
    %get3A_25 = arith.constant 1 : index
    %get3A_26 = arith.constant 0 : index
    %get3A_27 = arith.constant 0 : index
    %get3A_28 = vector.load %arg2[%get3A_25, %get3A_26, %get3A_27] : memref<2x2000x128xf32, #tpu.memory_space<vmem>>, vector<1x2000x128xf32>
    %get3A_29 = vector.shape_cast %get3A_28 : vector<1x2000x128xf32> to vector<2000x128xf32>
    %add3A_30 = arith.addf %get3A_24, %get3A_29 : vector<2000x128xf32>
    %get3A_31 = arith.constant 0 : index
    %get3A_32 = arith.constant 0 : index
    %get3A_33 = vector.load %arg3[%get3A_31, %get3A_32] : memref<2000x128xf32, #tpu.memory_space<vmem>>, vector<2000x128xf32>
    %add3A_34 = arith.addf %add3A_30, %get3A_33 : vector<2000x128xf32>
    %broadcast_in_dim3A = vector.shape_cast %rsqrt3A : vector<2000xf32> to vector<2000x1xf32>
    %mul3A = vector.broadcast %broadcast_in_dim3A : vector<2000x1xf32> to vector<2000x128xf32>
    %mul3A_35 = arith.mulf %mul3A, %add3A_34 : vector<2000x128xf32>
    %get3A_36 = arith.constant 0 : index
    %get3A_37 = arith.constant 0 : index
    %get3A_38 = vector.load %arg5[%get3A_36, %get3A_37] : memref<1x128xf32, #tpu.memory_space<vmem>>, vector<1x128xf32>
    %add3A_39 = vector.broadcast %get3A_38 : vector<1x128xf32> to vector<2000x128xf32>
    %add3A_40 = arith.addf %mul3A_35, %add3A_39 : vector<2000x128xf32>
    %max3A = arith.constant 0.000000e+00 : f32
    %max3A_41 = vector.broadcast %max3A : f32 to vector<2000x128xf32>
    %max3A_42 = arith.maximumf %add3A_40, %max3A_41 : vector<2000x128xf32>
    %broadcast_in_dim3A_43 = vector.shape_cast %rsqrt3A : vector<2000xf32> to vector<2000x1xf32>
    %get3A_44 = arith.constant 0 : index
    %get3A_45 = arith.constant 0 : index
    %get3A_46 = vector.load %arg4[%get3A_44, %get3A_45] : memref<128x128xf32, #tpu.memory_space<vmem>>, vector<128x128xf32>
    %dot_general3A = arith.constant dense<0.000000e+00> : vector<2000x128xf32>
    %dot_general3A_47 = tpu.matmul %max3A_42, %get3A_46, %dot_general3A {dimension_numbers = #tpu.dot_dimension_numbers<[1], [0], [0], [1], [0, 0, 1, 1], [], []>, transpose_lhs_hint = false} : vector<2000x128xf32>, vector<128x128xf32>, vector<2000x128xf32> -> vector<2000x128xf32>
    %mul3A_48 = vector.broadcast %broadcast_in_dim3A_43 : vector<2000x1xf32> to vector<2000x128xf32>
    %mul3A_49 = arith.mulf %mul3A_48, %dot_general3A_47 : vector<2000x128xf32>
    %swap3A = arith.constant 0 : index
    %swap3A_50 = arith.constant 0 : index
    %swap3A_51 = vector.load %arg6[%swap3A, %swap3A_50] : memref<2000x128xf32, #tpu.memory_space<vmem>>, vector<2000x128xf32>
    tpu.vector_store %arg6[%swap3A, %swap3A_50], %mul3A_49 {strides = array<i32>} : memref<2000x128xf32, #tpu.memory_space<vmem>>, vector<2000x128xf32>,
    return
  }
  func.func @transform_0(%arg0: i32) -> (i32, i32, i32) {
    %c0_i32 = arith.constant 0 : i32
    %c0_i32_0 = arith.constant 0 : i32
    %c0_i32_1 = arith.constant 0 : i32
    return %c0_i32, %arg0, %c0_i32_0 : i32, i32, i32
  }
  func.func @transform_1(%arg0: i32) -> (i32, i32, i32) {
    %c0_i32 = arith.constant 0 : i32
    %c0_i32_0 = arith.constant 0 : i32
    %c0_i32_1 = arith.constant 0 : i32
    return %c0_i32, %arg0, %c0_i32_0 : i32, i32, i32
  }
  func.func @transform_2(%arg0: i32) -> (i32, i32) {
    %c0_i32 = arith.constant 0 : i32
    %c0_i32_0 = arith.constant 0 : i32
    return %arg0, %c0_i32 : i32, i32
  }
  func.func @transform_3(%arg0: i32) -> (i32, i32) {
    %c0_i32 = arith.constant 0 : i32
    %c0_i32_0 = arith.constant 0 : i32
    %c0_i32_1 = arith.constant 0 : i32
    return %c0_i32, %c0_i32_0 : i32, i32
  }
  func.func @transform_4(%arg0: i32) -> (i32, i32) {
    %c0_i32 = arith.constant 0 : i32
    %c0_i32_0 = arith.constant 0 : i32
    %c0_i32_1 = arith.constant 0 : i32
    return %c0_i32, %c0_i32_0 : i32, i32
  }
  func.func @transform_5(%arg0: i32) -> (i32, i32) {
    %c0_i32 = arith.constant 0 : i32
    %c0_i32_0 = arith.constant 0 : i32
    return %arg0, %c0_i32 : i32, i32
  }
}

module attributes {stable_mosaic.version = 14 : i64} {
  func.func @_tc_fin_body(%arg0: i32, %arg1: memref<2x2000x16xf32, #tpu.memory_space<vmem>>, %arg2: memref<2x2000x128xf32, #tpu.memory_space<vmem>>, %arg3: memref<2000x128xf32, #tpu.memory_space<vmem>>, %arg4: memref<1x128xf32, #tpu.memory_space<vmem>>, %arg5: memref<2000x128xf32, #tpu.memory_space<vmem>>) attributes {dimension_semantics = [#tpu.dimension_semantics<arbitrary>], iteration_bounds = array<i64: 5>, scalar_prefetch = 0 : i64, scratch_operands = 0 : i64, tpu.core_type = #tpu.core_type<tc>, window_params = [{transform_indices = @transform_0, window_bounds = array<i64: 2, 2000, 16>}, {transform_indices = @transform_1, window_bounds = array<i64: 2, 2000, 128>}, {transform_indices = @transform_2, window_bounds = array<i64: 2000, 128>}, {pipeline_mode = #tpu.pipeline_mode<synchronous>, transform_indices = @transform_3, window_bounds = array<i64: 1, 128>}, {transform_indices = @transform_4, window_bounds = array<i64: 2000, 128>}]} {
    %get3A = arith.constant 0 : index
    %get3A_0 = arith.constant 0 : index
    %get3A_1 = arith.constant 0 : index
    %get3A_2 = vector.load %arg1[%get3A, %get3A_0, %get3A_1] : memref<2x2000x16xf32, #tpu.memory_space<vmem>>, vector<1x2000x16xf32>
    %get3A_3 = vector.shape_cast %get3A_2 : vector<1x2000x16xf32> to vector<2000x16xf32>
    %reduce_sum3A = arith.constant dense<0.000000e+00> : vector<2000xf32>
    %reduce_sum3A_4 = vector.multi_reduction <add>, %get3A_3, %reduce_sum3A [1] : vector<2000x16xf32> to vector<2000xf32>
    %div3A = arith.constant 1.600000e+01 : f32
    %div3A_5 = vector.broadcast %div3A : f32 to vector<2000xf32>
    %div3A_6 = arith.divf %reduce_sum3A_4, %div3A_5 : vector<2000xf32>
    %get3A_7 = arith.constant 1 : index
    %get3A_8 = arith.constant 0 : index
    %get3A_9 = arith.constant 0 : index
    %get3A_10 = vector.load %arg1[%get3A_7, %get3A_8, %get3A_9] : memref<2x2000x16xf32, #tpu.memory_space<vmem>>, vector<1x2000x16xf32>
    %get3A_11 = vector.shape_cast %get3A_10 : vector<1x2000x16xf32> to vector<2000x16xf32>
    %reduce_sum3A_12 = arith.constant dense<0.000000e+00> : vector<2000xf32>
    %reduce_sum3A_13 = vector.multi_reduction <add>, %get3A_11, %reduce_sum3A_12 [1] : vector<2000x16xf32> to vector<2000xf32>
    %div3A_14 = arith.constant 1.600000e+01 : f32
    %div3A_15 = vector.broadcast %div3A_14 : f32 to vector<2000xf32>
    %div3A_16 = arith.divf %reduce_sum3A_13, %div3A_15 : vector<2000xf32>
    %add3A = arith.addf %div3A_6, %div3A_16 : vector<2000xf32>
    %add3A_17 = arith.constant 1.000000e+00 : f32
    %add3A_18 = vector.broadcast %add3A_17 : f32 to vector<2000xf32>
    %add3A_19 = arith.addf %add3A, %add3A_18 : vector<2000xf32>
    %rsqrt3A = math.rsqrt %add3A_19 : vector<2000xf32>
    %get3A_20 = arith.constant 0 : index
    %get3A_21 = arith.constant 0 : index
    %get3A_22 = arith.constant 0 : index
    %get3A_23 = vector.load %arg2[%get3A_20, %get3A_21, %get3A_22] : memref<2x2000x128xf32, #tpu.memory_space<vmem>>, vector<1x2000x128xf32>
    %get3A_24 = vector.shape_cast %get3A_23 : vector<1x2000x128xf32> to vector<2000x128xf32>
    %get3A_25 = arith.constant 1 : index
    %get3A_26 = arith.constant 0 : index
    %get3A_27 = arith.constant 0 : index
    %get3A_28 = vector.load %arg2[%get3A_25, %get3A_26, %get3A_27] : memref<2x2000x128xf32, #tpu.memory_space<vmem>>, vector<1x2000x128xf32>
    %get3A_29 = vector.shape_cast %get3A_28 : vector<1x2000x128xf32> to vector<2000x128xf32>
    %add3A_30 = arith.addf %get3A_24, %get3A_29 : vector<2000x128xf32>
    %get3A_31 = arith.constant 0 : index
    %get3A_32 = arith.constant 0 : index
    %get3A_33 = vector.load %arg3[%get3A_31, %get3A_32] : memref<2000x128xf32, #tpu.memory_space<vmem>>, vector<2000x128xf32>
    %add3A_34 = arith.addf %add3A_30, %get3A_33 : vector<2000x128xf32>
    %broadcast_in_dim3A = vector.shape_cast %rsqrt3A : vector<2000xf32> to vector<2000x1xf32>
    %mul3A = vector.broadcast %broadcast_in_dim3A : vector<2000x1xf32> to vector<2000x128xf32>
    %mul3A_35 = arith.mulf %mul3A, %add3A_34 : vector<2000x128xf32>
    %get3A_36 = arith.constant 0 : index
    %get3A_37 = arith.constant 0 : index
    %get3A_38 = vector.load %arg4[%get3A_36, %get3A_37] : memref<1x128xf32, #tpu.memory_space<vmem>>, vector<1x128xf32>
    %add3A_39 = vector.broadcast %get3A_38 : vector<1x128xf32> to vector<2000x128xf32>
    %add3A_40 = arith.addf %mul3A_35, %add3A_39 : vector<2000x128xf32>
    %swap3A = arith.constant 0 : index
    %swap3A_41 = arith.constant 0 : index
    %swap3A_42 = vector.load %arg5[%swap3A, %swap3A_41] : memref<2000x128xf32, #tpu.memory_space<vmem>>, vector<2000x128xf32>
    tpu.vector_store %arg5[%swap3A, %swap3A_41], %add3A_40 {strides = array<i32>} : memref<2000x128xf32, #tpu.memory_space<vmem>>, vector<2000x128xf32>,
    return
  }
  func.func @transform_0(%arg0: i32) -> (i32, i32, i32) {
    %c0_i32 = arith.constant 0 : i32
    %c0_i32_0 = arith.constant 0 : i32
    %c0_i32_1 = arith.constant 0 : i32
    return %c0_i32, %arg0, %c0_i32_0 : i32, i32, i32
  }
  func.func @transform_1(%arg0: i32) -> (i32, i32, i32) {
    %c0_i32 = arith.constant 0 : i32
    %c0_i32_0 = arith.constant 0 : i32
    %c0_i32_1 = arith.constant 0 : i32
    return %c0_i32, %arg0, %c0_i32_0 : i32, i32, i32
  }
  func.func @transform_2(%arg0: i32) -> (i32, i32) {
    %c0_i32 = arith.constant 0 : i32
    %c0_i32_0 = arith.constant 0 : i32
    return %arg0, %c0_i32 : i32, i32
  }
  func.func @transform_3(%arg0: i32) -> (i32, i32) {
    %c0_i32 = arith.constant 0 : i32
    %c0_i32_0 = arith.constant 0 : i32
    %c0_i32_1 = arith.constant 0 : i32
    return %c0_i32, %c0_i32_0 : i32, i32
  }
  func.func @transform_4(%arg0: i32) -> (i32, i32) {
    %c0_i32 = arith.constant 0 : i32
    %c0_i32_0 = arith.constant 0 : i32
    return %arg0, %c0_i32 : i32, i32
  }
}

</mosaic_0001>

<sc_bundles>
// kernel: kernel.11.cloned.1.call-start
scs
__scs_entry_jumppad:
0x0: {  	(pc) =	sbr.rel $0x88, $3  }
0x1: {  	(tag) =	ssettag $0x0;
	lr =	simm.s32 $0x1  }
0x2: {  	[smem:$0x3F9B] =	sst lr;
	_ =	strace $0xD0000000  }
0x3: {  	_ = 	snop  }
0x4: {  	_ = 	snop  }
0x5: {  	_ = 	snop  }
0x6: {  	_ = 	snop  }
0x7: {  	_ = 	snop  }
__scs_overlays_trampoline_lowered:
0x8: {  	[smem:$0x3FAA] =	sst s0  }
0x9: {  	[smem:$0x3FAB] =	sst s1  }
0xa: {  	[smem:$0x3FAC] =	sst s2  }
0xb: {  	[smem:$0x3FAD] =	sst s3  }
0xc: {  	[smem:$0x3FAE] =	sst s4  }
0xd: {  	[smem:$0x3FAF] =	sst s5  }
0xe: {  	[smem:$0x3FB0] =	sst s6  }
0xf: {  	[smem:$0x3FB1] =	sst s7  }
0x10: {  	[smem:$0x3FB2] =	sst s8  }
0x11: {  	[smem:$0x3FB3] =	sst s9;
	s0 =	simm.s32 @!p0 $0x0  }
0x12: {  	s1 =	sld [smem:$0x3F99];
	s0 =	simm.s32 @p0 $0x1  }
0x13: {  	[smem:$0x3FB4] =	sst s0;
	s0 =	simm.s32 @!p1 $0x0  }
0x14: {  	s2 =	sld [smem:$0x3F98];
	s0 =	simm.s32 @p1 $0x1  }
0x15: {  	[smem:$0x3FB5] =	sst s0;
	s0 =	simm.s32 @!p2 $0x0  }
0x16: {  	s3 =	sld [smem:$0x3FDB];
	s0 =	simm.s32 @p2 $0x1  }
0x17: {  	s4 =	simm.s32 $0x1BF5;
	[smem:$0x3FB7] =	sst s0  }
0x18: {  	s0 =	sld [smem:$0x3F9A];
	_ =	swait.ge [sflag:s4], $0x0  }
0x19: {  	s7 =	sld [smem:$0x3F9B]  }
0x1a: {  	s8 =	sadd.s32 $0xFFFFE003, lr  }
0x1b: {  	s9 =	sadd.s32 $0xFFFFFEF7, lr;
	s5 =	simm.s32 $0xFFFFFFFF;
	p2 =	slt.u32 s8, $0xFFFFF086  }
0x1c: {  	p1 =	slt.u32 s9, $0xF7A;
	s5 =	simm.s32 @!p2 $0x0  }
0x1d: {  	s5 =	simm.s32 @p1 $0x1;
	p0 =	seq.s32 s7, s2  }
0x1e: {  	s7 =	smul.u32 @!p0 $0xF7A, s2;
	p2 =	seq.s32 @!p0 s5, $0x0  }
0x1f: {  	s9 =	smul.u32 $0xF7A, s1;
	s8 =	simm.s32 @!p0 $0x1BF5;
	p2 =	por !p2, p0  }
0x20: {  	[sflag:s8] =	ssyncset.s32 @!p0 $0xFFFFF086;
	s6 =	sadd.s32 @!p0 s3, s7;
	s7 =	simm.s32 @!p0 $0x108  }
0x21: {  	s3 =	sadd.s32 s3, s9;
	s6 =	sadd.s32 @!p0 $0x88, s6;
	s7 =	simm.s32 @p2 $0x1082  }
0x22: {  	[simem:s7], [sflag:s8] =	dma.local @!p0 [hbm:s6], $0xF7A  }
0x23: {  	s9 =	sor.u32 $0xD0000000, s2;
	s6 =	simm.s32 $0x108;
	_ =	swait.ge @!p0 [sflag:s8], $0x0  }
0x24: {  	s3 =	sadd.s32 $0x88, s3;
	s6 =	simm.s32 @!p1 $0x1082;
	[sflag:s4] =	ssyncset.s32 $0xFFFFF086  }
0x25: {  	[simem:s6], [sflag:s4] =	dma.local [hbm:s3], $0xF7A  }
0x26: {  	[smem:$0x3F9B] =	sst s1;
	(tag) =	ssettag s2;
	_ =	strace s9  }
0x27: {  	s1 =	sld [smem:$0x3FAB]  }
0x28: {  	s2 =	sld [smem:$0x3FAC]  }
0x29: {  	s4 =	sld [smem:$0x3FAE]  }
0x2a: {  	p0 =	seq.s32 s5, $0x0;
	s5 =	sld [smem:$0x3FAF]  }
0x2b: {  	s6 =	sld [smem:$0x3FB0]  }
0x2c: {  	s7 =	sld [smem:$0x3FB1]  }
0x2d: {  	s3 =	simm.s32 $0x108;
	s8 =	sld [smem:$0x3FB2]  }
0x2e: {  	s3 =	simm.s32 @!p0 $0x1082;
	s9 =	sld [smem:$0x3FB3]  }
0x2f: {  	lr =	sadd.s32 s0, s3;
	s0 =	sld [smem:$0x3FAA]  }
0x30: {  	s3 =	sld [smem:$0x3FAD]  }
0x31: {  	[smem:$0x3FB6] =	sst s10  }
0x32: {  	s10 =	sld [smem:$0x3FB4];
	_ =	sdelay $0x3  }
0x33: {  	p0 =	seq.s32 s10, $0x1;
	s10 =	sld [smem:$0x3FB6];
	_ =	sdelay $0x3  }
0x34: {  	[smem:$0x3FB6] =	sst s10  }
0x35: {  	s10 =	sld [smem:$0x3FB5];
	_ =	sdelay $0x3  }
0x36: {  	p1 =	seq.s32 s10, $0x1;
	s10 =	sld [smem:$0x3FB6];
	_ =	sdelay $0x3  }
0x37: {  	[smem:$0x3FB6] =	sst s10  }
0x38: {  	s10 =	sld [smem:$0x3FB7]  }
0x39: {  	_ = 	snop;
	(pc) =	sbr.ind lr, $3  }
0x3a: {  	_ = 	snop  }
0x3b: {  	_ = 	snop  }
0x3c: {  	p2 =	seq.s32 s10, $0x1;
	s10 =	sld [smem:$0x3FB6]  }
0x3d: {  	_ =	shalt  }
0x3e: {  	_ =	shalt  }
0x3f: {  	_ =	shalt  }
0x40: {  	_ =	shalt  }
0x41: {  	_ =	shalt  }
0x42: {  	_ =	shalt  }
0x43: {  	_ =	shalt  }
0x44: {  	_ =	shalt  }
0x45: {  	_ =	shalt  }
0x46: {  	_ =	shalt  }
0x47: {  	_ =	shalt  }
0x48: {  	_ =	shalt  }
0x49: {  	_ =	shalt  }
0x4a: {  	_ =	shalt  }
0x4b: {  	_ =	shalt  }
0x4c: {  	_ =	shalt  }
0x4d: {  	_ =	shalt  }
0x4e: {  	_ =	shalt  }
0x4f: {  	_ =	shalt  }
0x50: {  	_ =	shalt  }
0x51: {  	_ =	shalt  }
0x52: {  	_ =	shalt  }
0x53: {  	_ =	shalt  }
0x54: {  	_ =	shalt  }
0x55: {  	_ =	shalt  }
0x56: {  	_ =	shalt  }
0x57: {  	_ =	shalt  }
0x58: {  	_ =	shalt  }
0x59: {  	_ =	shalt  }
0x5a: {  	_ =	shalt  }
0x5b: {  	_ =	shalt  }
0x5c: {  	_ =	shalt  }
0x5d: {  	_ =	shalt  }
0x5e: {  	_ =	shalt  }
0x5f: {  	_ =	shalt  }
0x60: {  	_ =	shalt  }
0x61: {  	_ =	shalt  }
0x62: {  	_ =	shalt  }
0x63: {  	_ =	shalt  }
0x64: {  	_ =	shalt  }
0x65: {  	_ =	shalt  }
0x66: {  	_ =	shalt  }
0x67: {  	_ =	shalt  }
0x68: {  	_ =	shalt  }
0x69: {  	_ =	shalt  }
0x6a: {  	_ =	shalt  }
0x6b: {  	_ =	shalt  }
0x6c: {  	_ =	shalt  }
0x6d: {  	_ =	shalt  }
0x6e: {  	_ =	shalt  }
0x6f: {  	_ =	shalt  }
0x70: {  	_ =	shalt  }
0x71: {  	_ =	shalt  }
0x72: {  	_ =	shalt  }
0x73: {  	_ =	shalt  }
0x74: {  	_ =	shalt  }
0x75: {  	_ =	shalt  }
0x76: {  	_ =	shalt  }
0x77: {  	_ =	shalt  }
0x78: {  	_ =	shalt  }
0x79: {  	_ =	shalt  }
0x7a: {  	_ =	shalt  }
0x7b: {  	_ =	shalt  }
0x7c: {  	_ =	shalt  }
0x7d: {  	_ =	shalt  }
0x7e: {  	_ =	shalt  }
0x7f: {  	_ =	shalt  }
0x80: {  	_ =	shalt  }
0x81: {  	_ =	shalt  }
0x82: {  	_ =	shalt  }
0x83: {  	_ =	shalt  }
0x84: {  	_ =	shalt  }
0x85: {  	_ =	shalt  }
0x86: {  	_ =	shalt  }
0x87: {  	_ =	shalt  }
.Lfunc_end0:
.L_simem_size_0:
called_computation.1_lowered:
.L_overlay_start_0:
0x88: {  	s2 =	sld [smem:$0x3FD9]  }
0x89: {  	s3 =	sld [smem:$0x3FFE];
	_ =	sdelay $0x1  }
0x8a: {  	s1 =	srdreg.scid  }
0x8b: {  	s0 =	sand.u32 $0x1, s1  }
0x8c: {  	s17 =	sshll.u32 s0, $0xA;
	s2 =	sadd.s32 s3, s2  }
0x8d: {  	s2 =	sadd.s32 s2, s17  }
0x8e: {  	[smem:$0x3FC2] =	sst s2  }
0x8f: {  	_ = 	snop  }
0x90: {  	s2 =	sld [smem:$0x3FD0];
	(tm) =	ssettm $0x1  }
0x91: {  	s18 =	sld [smem:$0x3FFB];
	_ =	sdelay $0x3  }
0x92: {  	_ =	strace s18  }
0x93: {  	s3 =	sld [smem:$0x3FFC];
	_ =	sdelay $0x3  }
0x94: {  	_ =	strace s3  }
0x95: {  	s3 =	sld [smem:$0x3FFD];
	_ =	sdelay $0x3  }
0x96: {  	_ =	strace s3  }
0x97: {  	_ =	strace $0x8FFFFFFF  }
0x98: {  	s19 =	sld [smem:$0x3FDB];
	_ =	sdelay $0x1  }
0x99: {  	s4 =	simm.s32 $_scs_section_size  }
0x9a: {  	s5 =	simm.s32 $_size__tile_overlayer_lowered;
	s6 =	simm.s32 $_tile_overlayer_lowered  }
0x9b: {  	s22 =	simm.s32 $0x1BFF;
	s21 =	sshll.u32 s6, $0x1;
	s3 =	sadd.s32 s4, s19  }
0x9c: {  	s7 =	simm.s32 $0x0;
	s20 =	sshll.u32 s5, $0x1;
	s5 =	sadd.s32 s21, s3  }
0x9d: {  	[timem:s7], [sflag:s22] =	dma.local [hbm:s5], s20  }
0x9e: {  	_ =	swait.ge [sflag:s22], s20  }
0x9f: {  	s4 =	ssub.s32 $0x0, s20;
	[sflag:s22] =	ssyncset.done $0x0  }
0xa0: {  	[sflag:s22] =	ssyncadd.s32 s4;
	_ =	sdelay $0x1  }
0xa1: {  	s23 =	simm.s32 $0x1B8B  }
0xa2: {  	_ =	swait.ge [sflag:s23], $0x1  }
0xa3: {  	[sflag:s23] =	ssyncset.done $0x0  }
0xa4: {  	s25 =	simm.s32 $0x1B8E;
	s24 =	sld [smem:$0x3FFE];
	[sflag:s23] =	ssyncadd.s32 $0xFFFFFFFF  }
0xa5: {  	s26 =	simm.s32 $execute0_lowered;
	[smem:$0x3FD2] =	sst s25  }
0xa6: {  	s5 =	sshll.u32 s26, $0x1;
	_ =	strace $0x80000049;
	[dreg:$0x1] =	wrdreg $0xFFFFFFFF  }
0xa7: {  	s28 =	simm.s32 $_size_execute0_lowered;
	s3 =	sadd.s32 s3, s5;
	[dreg:$0x0] =	wrdreg $0x0  }
0xa8: {  	s5 =	sshll.u32 s28, $0x1;
	[dreg:$0x2] =	wrdreg s3  }
0xa9: {  	[dreg:$0x3] =	wrdreg s5  }
0xaa: {  	[dreg:$0x4] =	wrdreg $0xC0  }
0xab: {  	_ =	task [dreg:s7], $0x5FFFF  }
0xac: {  	[dreg:$0x1] =	wrdreg $0xFFFFFFFF  }
0xad: {  	[dreg:$0x0] =	wrdreg $0x60  }
0xae: {  	[dreg:$0x2] =	wrdreg s2  }
0xaf: {  	[dreg:$0x3] =	wrdreg s24  }
0xb0: {  	[dreg:$0x4] =	wrdreg $0xB2200  }
0xb1: {  	[dreg:$0x5] =	wrdreg $0x9  }
0xb2: {  	_ =	task.clear_ibuf [dreg:s7], $0x6FFFF;
	_ =	strace $0x90000049  }
0xb3: {  	s29 =	simm.s32 $0x9;
	_ =	strace $0x8000004B  }
0xb4: {  	_ =	swait.ge [sflag:s29], $0x1  }
0xb5: {  	[sflag:s29] =	ssyncadd.s32 $0xFFFFFFFF  }
0xb6: {  	_ =	strace $0x9000004B  }
0xb7: {  	_ =	sfence  }
0xb8: {  	s30 =	sld [smem:$0x0];
	_ =	sdelay $0x2  }
0xb9: {  	s31 =	sshll.u32 s1, $0xD;
	s1 =	sshrl.u32 s1, $0x2  }
0xba: {  	s3 =	sand.u32 $0x4000, s31;
	s1 =	sadd.s32 s1, s30  }
0xbb: {  	s0 =	sor.u32 s3, s0;
	s1 =	sshll.u32 s1, $0x11  }
0xbc: {  	s0 =	sor.u32 s1, s0  }
0xbd: {  	s0 =	sadd.s32 $0x8F2B, s0  }
0xbe: {  	[sflag:s0] =	ssyncadd.remote.s32 $0x1  }
0xbf: {  	_ =	sfence.sel $0xFFFF  }
0xc0: {  	[dreg:$0x0] =	wrdreg $0xFFFFFFFF;
	(pc) =	sbr.abs _section_cstart, $3  }
0xc1: {  	[dreg:$0x1] =	wrdreg $0xFFFFFFFF  }
0xc2: {  	_ =	task.clear_ibuf [dreg:s7], $0x2FFFF;
	_ =	strace $0x9FFFFFFF  }
0xc3: {  	(tm) =	ssettm $0x7FFFFFFF  }
tec
execute0_lowered:
.L_overlay_start_1:
0x0: {  	(tag) =	ssettag $0x1  }
0x1: {  	s1 =	rddreg [dreg:$0x0]  }
0x2: {  	s0 =	srdreg.scid;
	s5 =	rddreg [dreg:$0x1]  }
0x3: {  	s8 =	stileid.u32;
	s3 =	rddreg [dreg:$0x2];
	s4 =	simm.s32 $0x0  }
0x4: {  	s9 =	simm.s32 $0x7620;
	s11 =	simm.s32 $0x9E20;
	s13 =	simm.s32 $0x3  }
0x5: {  	s0 =	sand.u32 $0x1, s0;
	s2 =	sshll.u32 s8, $0x1;
	s6 =	smul.u32 $0x280, s8  }
0x6: {  	[smem:$0x7FF] =	sst s4;
	s14 =	smul.u32 $0x50000, s8;
	s15 =	sadd.s32 $0x16800, s5  }
0x7: {  	s8 =	simm.s32 $0x4E20;
	s2 =	sor.u32 s0, s2;
	s7 =	smul.u32 $0x2800, s0  }
0x8: {  	_ =	strace $0x8000004A;
	[dreg:$0x4] =	wrdreg s15;
	s0 =	ssub.s32 $0x2, s0  }
0x9: {  	s15 =	simm.s32 $0x1;
	s2 =	smul.u32 $0x4E2, s2;
	s16 =	sshrl.u32 s0, $0x1  }
0xa: {  	s6 =	sadd.s32 s6, s7;
	s7 =	sshrl.u32 s14, $0x2;
	s0 =	ssub.s32 s0, s16  }
0xb: {  	s2 =	sadd.s32 s2, s5;
	s6 =	sshll.u32 s6, $0x4;
	s7 =	sadd.s32 s7, s3  }
0xc: {  	s5 =	sadd.s32 s6, s5;
	s17 =	sadd.s32 $0xCA00, s2;
	s2 =	sadd.s32 $0x17000, s2  }
0xd: {  	s18 =	sadd.s32 $0x1400, s7;
	s10 =	sadd.s32 $0x2800, s7;
	[dreg:$0x5] =	wrdreg s17  }
0xe: {  	s19 =	sadd.s32 $0x3C00, s7;
	s12 =	sadd.s32 $0x5000, s7;
	[dreg:$0x6] =	wrdreg s2  }
0xf: {  	s20 =	sadd.s32 $0x6400, s7;
	s14 =	sadd.s32 $0x7800, s7;
	[dreg:$0x7] =	wrdreg s18  }
0x10: {  	s21 =	sadd.s32 $0x8C00, s7;
	s16 =	sadd.s32 $0xA000, s7;
	[dreg:$0x8] =	wrdreg s19  }
0x11: {  	s28 =	sadd.s32 $0xC800, s7;
	s29 =	sadd.s32 $0xDC00, s7;
	[dreg:$0x9] =	wrdreg s20  }
0x12: {  	s30 =	sadd.s32 $0xF000, s7;
	[dreg:$0xa] =	wrdreg s21;
	s22 =	sadd.s32 $0x20E00, s5  }
0x13: {  	s31 =	sadd.s32 $0x10400, s7;
	s23 =	sadd.s32 $0x21300, s5;
	[dreg:$0xb] =	wrdreg s22  }
0x14: {  	s6 =	simm.s32 $0x50;
	s24 =	sadd.s32 $0x21800, s5;
	[dreg:$0xc] =	wrdreg s23  }
0x15: {  	s25 =	sadd.s32 $0x21D00, s5;
	s26 =	sadd.s32 $0x22200, s5;
	[dreg:$0xd] =	wrdreg s24  }
0x16: {  	s2 =	sadd.s32 $0x11800, s7;
	s17 =	simm.s32 $0x2;
	[dreg:$0xe] =	wrdreg s25  }
0x17: {  	s18 =	simm.s32 $0x0;
	[dreg:$0xf] =	wrdreg s26;
	s22 =	sadd.s32 $0x22700, s5  }
0x18: {  	s23 =	sadd.s32 $0x22C00, s5;
	s24 =	sadd.s32 $0x23100, s5;
	s25 =	smax.u32 s0, $0x1  }
0x19: {  	s26 =	sadd.s32 $0xB400, s7;
	s0 =	sadd.s32 $0x12C00, s7;
	s5 =	simm.s32 $0x4  }
.LBB2_1:
0x1a: {  	s19 =	rddreg [dreg:$0x5]  }
0x1b: {  	[tilespmem:s4], [sflag:$0x4] =	stream.linear.gather [hbm4b:s19+s4], $0x2710, $0x38;
	[tilespmem:$0x1F220] =	vst v63  }
0x1c: {  	_ =	swait.ge [sflag:s5], $0x2710  }
0x1d: {  	[sflag:s5] =	ssyncset.done $0x0  }
0x1e: {  	[sflag:s5] =	ssyncadd.s32 $0xFFFFD8F0  }
0x1f: {  	[tilespmem:s8], [sflag:$0x1] =	stream.indirect.gather [hbm4b:s1+s6], $0x80, s4, s6, $0xb8;
	[tilespmem:$0x1F220] =	vst v63  }
0x20: {  	_ = 	snop  }
0x21: {  	[tilespmem:s9], [sflag:$0x2] =	stream.indirect.gather [hbm4b:s1+s6], $0x80, s6, s6, $0xb8;
	[tilespmem:$0x1F220] =	vst v63  }
0x22: {  	s20 =	simm.s32 $0x2710;
	s21 =	rddreg [dreg:$0x6]  }
0x23: {  	[tilespmem:s20], [sflag:$0x4] =	stream.linear.gather [hbm4b:s21+s4], $0x2710, $0x38;
	[tilespmem:$0x1F220] =	vst v63  }
0x24: {  	_ =	swait.ge [sflag:s5], $0x2710  }
0x25: {  	[sflag:s5] =	ssyncset.done $0x0  }
0x26: {  	s20 =	rddreg [dreg:$0x4];
	[sflag:s5] =	ssyncadd.s32 $0xFFFFD8F0  }
0x27: {  	[tilespmem:s11], [sflag:$0x4] =	stream.linear.gather [hbm4b:s20+s4], $0x1400, $0x38;
	[tilespmem:$0x1F220] =	vst v63  }
0x28: {  	_ =	swait.ge [sflag:s5], $0x1400  }
0x29: {  	[sflag:s5] =	ssyncset.done $0x0  }
0x2a: {  	[sflag:s5] =	ssyncadd.s32 $0xFFFFEC00  }
0x2b: {  	[spmem:s7] =	stream.linear.scatter [tilespmem:s11], [sflag:$0x3], $0x1400, $0x38;
	[tilespmem:$0x1F220] =	vst v63  }
0x2c: {  	s21 =	rddreg [dreg:$0x7]  }
0x2d: {  	[spmem:s21] =	stream.linear.scatter [tilespmem:s11], [sflag:$0x3], $0x1400, $0x38;
	[tilespmem:$0x1F220] =	vst v63  }
0x2e: {  	_ = 	snop  }
0x2f: {  	[spmem:s10] =	stream.linear.scatter [tilespmem:s11], [sflag:$0x3], $0x1400, $0x38;
	[tilespmem:$0x1F220] =	vst v63  }
0x30: {  	s20 =	rddreg [dreg:$0x8]  }
0x31: {  	[spmem:s20] =	stream.linear.scatter [tilespmem:s11], [sflag:$0x3], $0x1400, $0x38;
	[tilespmem:$0x1F220] =	vst v63  }
0x32: {  	_ = 	snop  }
0x33: {  	[spmem:s12] =	stream.linear.scatter [tilespmem:s11], [sflag:$0x3], $0x1400, $0x38;
	[tilespmem:$0x1F220] =	vst v63  }
0x34: {  	s21 =	rddreg [dreg:$0x9]  }
0x35: {  	[spmem:s21] =	stream.linear.scatter [tilespmem:s11], [sflag:$0x3], $0x1400, $0x38;
	[tilespmem:$0x1F220] =	vst v63  }
0x36: {  	_ = 	snop  }
0x37: {  	[spmem:s14] =	stream.linear.scatter [tilespmem:s11], [sflag:$0x3], $0x1400, $0x38;
	[tilespmem:$0x1F220] =	vst v63  }
0x38: {  	s20 =	rddreg [dreg:$0xa]  }
0x39: {  	[spmem:s20] =	stream.linear.scatter [tilespmem:s11], [sflag:$0x3], $0x1400, $0x38;
	[tilespmem:$0x1F220] =	vst v63  }
0x3a: {  	_ = 	snop  }
0x3b: {  	[spmem:s16] =	stream.linear.scatter [tilespmem:s11], [sflag:$0x3], $0x1400, $0x38;
	[tilespmem:$0x1F220] =	vst v63  }
0x3c: {  	_ = 	snop  }
0x3d: {  	[spmem:s26] =	stream.linear.scatter [tilespmem:s11], [sflag:$0x3], $0x1400, $0x38;
	[tilespmem:$0x1F220] =	vst v63  }
0x3e: {  	_ = 	snop  }
0x3f: {  	[spmem:s28] =	stream.linear.scatter [tilespmem:s11], [sflag:$0x3], $0x1400, $0x38;
	[tilespmem:$0x1F220] =	vst v63  }
0x40: {  	_ = 	snop  }
0x41: {  	[spmem:s29] =	stream.linear.scatter [tilespmem:s11], [sflag:$0x3], $0x1400, $0x38;
	[tilespmem:$0x1F220] =	vst v63  }
0x42: {  	_ = 	snop  }
0x43: {  	[spmem:s30] =	stream.linear.scatter [tilespmem:s11], [sflag:$0x3], $0x1400, $0x38;
	[tilespmem:$0x1F220] =	vst v63  }
0x44: {  	_ = 	snop  }
0x45: {  	[spmem:s31] =	stream.linear.scatter [tilespmem:s11], [sflag:$0x3], $0x1400, $0x38;
	[tilespmem:$0x1F220] =	vst v63  }
0x46: {  	_ = 	snop  }
0x47: {  	[spmem:s2] =	stream.linear.scatter [tilespmem:s11], [sflag:$0x3], $0x1400, $0x38;
	[tilespmem:$0x1F220] =	vst v63  }
0x48: {  	_ = 	snop  }
0x49: {  	[spmem:s0] =	stream.linear.scatter [tilespmem:s11], [sflag:$0x3], $0x1400, $0x38;
	[tilespmem:$0x1F220] =	vst v63  }
0x4a: {  	_ =	swait.ge [sflag:s13], $0x1400  }
0x4b: {  	[sflag:s13] =	ssyncset.done $0x0  }
0x4c: {  	[sflag:s13] =	ssyncadd.s32 $0xFFFFEC00  }
0x4d: {  	_ =	swait.ge [sflag:s13], $0x1400  }
0x4e: {  	[sflag:s13] =	ssyncset.done $0x0  }
0x4f: {  	[sflag:s13] =	ssyncadd.s32 $0xFFFFEC00  }
0x50: {  	_ =	swait.ge [sflag:s13], $0x1400  }
0x51: {  	[sflag:s13] =	ssyncset.done $0x0  }
0x52: {  	[sflag:s13] =	ssyncadd.s32 $0xFFFFEC00  }
0x53: {  	_ =	swait.ge [sflag:s13], $0x1400  }
0x54: {  	[sflag:s13] =	ssyncset.done $0x0  }
0x55: {  	[sflag:s13] =	ssyncadd.s32 $0xFFFFEC00  }
0x56: {  	_ =	swait.ge [sflag:s13], $0x1400  }
0x57: {  	[sflag:s13] =	ssyncset.done $0x0  }
0x58: {  	[sflag:s13] =	ssyncadd.s32 $0xFFFFEC00  }
0x59: {  	_ =	swait.ge [sflag:s13], $0x1400  }
0x5a: {  	[sflag:s13] =	ssyncset.done $0x0  }
0x5b: {  	[sflag:s13] =	ssyncadd.s32 $0xFFFFEC00  }
0x5c: {  	_ =	swait.ge [sflag:s13], $0x1400  }
0x5d: {  	[sflag:s13] =	ssyncset.done $0x0  }
0x5e: {  	[sflag:s13] =	ssyncadd.s32 $0xFFFFEC00  }
0x5f: {  	_ =	swait.ge [sflag:s13], $0x1400  }
0x60: {  	[sflag:s13] =	ssyncset.done $0x0  }
0x61: {  	[sflag:s13] =	ssyncadd.s32 $0xFFFFEC00  }
0x62: {  	_ =	swait.ge [sflag:s13], $0x1400  }
0x63: {  	[sflag:s13] =	ssyncset.done $0x0  }
0x64: {  	[sflag:s13] =	ssyncadd.s32 $0xFFFFEC00  }
0x65: {  	_ =	swait.ge [sflag:s13], $0x1400  }
0x66: {  	[sflag:s13] =	ssyncset.done $0x0  }
0x67: {  	[sflag:s13] =	ssyncadd.s32 $0xFFFFEC00  }
0x68: {  	_ =	swait.ge [sflag:s13], $0x1400  }
0x69: {  	[sflag:s13] =	ssyncset.done $0x0  }
0x6a: {  	[sflag:s13] =	ssyncadd.s32 $0xFFFFEC00  }
0x6b: {  	_ =	swait.ge [sflag:s13], $0x1400  }
0x6c: {  	[sflag:s13] =	ssyncset.done $0x0  }
0x6d: {  	[sflag:s13] =	ssyncadd.s32 $0xFFFFEC00  }
0x6e: {  	_ =	swait.ge [sflag:s13], $0x1400  }
0x6f: {  	[sflag:s13] =	ssyncset.done $0x0  }
0x70: {  	[sflag:s13] =	ssyncadd.s32 $0xFFFFEC00  }
0x71: {  	_ =	swait.ge [sflag:s13], $0x1400  }
0x72: {  	[sflag:s13] =	ssyncset.done $0x0  }
0x73: {  	[sflag:s13] =	ssyncadd.s32 $0xFFFFEC00  }
0x74: {  	_ =	swait.ge [sflag:s13], $0x1400  }
0x75: {  	[sflag:s13] =	ssyncset.done $0x0  }
0x76: {  	[sflag:s13] =	ssyncadd.s32 $0xFFFFEC00  }
0x77: {  	_ =	swait.ge [sflag:s13], $0x1400  }
0x78: {  	[sflag:s13] =	ssyncset.done $0x0  }
0x79: {  	[sflag:s13] =	ssyncadd.s32 $0xFFFFEC00  }
0x7a: {  	[bflag:$0x0] =	sbarrier.arrive $0xFFFF  }
0x7b: {  	_ =	swait.ge [sflag:s15], $0x2800  }
0x7c: {  	[sflag:s15] =	ssyncset.done $0x0  }
0x7d: {  	s21 =	simm.s32 $0x2710;
	[sflag:s15] =	ssyncadd.s32 $0xFFFFD800  }
0x7e: {  	[spmem:s3] =	stream.indirect.scatter.add.f32 [tilespmem:s8], [sflag:$0x4], $0x80, s21, s6, $0xb8;
	[tilespmem:$0x1F220] =	vst v63  }
0x7f: {  	_ =	swait.ge [sflag:s5], $0x2800  }
0x80: {  	[sflag:s5] =	ssyncset.done $0x0  }
0x81: {  	s20 =	simm.s32 $0xA0;
	[sflag:s5] =	ssyncadd.s32 $0xFFFFD800  }
0x82: {  	[tilespmem:s8], [sflag:$0x1] =	stream.indirect.gather [hbm4b:s1+s6], $0x80, s20, s6, $0xb8;
	[tilespmem:$0x1F220] =	vst v63  }
0x83: {  	_ =	swait.ge [sflag:s17], $0x2800  }
0x84: {  	[sflag:s17] =	ssyncset.done $0x0  }
0x85: {  	s21 =	simm.s32 $0x2760;
	[sflag:s17] =	ssyncadd.s32 $0xFFFFD800  }
0x86: {  	[spmem:s3] =	stream.indirect.scatter.add.f32 [tilespmem:s9], [sflag:$0x4], $0x80, s21, s6, $0xb8;
	[tilespmem:$0x1F220] =	vst v63  }
0x87: {  	_ =	swait.ge [sflag:s5], $0x2800  }
0x88: {  	[sflag:s5] =	ssyncset.done $0x0  }
0x89: {  	s19 =	simm.s32 $0x280;
	s20 =	simm.s32 $0xF0;
	[sflag:s5] =	ssyncadd.s32 $0xFFFFD800  }
.LBB2_2:
0x8a: {  	[tilespmem:s9], [sflag:$0x2] =	stream.indirect.gather [hbm4b:s1+s6], $0x80, s20, s6, $0xb8;
	[tilespmem:$0x1F220] =	vst v63  }
0x8b: {  	s20 =	smov.u32 s19  }
0x8c: {  	p0 =	sne.s32 s19, $0x9600;
	s19 =	sadd.s32 $0x280, s19;
	_ =	swait.ge [sflag:s15], $0x2800  }
0x8d: {  	s20 =	sshra.s32 s20, $0x2;
	[sflag:s15] =	ssyncset.done $0x0  }
0x8e: {  	s21 =	sadd.s32 $0x2710, s20;
	[sflag:s15] =	ssyncadd.s32 $0xFFFFD800  }
0x8f: {  	[spmem:s3] =	stream.indirect.scatter.add.f32 [tilespmem:s8], [sflag:$0x4], $0x80, s21, s6, $0xb8;
	[tilespmem:$0x1F220] =	vst v63  }
0x90: {  	_ =	swait.ge [sflag:s5], $0x2800  }
0x91: {  	[sflag:s5] =	ssyncset.done $0x0  }
0x92: {  	s21 =	sadd.s32 $0xA0, s20;
	[sflag:s5] =	ssyncadd.s32 $0xFFFFD800  }
0x93: {  	[tilespmem:s8], [sflag:$0x1] =	stream.indirect.gather [hbm4b:s1+s6], $0x80, s21, s6, $0xb8;
	[tilespmem:$0x1F220] =	vst v63  }
0x94: {  	_ =	swait.ge [sflag:s17], $0x2800  }
0x95: {  	[sflag:s17] =	ssyncset.done $0x0  }
.Ltmp0:
0x96: {  	s21 =	sadd.s32 $0x2760, s20;
	[sflag:s17] =	ssyncadd.s32 $0xFFFFD800;
	(pc) =	sbr.rel @p0 .LBB2_2-.Ltmp0, $4  }
0x97: {  	[spmem:s3] =	stream.indirect.scatter.add.f32 [tilespmem:s9], [sflag:$0x4], $0x80, s21, s6, $0xb8;
	[tilespmem:$0x1F220] =	vst v63  }
0x98: {  	_ =	swait.ge [sflag:s5], $0x2800  }
0x99: {  	[sflag:s5] =	ssyncset.done $0x0  }
0x9a: {  	s20 =	sadd.s32 $0xF0, s20;
	[sflag:s5] =	ssyncadd.s32 $0xFFFFD800  }
0x9b: {  	[tilespmem:s9], [sflag:$0x2] =	stream.indirect.gather [hbm4b:s1+s6], $0x80, s20, s6, $0xb8;
	[tilespmem:$0x1F220] =	vst v63  }
0x9c: {  	_ =	swait.ge [sflag:s15], $0x2800  }
0x9d: {  	[sflag:s15] =	ssyncset.done $0x0  }
0x9e: {  	s19 =	simm.s32 $0x4D30;
	[sflag:s15] =	ssyncadd.s32 $0xFFFFD800  }
0x9f: {  	[spmem:s3] =	stream.indirect.scatter.add.f32 [tilespmem:s8], [sflag:$0x4], $0x80, s19, s6, $0xb8;
	[tilespmem:$0x1F220] =	vst v63  }
0xa0: {  	_ =	swait.ge [sflag:s5], $0x2800  }
0xa1: {  	[sflag:s5] =	ssyncset.done $0x0  }
0xa2: {  	s20 =	simm.s32 $0x26C0;
	[sflag:s5] =	ssyncadd.s32 $0xFFFFD800  }
0xa3: {  	[tilespmem:s8], [sflag:$0x1] =	stream.indirect.gather [hbm4b:s1+s6], $0x80, s20, s6, $0xb8;
	[tilespmem:$0x1F220] =	vst v63  }
0xa4: {  	_ =	swait.ge [sflag:s17], $0x2800  }
0xa5: {  	[sflag:s17] =	ssyncset.done $0x0  }
0xa6: {  	s21 =	simm.s32 $0x4D80;
	[sflag:s17] =	ssyncadd.s32 $0xFFFFD800  }
0xa7: {  	[spmem:s3] =	stream.indirect.scatter.add.f32 [tilespmem:s9], [sflag:$0x4], $0x80, s21, s6, $0xb8;
	[tilespmem:$0x1F220] =	vst v63  }
0xa8: {  	_ =	swait.ge [sflag:s5], $0x2800  }
0xa9: {  	[sflag:s5] =	ssyncset.done $0x0  }
0xaa: {  	[sflag:s5] =	ssyncadd.s32 $0xFFFFD800  }
0xab: {  	_ =	swait.ge [sflag:s15], $0x2800  }
0xac: {  	[sflag:s15] =	ssyncset.done $0x0  }
0xad: {  	s20 =	simm.s32 $0x4DD0;
	[sflag:s15] =	ssyncadd.s32 $0xFFFFD800  }
0xae: {  	[spmem:s3] =	stream.indirect.scatter.add.f32 [tilespmem:s8], [sflag:$0x4], $0x80, s20, s6, $0xb8;
	[tilespmem:$0x1F220] =	vst v63  }
0xaf: {  	_ =	swait.ge [sflag:s5], $0x2800  }
0xb0: {  	[sflag:s5] =	ssyncset.done $0x0  }
0xb1: {  	[sflag:s5] =	ssyncadd.s32 $0xFFFFD800  }
0xb2: {  	[bflag:$0x0] =	sbarrier.arrive $0xFFFF  }
0xb3: {  	[tilespmem:s8], [sflag:$0x4] =	stream.linear.gather [spmem:s7], $0x2800, $0x38;
	[tilespmem:$0x1F220] =	vst v63  }
0xb4: {  	_ =	swait.ge [sflag:s5], $0x2800  }
0xb5: {  	[sflag:s5] =	ssyncset.done $0x0  }
0xb6: {  	s21 =	rddreg [dreg:$0xb];
	[sflag:s5] =	ssyncadd.s32 $0xFFFFD800  }
0xb7: {  	[hbm4b:s21+s4] =	stream.linear.scatter [tilespmem:s8], [sflag:$0x1], $0x2800, $0x38;
	[tilespmem:$0x1F220] =	vst v63  }
0xb8: {  	_ = 	snop  }
0xb9: {  	[tilespmem:s9], [sflag:$0x4] =	stream.linear.gather [spmem:s10], $0x2800, $0x38;
	[tilespmem:$0x1F220] =	vst v63  }
0xba: {  	_ =	swait.ge [sflag:s5], $0x2800  }
0xbb: {  	[sflag:s5] =	ssyncset.done $0x0  }
0xbc: {  	s20 =	rddreg [dreg:$0xc];
	[sflag:s5] =	ssyncadd.s32 $0xFFFFD800  }
0xbd: {  	[hbm4b:s20+s4] =	stream.linear.scatter [tilespmem:s9], [sflag:$0x2], $0x2800, $0x38;
	[tilespmem:$0x1F220] =	vst v63  }
0xbe: {  	_ =	swait.ge [sflag:s15], $0x2800  }
0xbf: {  	[sflag:s15] =	ssyncset.done $0x0  }
0xc0: {  	[sflag:s15] =	ssyncadd.s32 $0xFFFFD800  }
0xc1: {  	[tilespmem:s8], [sflag:$0x4] =	stream.linear.gather [spmem:s12], $0x2800, $0x38;
	[tilespmem:$0x1F220] =	vst v63  }
0xc2: {  	_ =	swait.ge [sflag:s5], $0x2800  }
0xc3: {  	[sflag:s5] =	ssyncset.done $0x0  }
0xc4: {  	s21 =	rddreg [dreg:$0xd];
	[sflag:s5] =	ssyncadd.s32 $0xFFFFD800  }
0xc5: {  	[hbm4b:s21+s4] =	stream.linear.scatter [tilespmem:s8], [sflag:$0x1], $0x2800, $0x38;
	[tilespmem:$0x1F220] =	vst v63  }
0xc6: {  	_ =	swait.ge [sflag:s17], $0x2800  }
0xc7: {  	[sflag:s17] =	ssyncset.done $0x0  }
0xc8: {  	[sflag:s17] =	ssyncadd.s32 $0xFFFFD800  }
0xc9: {  	[tilespmem:s9], [sflag:$0x4] =	stream.linear.gather [spmem:s14], $0x2800, $0x38;
	[tilespmem:$0x1F220] =	vst v63  }
0xca: {  	_ =	swait.ge [sflag:s5], $0x2800  }
0xcb: {  	[sflag:s5] =	ssyncset.done $0x0  }
0xcc: {  	s20 =	rddreg [dreg:$0xe];
	[sflag:s5] =	ssyncadd.s32 $0xFFFFD800  }
0xcd: {  	[hbm4b:s20+s4] =	stream.linear.scatter [tilespmem:s9], [sflag:$0x2], $0x2800, $0x38;
	[tilespmem:$0x1F220] =	vst v63  }
0xce: {  	_ =	swait.ge [sflag:s15], $0x2800  }
0xcf: {  	[sflag:s15] =	ssyncset.done $0x0  }
0xd0: {  	[sflag:s15] =	ssyncadd.s32 $0xFFFFD800  }
0xd1: {  	[tilespmem:s8], [sflag:$0x4] =	stream.linear.gather [spmem:s16], $0x2800, $0x38;
	[tilespmem:$0x1F220] =	vst v63  }
0xd2: {  	_ =	swait.ge [sflag:s5], $0x2800  }
0xd3: {  	[sflag:s5] =	ssyncset.done $0x0  }
0xd4: {  	s21 =	rddreg [dreg:$0xf];
	[sflag:s5] =	ssyncadd.s32 $0xFFFFD800  }
0xd5: {  	[hbm4b:s21+s4] =	stream.linear.scatter [tilespmem:s8], [sflag:$0x1], $0x2800, $0x38;
	[tilespmem:$0x1F220] =	vst v63  }
0xd6: {  	_ =	swait.ge [sflag:s17], $0x2800  }
0xd7: {  	[sflag:s17] =	ssyncset.done $0x0  }
0xd8: {  	[sflag:s17] =	ssyncadd.s32 $0xFFFFD800  }
0xd9: {  	[tilespmem:s9], [sflag:$0x4] =	stream.linear.gather [spmem:s28], $0x2800, $0x38;
	[tilespmem:$0x1F220] =	vst v63  }
0xda: {  	_ =	swait.ge [sflag:s5], $0x2800  }
0xdb: {  	[sflag:s5] =	ssyncset.done $0x0  }
0xdc: {  	[sflag:s5] =	ssyncadd.s32 $0xFFFFD800  }
0xdd: {  	[hbm4b:s22+s4] =	stream.linear.scatter [tilespmem:s9], [sflag:$0x2], $0x2800, $0x38;
	[tilespmem:$0x1F220] =	vst v63  }
0xde: {  	_ =	swait.ge [sflag:s15], $0x2800  }
0xdf: {  	[sflag:s15] =	ssyncset.done $0x0  }
0xe0: {  	[sflag:s15] =	ssyncadd.s32 $0xFFFFD800  }
0xe1: {  	[tilespmem:s8], [sflag:$0x4] =	stream.linear.gather [spmem:s30], $0x2800, $0x38;
	[tilespmem:$0x1F220] =	vst v63  }
0xe2: {  	_ =	swait.ge [sflag:s5], $0x2800  }
0xe3: {  	[sflag:s5] =	ssyncset.done $0x0  }
0xe4: {  	[sflag:s5] =	ssyncadd.s32 $0xFFFFD800  }
0xe5: {  	[hbm4b:s23+s4] =	stream.linear.scatter [tilespmem:s8], [sflag:$0x1], $0x2800, $0x38;
	[tilespmem:$0x1F220] =	vst v63  }
0xe6: {  	_ =	swait.ge [sflag:s17], $0x2800  }
0xe7: {  	[sflag:s17] =	ssyncset.done $0x0  }
0xe8: {  	[sflag:s17] =	ssyncadd.s32 $0xFFFFD800  }
0xe9: {  	[tilespmem:s9], [sflag:$0x4] =	stream.linear.gather [spmem:s2], $0x2800, $0x38;
	[tilespmem:$0x1F220] =	vst v63  }
0xea: {  	_ =	swait.ge [sflag:s5], $0x2800  }
0xeb: {  	[sflag:s5] =	ssyncset.done $0x0  }
0xec: {  	s18 =	sadd.s32 $0x1, s18;
	[sflag:s5] =	ssyncadd.s32 $0xFFFFD800  }
0xed: {  	[hbm4b:s24+s4] =	stream.linear.scatter [tilespmem:s9], [sflag:$0x2], $0x2800, $0x38;
	[tilespmem:$0x1F220] =	vst v63  }
0xee: {  	p0 =	sne.s32 s18, s25;
	_ =	swait.ge [sflag:s15], $0x2800  }
.Ltmp1:
0xef: {  	[sflag:s15] =	ssyncset.done $0x0;
	(pc) =	sbr.rel @p0 .LBB2_1-.Ltmp1, $4  }
0xf0: {  	[sflag:s15] =	ssyncadd.s32 $0xFFFFD800  }
0xf1: {  	_ =	swait.ge [sflag:s17], $0x2800  }
0xf2: {  	[sflag:s17] =	ssyncset.done $0x0  }
0xf3: {  	[sflag:s17] =	ssyncadd.s32 $0xFFFFD800  }
0xf4: {  	_ =	sfence.sel $0x180000  }
0xf5: {  	[bflag:$0x0] =	sbarrier.arrive $0xFFFF  }
0xf6: {  	_ =	strace $0x9000004A  }
0xf7: {  	s0 =	stileid.u32;
	[bflag:$0x2] =	sbarrier.arrive $0xFFFF  }
0xf8: {  	p0 =	sne.s32 s0, $0x0;
	s0 =	rddreg [dreg:$0x3]  }
0xf9: {  	s0 =	sadd.s32 @!p0 $0x100000, s0  }
0xfa: {  	[sflag:s0] =	ssyncadd.tile.s32 @!p0 $0x1;
	_ =	shalt  }
.Lfunc_end2:
_tile_overlayer_lowered:
.L_overlay_start_2:
0xfb: {  	(tag) =	ssettag $0x2  }
0xfc: {  	s0 =	rddreg [dreg:$0x0];
	s2 =	stileid.u32  }
0xfd: {  	s1 =	rddreg [dreg:$0x1];
	p0 =	sne.s32 s2, $0x0  }
0xfe: {  	s3 =	rddreg [dreg:$0x2];
	[bflag:$0x3] =	sbarrier.arrive $0xFFFF;
	s2 =	simm.s32 @!p0 $0x1C04  }
0xff: {  	[timem:s3], [sflag:s2] =	dma.local @!p0 [hbm:s0], s1  }
0x100: {  	s0 =	simm.s32 @!p0 $0x4  }
0x101: {  	_ =	swait.ge @!p0 [sflag:s0], s1  }
0x102: {  	s1 =	ssub.s32 @!p0 $0x0, s1;
	[sflag:s0] =	ssyncset.done @!p0 $0x0  }
0x103: {  	[sflag:s0] =	ssyncadd.s32 @!p0 s1  }
0x104: {  	[bflag:$0x3] =	sbarrier.arrive $0xFFFF  }
0x105: {  	_ =	shalt  }

// kernel: kernel.14.cloned.1.call-start
scs
__scs_entry_jumppad:
0x0: {  	(pc) =	sbr.rel $0x88, $3  }
0x1: {  	(tag) =	ssettag $0x0;
	lr =	simm.s32 $0x1  }
0x2: {  	[smem:$0x3F9B] =	sst lr;
	_ =	strace $0xD0000000  }
0x3: {  	_ = 	snop  }
0x4: {  	_ = 	snop  }
0x5: {  	_ = 	snop  }
0x6: {  	_ = 	snop  }
0x7: {  	_ = 	snop  }
__scs_overlays_trampoline_lowered:
0x8: {  	[smem:$0x3FAA] =	sst s0  }
0x9: {  	[smem:$0x3FAB] =	sst s1  }
0xa: {  	[smem:$0x3FAC] =	sst s2  }
0xb: {  	[smem:$0x3FAD] =	sst s3  }
0xc: {  	[smem:$0x3FAE] =	sst s4  }
0xd: {  	[smem:$0x3FAF] =	sst s5  }
0xe: {  	[smem:$0x3FB0] =	sst s6  }
0xf: {  	[smem:$0x3FB1] =	sst s7  }
0x10: {  	[smem:$0x3FB2] =	sst s8  }
0x11: {  	[smem:$0x3FB3] =	sst s9;
	s0 =	simm.s32 @!p0 $0x0  }
0x12: {  	s1 =	sld [smem:$0x3F99];
	s0 =	simm.s32 @p0 $0x1  }
0x13: {  	[smem:$0x3FB4] =	sst s0;
	s0 =	simm.s32 @!p1 $0x0  }
0x14: {  	s2 =	sld [smem:$0x3F98];
	s0 =	simm.s32 @p1 $0x1  }
0x15: {  	[smem:$0x3FB5] =	sst s0;
	s0 =	simm.s32 @!p2 $0x0  }
0x16: {  	s3 =	sld [smem:$0x3FDB];
	s0 =	simm.s32 @p2 $0x1  }
0x17: {  	s4 =	simm.s32 $0x1BF5;
	[smem:$0x3FB7] =	sst s0  }
0x18: {  	s0 =	sld [smem:$0x3F9A];
	_ =	swait.ge [sflag:s4], $0x0  }
0x19: {  	s7 =	sld [smem:$0x3F9B]  }
0x1a: {  	s8 =	sadd.s32 $0xFFFFE003, lr  }
0x1b: {  	s9 =	sadd.s32 $0xFFFFFEF7, lr;
	s5 =	simm.s32 $0xFFFFFFFF;
	p2 =	slt.u32 s8, $0xFFFFF086  }
0x1c: {  	p1 =	slt.u32 s9, $0xF7A;
	s5 =	simm.s32 @!p2 $0x0  }
0x1d: {  	s5 =	simm.s32 @p1 $0x1;
	p0 =	seq.s32 s7, s2  }
0x1e: {  	s7 =	smul.u32 @!p0 $0xF7A, s2;
	p2 =	seq.s32 @!p0 s5, $0x0  }
0x1f: {  	s9 =	smul.u32 $0xF7A, s1;
	s8 =	simm.s32 @!p0 $0x1BF5;
	p2 =	por !p2, p0  }
0x20: {  	[sflag:s8] =	ssyncset.s32 @!p0 $0xFFFFF086;
	s6 =	sadd.s32 @!p0 s3, s7;
	s7 =	simm.s32 @!p0 $0x108  }
0x21: {  	s3 =	sadd.s32 s3, s9;
	s6 =	sadd.s32 @!p0 $0x88, s6;
	s7 =	simm.s32 @p2 $0x1082  }
0x22: {  	[simem:s7], [sflag:s8] =	dma.local @!p0 [hbm:s6], $0xF7A  }
0x23: {  	s9 =	sor.u32 $0xD0000000, s2;
	s6 =	simm.s32 $0x108;
	_ =	swait.ge @!p0 [sflag:s8], $0x0  }
0x24: {  	s3 =	sadd.s32 $0x88, s3;
	s6 =	simm.s32 @!p1 $0x1082;
	[sflag:s4] =	ssyncset.s32 $0xFFFFF086  }
0x25: {  	[simem:s6], [sflag:s4] =	dma.local [hbm:s3], $0xF7A  }
0x26: {  	[smem:$0x3F9B] =	sst s1;
	(tag) =	ssettag s2;
	_ =	strace s9  }
0x27: {  	s1 =	sld [smem:$0x3FAB]  }
0x28: {  	s2 =	sld [smem:$0x3FAC]  }
0x29: {  	s4 =	sld [smem:$0x3FAE]  }
0x2a: {  	p0 =	seq.s32 s5, $0x0;
	s5 =	sld [smem:$0x3FAF]  }
0x2b: {  	s6 =	sld [smem:$0x3FB0]  }
0x2c: {  	s7 =	sld [smem:$0x3FB1]  }
0x2d: {  	s3 =	simm.s32 $0x108;
	s8 =	sld [smem:$0x3FB2]  }
0x2e: {  	s3 =	simm.s32 @!p0 $0x1082;
	s9 =	sld [smem:$0x3FB3]  }
0x2f: {  	lr =	sadd.s32 s0, s3;
	s0 =	sld [smem:$0x3FAA]  }
0x30: {  	s3 =	sld [smem:$0x3FAD]  }
0x31: {  	[smem:$0x3FB6] =	sst s10  }
0x32: {  	s10 =	sld [smem:$0x3FB4];
	_ =	sdelay $0x3  }
0x33: {  	p0 =	seq.s32 s10, $0x1;
	s10 =	sld [smem:$0x3FB6];
	_ =	sdelay $0x3  }
0x34: {  	[smem:$0x3FB6] =	sst s10  }
0x35: {  	s10 =	sld [smem:$0x3FB5];
	_ =	sdelay $0x3  }
0x36: {  	p1 =	seq.s32 s10, $0x1;
	s10 =	sld [smem:$0x3FB6];
	_ =	sdelay $0x3  }
0x37: {  	[smem:$0x3FB6] =	sst s10  }
0x38: {  	s10 =	sld [smem:$0x3FB7]  }
0x39: {  	_ = 	snop;
	(pc) =	sbr.ind lr, $3  }
0x3a: {  	_ = 	snop  }
0x3b: {  	_ = 	snop  }
0x3c: {  	p2 =	seq.s32 s10, $0x1;
	s10 =	sld [smem:$0x3FB6]  }
0x3d: {  	_ =	shalt  }
0x3e: {  	_ =	shalt  }
0x3f: {  	_ =	shalt  }
0x40: {  	_ =	shalt  }
0x41: {  	_ =	shalt  }
0x42: {  	_ =	shalt  }
0x43: {  	_ =	shalt  }
0x44: {  	_ =	shalt  }
0x45: {  	_ =	shalt  }
0x46: {  	_ =	shalt  }
0x47: {  	_ =	shalt  }
0x48: {  	_ =	shalt  }
0x49: {  	_ =	shalt  }
0x4a: {  	_ =	shalt  }
0x4b: {  	_ =	shalt  }
0x4c: {  	_ =	shalt  }
0x4d: {  	_ =	shalt  }
0x4e: {  	_ =	shalt  }
0x4f: {  	_ =	shalt  }
0x50: {  	_ =	shalt  }
0x51: {  	_ =	shalt  }
0x52: {  	_ =	shalt  }
0x53: {  	_ =	shalt  }
0x54: {  	_ =	shalt  }
0x55: {  	_ =	shalt  }
0x56: {  	_ =	shalt  }
0x57: {  	_ =	shalt  }
0x58: {  	_ =	shalt  }
0x59: {  	_ =	shalt  }
0x5a: {  	_ =	shalt  }
0x5b: {  	_ =	shalt  }
0x5c: {  	_ =	shalt  }
0x5d: {  	_ =	shalt  }
0x5e: {  	_ =	shalt  }
0x5f: {  	_ =	shalt  }
0x60: {  	_ =	shalt  }
0x61: {  	_ =	shalt  }
0x62: {  	_ =	shalt  }
0x63: {  	_ =	shalt  }
0x64: {  	_ =	shalt  }
0x65: {  	_ =	shalt  }
0x66: {  	_ =	shalt  }
0x67: {  	_ =	shalt  }
0x68: {  	_ =	shalt  }
0x69: {  	_ =	shalt  }
0x6a: {  	_ =	shalt  }
0x6b: {  	_ =	shalt  }
0x6c: {  	_ =	shalt  }
0x6d: {  	_ =	shalt  }
0x6e: {  	_ =	shalt  }
0x6f: {  	_ =	shalt  }
0x70: {  	_ =	shalt  }
0x71: {  	_ =	shalt  }
0x72: {  	_ =	shalt  }
0x73: {  	_ =	shalt  }
0x74: {  	_ =	shalt  }
0x75: {  	_ =	shalt  }
0x76: {  	_ =	shalt  }
0x77: {  	_ =	shalt  }
0x78: {  	_ =	shalt  }
0x79: {  	_ =	shalt  }
0x7a: {  	_ =	shalt  }
0x7b: {  	_ =	shalt  }
0x7c: {  	_ =	shalt  }
0x7d: {  	_ =	shalt  }
0x7e: {  	_ =	shalt  }
0x7f: {  	_ =	shalt  }
0x80: {  	_ =	shalt  }
0x81: {  	_ =	shalt  }
0x82: {  	_ =	shalt  }
0x83: {  	_ =	shalt  }
0x84: {  	_ =	shalt  }
0x85: {  	_ =	shalt  }
0x86: {  	_ =	shalt  }
0x87: {  	_ =	shalt  }
.Lfunc_end0:
.L_simem_size_0:
called_computation.2_lowered:
.L_overlay_start_0:
0x88: {  	s2 =	sld [smem:$0x3FD9]  }
0x89: {  	s3 =	sld [smem:$0x3FFE];
	_ =	sdelay $0x1  }
0x8a: {  	s1 =	srdreg.scid  }
0x8b: {  	s0 =	sand.u32 $0x1, s1  }
0x8c: {  	s17 =	sshll.u32 s0, $0xA;
	s2 =	sadd.s32 s3, s2  }
0x8d: {  	s2 =	sadd.s32 s2, s17  }
0x8e: {  	[smem:$0x3FC2] =	sst s2  }
0x8f: {  	_ = 	snop  }
0x90: {  	s2 =	sld [smem:$0x3FD0];
	(tm) =	ssettm $0x1  }
0x91: {  	s18 =	sld [smem:$0x3FFB];
	_ =	sdelay $0x3  }
0x92: {  	_ =	strace s18  }
0x93: {  	s3 =	sld [smem:$0x3FFC];
	_ =	sdelay $0x3  }
0x94: {  	_ =	strace s3  }
0x95: {  	s3 =	sld [smem:$0x3FFD];
	_ =	sdelay $0x3  }
0x96: {  	_ =	strace s3  }
0x97: {  	_ =	strace $0x8FFFFFFF  }
0x98: {  	s19 =	sld [smem:$0x3FDB];
	_ =	sdelay $0x1  }
0x99: {  	s4 =	simm.s32 $_scs_section_size  }
0x9a: {  	s5 =	simm.s32 $_size__tile_overlayer_lowered;
	s6 =	simm.s32 $_tile_overlayer_lowered  }
0x9b: {  	s22 =	simm.s32 $0x1BFF;
	s21 =	sshll.u32 s6, $0x1;
	s3 =	sadd.s32 s4, s19  }
0x9c: {  	s7 =	simm.s32 $0x0;
	s20 =	sshll.u32 s5, $0x1;
	s5 =	sadd.s32 s21, s3  }
0x9d: {  	[timem:s7], [sflag:s22] =	dma.local [hbm:s5], s20  }
0x9e: {  	_ =	swait.ge [sflag:s22], s20  }
0x9f: {  	s4 =	ssub.s32 $0x0, s20;
	[sflag:s22] =	ssyncset.done $0x0  }
0xa0: {  	[sflag:s22] =	ssyncadd.s32 s4;
	_ =	sdelay $0x1  }
0xa1: {  	s23 =	simm.s32 $0x1B8B  }
0xa2: {  	_ =	swait.ge [sflag:s23], $0x1  }
0xa3: {  	[sflag:s23] =	ssyncset.done $0x0  }
0xa4: {  	s25 =	simm.s32 $0x1B8E;
	s24 =	sld [smem:$0x3FFE];
	[sflag:s23] =	ssyncadd.s32 $0xFFFFFFFF  }
0xa5: {  	s26 =	simm.s32 $execute0_lowered;
	[smem:$0x3FD2] =	sst s25  }
0xa6: {  	s5 =	sshll.u32 s26, $0x1;
	_ =	strace $0x8000004C;
	[dreg:$0x1] =	wrdreg $0xFFFFFFFF  }
0xa7: {  	s28 =	simm.s32 $_size_execute0_lowered;
	s3 =	sadd.s32 s3, s5;
	[dreg:$0x0] =	wrdreg $0x0  }
0xa8: {  	s5 =	sshll.u32 s28, $0x1;
	[dreg:$0x2] =	wrdreg s3  }
0xa9: {  	[dreg:$0x3] =	wrdreg s5  }
0xaa: {  	[dreg:$0x4] =	wrdreg $0xC0  }
0xab: {  	_ =	task [dreg:s7], $0x5FFFF  }
0xac: {  	[dreg:$0x1] =	wrdreg $0xFFFFFFFF  }
0xad: {  	[dreg:$0x0] =	wrdreg $0x60  }
0xae: {  	[dreg:$0x2] =	wrdreg s2  }
0xaf: {  	[dreg:$0x3] =	wrdreg s24  }
0xb0: {  	[dreg:$0x4] =	wrdreg $0xB2200  }
0xb1: {  	[dreg:$0x5] =	wrdreg $0x9  }
0xb2: {  	_ =	task.clear_ibuf [dreg:s7], $0x6FFFF;
	_ =	strace $0x9000004C  }
0xb3: {  	s29 =	simm.s32 $0x9;
	_ =	strace $0x8000004E  }
0xb4: {  	_ =	swait.ge [sflag:s29], $0x1  }
0xb5: {  	[sflag:s29] =	ssyncadd.s32 $0xFFFFFFFF  }
0xb6: {  	_ =	strace $0x9000004E  }
0xb7: {  	_ =	sfence  }
0xb8: {  	s30 =	sld [smem:$0x0];
	_ =	sdelay $0x2  }
0xb9: {  	s31 =	sshll.u32 s1, $0xD;
	s1 =	sshrl.u32 s1, $0x2  }
0xba: {  	s3 =	sand.u32 $0x4000, s31;
	s1 =	sadd.s32 s1, s30  }
0xbb: {  	s0 =	sor.u32 s3, s0;
	s1 =	sshll.u32 s1, $0x11  }
0xbc: {  	s0 =	sor.u32 s1, s0  }
0xbd: {  	s0 =	sadd.s32 $0x8F2B, s0  }
0xbe: {  	[sflag:s0] =	ssyncadd.remote.s32 $0x1  }
0xbf: {  	_ =	sfence.sel $0xFFFF  }
0xc0: {  	[dreg:$0x0] =	wrdreg $0xFFFFFFFF;
	(pc) =	sbr.abs _section_cstart, $3  }
0xc1: {  	[dreg:$0x1] =	wrdreg $0xFFFFFFFF  }
0xc2: {  	_ =	task.clear_ibuf [dreg:s7], $0x2FFFF;
	_ =	strace $0x9FFFFFFF  }
0xc3: {  	(tm) =	ssettm $0x7FFFFFFF  }
tec
execute0_lowered:
.L_overlay_start_1:
0x0: {  	(tag) =	ssettag $0x1  }
0x1: {  	s1 =	rddreg [dreg:$0x0]  }
0x2: {  	s0 =	srdreg.scid;
	s5 =	rddreg [dreg:$0x1]  }
0x3: {  	s8 =	stileid.u32;
	s3 =	rddreg [dreg:$0x2];
	s4 =	simm.s32 $0x0  }
0x4: {  	s9 =	simm.s32 $0x7620;
	s11 =	simm.s32 $0x9E20;
	s13 =	simm.s32 $0x3  }
0x5: {  	s0 =	sand.u32 $0x1, s0;
	s2 =	sshll.u32 s8, $0x1;
	s6 =	smul.u32 $0x280, s8  }
0x6: {  	[smem:$0x7FF] =	sst s4;
	s14 =	smul.u32 $0x50000, s8;
	s15 =	sadd.s32 $0x16800, s5  }
0x7: {  	s8 =	simm.s32 $0x4E20;
	s2 =	sor.u32 s0, s2;
	s7 =	smul.u32 $0x2800, s0  }
0x8: {  	_ =	strace $0x8000004D;
	[dreg:$0x4] =	wrdreg s15;
	s0 =	ssub.s32 $0x2, s0  }
0x9: {  	s15 =	simm.s32 $0x1;
	s2 =	smul.u32 $0x4E2, s2;
	s16 =	sshrl.u32 s0, $0x1  }
0xa: {  	s6 =	sadd.s32 s6, s7;
	s7 =	sshrl.u32 s14, $0x2;
	s0 =	ssub.s32 s0, s16  }
0xb: {  	s2 =	sadd.s32 s2, s5;
	s6 =	sshll.u32 s6, $0x4;
	s7 =	sadd.s32 s7, s3  }
0xc: {  	s5 =	sadd.s32 s6, s5;
	s17 =	sadd.s32 $0xCA00, s2;
	s2 =	sadd.s32 $0x17000, s2  }
0xd: {  	s18 =	sadd.s32 $0x1400, s7;
	s10 =	sadd.s32 $0x2800, s7;
	[dreg:$0x5] =	wrdreg s17  }
0xe: {  	s19 =	sadd.s32 $0x3C00, s7;
	s12 =	sadd.s32 $0x5000, s7;
	[dreg:$0x6] =	wrdreg s2  }
0xf: {  	s20 =	sadd.s32 $0x6400, s7;
	s14 =	sadd.s32 $0x7800, s7;
	[dreg:$0x7] =	wrdreg s18  }
0x10: {  	s21 =	sadd.s32 $0x8C00, s7;
	s16 =	sadd.s32 $0xA000, s7;
	[dreg:$0x8] =	wrdreg s19  }
0x11: {  	s28 =	sadd.s32 $0xC800, s7;
	s29 =	sadd.s32 $0xDC00, s7;
	[dreg:$0x9] =	wrdreg s20  }
0x12: {  	s30 =	sadd.s32 $0xF000, s7;
	[dreg:$0xa] =	wrdreg s21;
	s22 =	sadd.s32 $0x20E00, s5  }
0x13: {  	s31 =	sadd.s32 $0x10400, s7;
	s23 =	sadd.s32 $0x21300, s5;
	[dreg:$0xb] =	wrdreg s22  }
0x14: {  	s6 =	simm.s32 $0x50;
	s24 =	sadd.s32 $0x21800, s5;
	[dreg:$0xc] =	wrdreg s23  }
0x15: {  	s25 =	sadd.s32 $0x21D00, s5;
	s26 =	sadd.s32 $0x22200, s5;
	[dreg:$0xd] =	wrdreg s24  }
0x16: {  	s2 =	sadd.s32 $0x11800, s7;
	s17 =	simm.s32 $0x2;
	[dreg:$0xe] =	wrdreg s25  }
0x17: {  	s18 =	simm.s32 $0x0;
	[dreg:$0xf] =	wrdreg s26;
	s22 =	sadd.s32 $0x22700, s5  }
0x18: {  	s23 =	sadd.s32 $0x22C00, s5;
	s24 =	sadd.s32 $0x23100, s5;
	s25 =	smax.u32 s0, $0x1  }
0x19: {  	s26 =	sadd.s32 $0xB400, s7;
	s0 =	sadd.s32 $0x12C00, s7;
	s5 =	simm.s32 $0x4  }
.LBB2_1:
0x1a: {  	s19 =	rddreg [dreg:$0x5]  }
0x1b: {  	[tilespmem:s4], [sflag:$0x4] =	stream.linear.gather [hbm4b:s19+s4], $0x2710, $0x38;
	[tilespmem:$0x1F220] =	vst v63  }
0x1c: {  	_ =	swait.ge [sflag:s5], $0x2710  }
0x1d: {  	[sflag:s5] =	ssyncset.done $0x0  }
0x1e: {  	[sflag:s5] =	ssyncadd.s32 $0xFFFFD8F0  }
0x1f: {  	[tilespmem:s8], [sflag:$0x1] =	stream.indirect.gather [hbm4b:s1+s6], $0x80, s4, s6, $0xb8;
	[tilespmem:$0x1F220] =	vst v63  }
0x20: {  	_ = 	snop  }
0x21: {  	[tilespmem:s9], [sflag:$0x2] =	stream.indirect.gather [hbm4b:s1+s6], $0x80, s6, s6, $0xb8;
	[tilespmem:$0x1F220] =	vst v63  }
0x22: {  	s20 =	simm.s32 $0x2710;
	s21 =	rddreg [dreg:$0x6]  }
0x23: {  	[tilespmem:s20], [sflag:$0x4] =	stream.linear.gather [hbm4b:s21+s4], $0x2710, $0x38;
	[tilespmem:$0x1F220] =	vst v63  }
0x24: {  	_ =	swait.ge [sflag:s5], $0x2710  }
0x25: {  	[sflag:s5] =	ssyncset.done $0x0  }
0x26: {  	s20 =	rddreg [dreg:$0x4];
	[sflag:s5] =	ssyncadd.s32 $0xFFFFD8F0  }
0x27: {  	[tilespmem:s11], [sflag:$0x4] =	stream.linear.gather [hbm4b:s20+s4], $0x1400, $0x38;
	[tilespmem:$0x1F220] =	vst v63  }
0x28: {  	_ =	swait.ge [sflag:s5], $0x1400  }
0x29: {  	[sflag:s5] =	ssyncset.done $0x0  }
0x2a: {  	[sflag:s5] =	ssyncadd.s32 $0xFFFFEC00  }
0x2b: {  	[spmem:s7] =	stream.linear.scatter [tilespmem:s11], [sflag:$0x3], $0x1400, $0x38;
	[tilespmem:$0x1F220] =	vst v63  }
0x2c: {  	s21 =	rddreg [dreg:$0x7]  }
0x2d: {  	[spmem:s21] =	stream.linear.scatter [tilespmem:s11], [sflag:$0x3], $0x1400, $0x38;
	[tilespmem:$0x1F220] =	vst v63  }
0x2e: {  	_ = 	snop  }
0x2f: {  	[spmem:s10] =	stream.linear.scatter [tilespmem:s11], [sflag:$0x3], $0x1400, $0x38;
	[tilespmem:$0x1F220] =	vst v63  }
0x30: {  	s20 =	rddreg [dreg:$0x8]  }
0x31: {  	[spmem:s20] =	stream.linear.scatter [tilespmem:s11], [sflag:$0x3], $0x1400, $0x38;
	[tilespmem:$0x1F220] =	vst v63  }
0x32: {  	_ = 	snop  }
0x33: {  	[spmem:s12] =	stream.linear.scatter [tilespmem:s11], [sflag:$0x3], $0x1400, $0x38;
	[tilespmem:$0x1F220] =	vst v63  }
0x34: {  	s21 =	rddreg [dreg:$0x9]  }
0x35: {  	[spmem:s21] =	stream.linear.scatter [tilespmem:s11], [sflag:$0x3], $0x1400, $0x38;
	[tilespmem:$0x1F220] =	vst v63  }
0x36: {  	_ = 	snop  }
0x37: {  	[spmem:s14] =	stream.linear.scatter [tilespmem:s11], [sflag:$0x3], $0x1400, $0x38;
	[tilespmem:$0x1F220] =	vst v63  }
0x38: {  	s20 =	rddreg [dreg:$0xa]  }
0x39: {  	[spmem:s20] =	stream.linear.scatter [tilespmem:s11], [sflag:$0x3], $0x1400, $0x38;
	[tilespmem:$0x1F220] =	vst v63  }
0x3a: {  	_ = 	snop  }
0x3b: {  	[spmem:s16] =	stream.linear.scatter [tilespmem:s11], [sflag:$0x3], $0x1400, $0x38;
	[tilespmem:$0x1F220] =	vst v63  }
0x3c: {  	_ = 	snop  }
0x3d: {  	[spmem:s26] =	stream.linear.scatter [tilespmem:s11], [sflag:$0x3], $0x1400, $0x38;
	[tilespmem:$0x1F220] =	vst v63  }
0x3e: {  	_ = 	snop  }
0x3f: {  	[spmem:s28] =	stream.linear.scatter [tilespmem:s11], [sflag:$0x3], $0x1400, $0x38;
	[tilespmem:$0x1F220] =	vst v63  }
0x40: {  	_ = 	snop  }
0x41: {  	[spmem:s29] =	stream.linear.scatter [tilespmem:s11], [sflag:$0x3], $0x1400, $0x38;
	[tilespmem:$0x1F220] =	vst v63  }
0x42: {  	_ = 	snop  }
0x43: {  	[spmem:s30] =	stream.linear.scatter [tilespmem:s11], [sflag:$0x3], $0x1400, $0x38;
	[tilespmem:$0x1F220] =	vst v63  }
0x44: {  	_ = 	snop  }
0x45: {  	[spmem:s31] =	stream.linear.scatter [tilespmem:s11], [sflag:$0x3], $0x1400, $0x38;
	[tilespmem:$0x1F220] =	vst v63  }
0x46: {  	_ = 	snop  }
0x47: {  	[spmem:s2] =	stream.linear.scatter [tilespmem:s11], [sflag:$0x3], $0x1400, $0x38;
	[tilespmem:$0x1F220] =	vst v63  }
0x48: {  	_ = 	snop  }
0x49: {  	[spmem:s0] =	stream.linear.scatter [tilespmem:s11], [sflag:$0x3], $0x1400, $0x38;
	[tilespmem:$0x1F220] =	vst v63  }
0x4a: {  	_ =	swait.ge [sflag:s13], $0x1400  }
0x4b: {  	[sflag:s13] =	ssyncset.done $0x0  }
0x4c: {  	[sflag:s13] =	ssyncadd.s32 $0xFFFFEC00  }
0x4d: {  	_ =	swait.ge [sflag:s13], $0x1400  }
0x4e: {  	[sflag:s13] =	ssyncset.done $0x0  }
0x4f: {  	[sflag:s13] =	ssyncadd.s32 $0xFFFFEC00  }
0x50: {  	_ =	swait.ge [sflag:s13], $0x1400  }
0x51: {  	[sflag:s13] =	ssyncset.done $0x0  }
0x52: {  	[sflag:s13] =	ssyncadd.s32 $0xFFFFEC00  }
0x53: {  	_ =	swait.ge [sflag:s13], $0x1400  }
0x54: {  	[sflag:s13] =	ssyncset.done $0x0  }
0x55: {  	[sflag:s13] =	ssyncadd.s32 $0xFFFFEC00  }
0x56: {  	_ =	swait.ge [sflag:s13], $0x1400  }
0x57: {  	[sflag:s13] =	ssyncset.done $0x0  }
0x58: {  	[sflag:s13] =	ssyncadd.s32 $0xFFFFEC00  }
0x59: {  	_ =	swait.ge [sflag:s13], $0x1400  }
0x5a: {  	[sflag:s13] =	ssyncset.done $0x0  }
0x5b: {  	[sflag:s13] =	ssyncadd.s32 $0xFFFFEC00  }
0x5c: {  	_ =	swait.ge [sflag:s13], $0x1400  }
0x5d: {  	[sflag:s13] =	ssyncset.done $0x0  }
0x5e: {  	[sflag:s13] =	ssyncadd.s32 $0xFFFFEC00  }
0x5f: {  	_ =	swait.ge [sflag:s13], $0x1400  }
0x60: {  	[sflag:s13] =	ssyncset.done $0x0  }
0x61: {  	[sflag:s13] =	ssyncadd.s32 $0xFFFFEC00  }
0x62: {  	_ =	swait.ge [sflag:s13], $0x1400  }
0x63: {  	[sflag:s13] =	ssyncset.done $0x0  }
0x64: {  	[sflag:s13] =	ssyncadd.s32 $0xFFFFEC00  }
0x65: {  	_ =	swait.ge [sflag:s13], $0x1400  }
0x66: {  	[sflag:s13] =	ssyncset.done $0x0  }
0x67: {  	[sflag:s13] =	ssyncadd.s32 $0xFFFFEC00  }
0x68: {  	_ =	swait.ge [sflag:s13], $0x1400  }
0x69: {  	[sflag:s13] =	ssyncset.done $0x0  }
0x6a: {  	[sflag:s13] =	ssyncadd.s32 $0xFFFFEC00  }
0x6b: {  	_ =	swait.ge [sflag:s13], $0x1400  }
0x6c: {  	[sflag:s13] =	ssyncset.done $0x0  }
0x6d: {  	[sflag:s13] =	ssyncadd.s32 $0xFFFFEC00  }
0x6e: {  	_ =	swait.ge [sflag:s13], $0x1400  }
0x6f: {  	[sflag:s13] =	ssyncset.done $0x0  }
0x70: {  	[sflag:s13] =	ssyncadd.s32 $0xFFFFEC00  }
0x71: {  	_ =	swait.ge [sflag:s13], $0x1400  }
0x72: {  	[sflag:s13] =	ssyncset.done $0x0  }
0x73: {  	[sflag:s13] =	ssyncadd.s32 $0xFFFFEC00  }
0x74: {  	_ =	swait.ge [sflag:s13], $0x1400  }
0x75: {  	[sflag:s13] =	ssyncset.done $0x0  }
0x76: {  	[sflag:s13] =	ssyncadd.s32 $0xFFFFEC00  }
0x77: {  	_ =	swait.ge [sflag:s13], $0x1400  }
0x78: {  	[sflag:s13] =	ssyncset.done $0x0  }
0x79: {  	[sflag:s13] =	ssyncadd.s32 $0xFFFFEC00  }
0x7a: {  	[bflag:$0x0] =	sbarrier.arrive $0xFFFF  }
0x7b: {  	_ =	swait.ge [sflag:s15], $0x2800  }
0x7c: {  	[sflag:s15] =	ssyncset.done $0x0  }
0x7d: {  	s21 =	simm.s32 $0x2710;
	[sflag:s15] =	ssyncadd.s32 $0xFFFFD800  }
0x7e: {  	[spmem:s3] =	stream.indirect.scatter.add.f32 [tilespmem:s8], [sflag:$0x4], $0x80, s21, s6, $0xb8;
	[tilespmem:$0x1F220] =	vst v63  }
0x7f: {  	_ =	swait.ge [sflag:s5], $0x2800  }
0x80: {  	[sflag:s5] =	ssyncset.done $0x0  }
0x81: {  	s20 =	simm.s32 $0xA0;
	[sflag:s5] =	ssyncadd.s32 $0xFFFFD800  }
0x82: {  	[tilespmem:s8], [sflag:$0x1] =	stream.indirect.gather [hbm4b:s1+s6], $0x80, s20, s6, $0xb8;
	[tilespmem:$0x1F220] =	vst v63  }
0x83: {  	_ =	swait.ge [sflag:s17], $0x2800  }
0x84: {  	[sflag:s17] =	ssyncset.done $0x0  }
0x85: {  	s21 =	simm.s32 $0x2760;
	[sflag:s17] =	ssyncadd.s32 $0xFFFFD800  }
0x86: {  	[spmem:s3] =	stream.indirect.scatter.add.f32 [tilespmem:s9], [sflag:$0x4], $0x80, s21, s6, $0xb8;
	[tilespmem:$0x1F220] =	vst v63  }
0x87: {  	_ =	swait.ge [sflag:s5], $0x2800  }
0x88: {  	[sflag:s5] =	ssyncset.done $0x0  }
0x89: {  	s19 =	simm.s32 $0x280;
	s20 =	simm.s32 $0xF0;
	[sflag:s5] =	ssyncadd.s32 $0xFFFFD800  }
.LBB2_2:
0x8a: {  	[tilespmem:s9], [sflag:$0x2] =	stream.indirect.gather [hbm4b:s1+s6], $0x80, s20, s6, $0xb8;
	[tilespmem:$0x1F220] =	vst v63  }
0x8b: {  	s20 =	smov.u32 s19  }
0x8c: {  	p0 =	sne.s32 s19, $0x9600;
	s19 =	sadd.s32 $0x280, s19;
	_ =	swait.ge [sflag:s15], $0x2800  }
0x8d: {  	s20 =	sshra.s32 s20, $0x2;
	[sflag:s15] =	ssyncset.done $0x0  }
0x8e: {  	s21 =	sadd.s32 $0x2710, s20;
	[sflag:s15] =	ssyncadd.s32 $0xFFFFD800  }
0x8f: {  	[spmem:s3] =	stream.indirect.scatter.add.f32 [tilespmem:s8], [sflag:$0x4], $0x80, s21, s6, $0xb8;
	[tilespmem:$0x1F220] =	vst v63  }
0x90: {  	_ =	swait.ge [sflag:s5], $0x2800  }
0x91: {  	[sflag:s5] =	ssyncset.done $0x0  }
0x92: {  	s21 =	sadd.s32 $0xA0, s20;
	[sflag:s5] =	ssyncadd.s32 $0xFFFFD800  }
0x93: {  	[tilespmem:s8], [sflag:$0x1] =	stream.indirect.gather [hbm4b:s1+s6], $0x80, s21, s6, $0xb8;
	[tilespmem:$0x1F220] =	vst v63  }
0x94: {  	_ =	swait.ge [sflag:s17], $0x2800  }
0x95: {  	[sflag:s17] =	ssyncset.done $0x0  }
.Ltmp0:
0x96: {  	s21 =	sadd.s32 $0x2760, s20;
	[sflag:s17] =	ssyncadd.s32 $0xFFFFD800;
	(pc) =	sbr.rel @p0 .LBB2_2-.Ltmp0, $4  }
0x97: {  	[spmem:s3] =	stream.indirect.scatter.add.f32 [tilespmem:s9], [sflag:$0x4], $0x80, s21, s6, $0xb8;
	[tilespmem:$0x1F220] =	vst v63  }
0x98: {  	_ =	swait.ge [sflag:s5], $0x2800  }
0x99: {  	[sflag:s5] =	ssyncset.done $0x0  }
0x9a: {  	s20 =	sadd.s32 $0xF0, s20;
	[sflag:s5] =	ssyncadd.s32 $0xFFFFD800  }
0x9b: {  	[tilespmem:s9], [sflag:$0x2] =	stream.indirect.gather [hbm4b:s1+s6], $0x80, s20, s6, $0xb8;
	[tilespmem:$0x1F220] =	vst v63  }
0x9c: {  	_ =	swait.ge [sflag:s15], $0x2800  }
0x9d: {  	[sflag:s15] =	ssyncset.done $0x0  }
0x9e: {  	s19 =	simm.s32 $0x4D30;
	[sflag:s15] =	ssyncadd.s32 $0xFFFFD800  }
0x9f: {  	[spmem:s3] =	stream.indirect.scatter.add.f32 [tilespmem:s8], [sflag:$0x4], $0x80, s19, s6, $0xb8;
	[tilespmem:$0x1F220] =	vst v63  }
0xa0: {  	_ =	swait.ge [sflag:s5], $0x2800  }
0xa1: {  	[sflag:s5] =	ssyncset.done $0x0  }
0xa2: {  	s20 =	simm.s32 $0x26C0;
	[sflag:s5] =	ssyncadd.s32 $0xFFFFD800  }
0xa3: {  	[tilespmem:s8], [sflag:$0x1] =	stream.indirect.gather [hbm4b:s1+s6], $0x80, s20, s6, $0xb8;
	[tilespmem:$0x1F220] =	vst v63  }
0xa4: {  	_ =	swait.ge [sflag:s17], $0x2800  }
0xa5: {  	[sflag:s17] =	ssyncset.done $0x0  }
0xa6: {  	s21 =	simm.s32 $0x4D80;
	[sflag:s17] =	ssyncadd.s32 $0xFFFFD800  }
0xa7: {  	[spmem:s3] =	stream.indirect.scatter.add.f32 [tilespmem:s9], [sflag:$0x4], $0x80, s21, s6, $0xb8;
	[tilespmem:$0x1F220] =	vst v63  }
0xa8: {  	_ =	swait.ge [sflag:s5], $0x2800  }
0xa9: {  	[sflag:s5] =	ssyncset.done $0x0  }
0xaa: {  	[sflag:s5] =	ssyncadd.s32 $0xFFFFD800  }
0xab: {  	_ =	swait.ge [sflag:s15], $0x2800  }
0xac: {  	[sflag:s15] =	ssyncset.done $0x0  }
0xad: {  	s20 =	simm.s32 $0x4DD0;
	[sflag:s15] =	ssyncadd.s32 $0xFFFFD800  }
0xae: {  	[spmem:s3] =	stream.indirect.scatter.add.f32 [tilespmem:s8], [sflag:$0x4], $0x80, s20, s6, $0xb8;
	[tilespmem:$0x1F220] =	vst v63  }
0xaf: {  	_ =	swait.ge [sflag:s5], $0x2800  }
0xb0: {  	[sflag:s5] =	ssyncset.done $0x0  }
0xb1: {  	[sflag:s5] =	ssyncadd.s32 $0xFFFFD800  }
0xb2: {  	[bflag:$0x0] =	sbarrier.arrive $0xFFFF  }
0xb3: {  	[tilespmem:s8], [sflag:$0x4] =	stream.linear.gather [spmem:s7], $0x2800, $0x38;
	[tilespmem:$0x1F220] =	vst v63  }
0xb4: {  	_ =	swait.ge [sflag:s5], $0x2800  }
0xb5: {  	[sflag:s5] =	ssyncset.done $0x0  }
0xb6: {  	s21 =	rddreg [dreg:$0xb];
	[sflag:s5] =	ssyncadd.s32 $0xFFFFD800  }
0xb7: {  	[hbm4b:s21+s4] =	stream.linear.scatter [tilespmem:s8], [sflag:$0x1], $0x2800, $0x38;
	[tilespmem:$0x1F220] =	vst v63  }
0xb8: {  	_ = 	snop  }
0xb9: {  	[tilespmem:s9], [sflag:$0x4] =	stream.linear.gather [spmem:s10], $0x2800, $0x38;
	[tilespmem:$0x1F220] =	vst v63  }
0xba: {  	_ =	swait.ge [sflag:s5], $0x2800  }
0xbb: {  	[sflag:s5] =	ssyncset.done $0x0  }
0xbc: {  	s20 =	rddreg [dreg:$0xc];
	[sflag:s5] =	ssyncadd.s32 $0xFFFFD800  }
0xbd: {  	[hbm4b:s20+s4] =	stream.linear.scatter [tilespmem:s9], [sflag:$0x2], $0x2800, $0x38;
	[tilespmem:$0x1F220] =	vst v63  }
0xbe: {  	_ =	swait.ge [sflag:s15], $0x2800  }
0xbf: {  	[sflag:s15] =	ssyncset.done $0x0  }
0xc0: {  	[sflag:s15] =	ssyncadd.s32 $0xFFFFD800  }
0xc1: {  	[tilespmem:s8], [sflag:$0x4] =	stream.linear.gather [spmem:s12], $0x2800, $0x38;
	[tilespmem:$0x1F220] =	vst v63  }
0xc2: {  	_ =	swait.ge [sflag:s5], $0x2800  }
0xc3: {  	[sflag:s5] =	ssyncset.done $0x0  }
0xc4: {  	s21 =	rddreg [dreg:$0xd];
	[sflag:s5] =	ssyncadd.s32 $0xFFFFD800  }
0xc5: {  	[hbm4b:s21+s4] =	stream.linear.scatter [tilespmem:s8], [sflag:$0x1], $0x2800, $0x38;
	[tilespmem:$0x1F220] =	vst v63  }
0xc6: {  	_ =	swait.ge [sflag:s17], $0x2800  }
0xc7: {  	[sflag:s17] =	ssyncset.done $0x0  }
0xc8: {  	[sflag:s17] =	ssyncadd.s32 $0xFFFFD800  }
0xc9: {  	[tilespmem:s9], [sflag:$0x4] =	stream.linear.gather [spmem:s14], $0x2800, $0x38;
	[tilespmem:$0x1F220] =	vst v63  }
0xca: {  	_ =	swait.ge [sflag:s5], $0x2800  }
0xcb: {  	[sflag:s5] =	ssyncset.done $0x0  }
0xcc: {  	s20 =	rddreg [dreg:$0xe];
	[sflag:s5] =	ssyncadd.s32 $0xFFFFD800  }
0xcd: {  	[hbm4b:s20+s4] =	stream.linear.scatter [tilespmem:s9], [sflag:$0x2], $0x2800, $0x38;
	[tilespmem:$0x1F220] =	vst v63  }
0xce: {  	_ =	swait.ge [sflag:s15], $0x2800  }
0xcf: {  	[sflag:s15] =	ssyncset.done $0x0  }
0xd0: {  	[sflag:s15] =	ssyncadd.s32 $0xFFFFD800  }
0xd1: {  	[tilespmem:s8], [sflag:$0x4] =	stream.linear.gather [spmem:s16], $0x2800, $0x38;
	[tilespmem:$0x1F220] =	vst v63  }
0xd2: {  	_ =	swait.ge [sflag:s5], $0x2800  }
0xd3: {  	[sflag:s5] =	ssyncset.done $0x0  }
0xd4: {  	s21 =	rddreg [dreg:$0xf];
	[sflag:s5] =	ssyncadd.s32 $0xFFFFD800  }
0xd5: {  	[hbm4b:s21+s4] =	stream.linear.scatter [tilespmem:s8], [sflag:$0x1], $0x2800, $0x38;
	[tilespmem:$0x1F220] =	vst v63  }
0xd6: {  	_ =	swait.ge [sflag:s17], $0x2800  }
0xd7: {  	[sflag:s17] =	ssyncset.done $0x0  }
0xd8: {  	[sflag:s17] =	ssyncadd.s32 $0xFFFFD800  }
0xd9: {  	[tilespmem:s9], [sflag:$0x4] =	stream.linear.gather [spmem:s28], $0x2800, $0x38;
	[tilespmem:$0x1F220] =	vst v63  }
0xda: {  	_ =	swait.ge [sflag:s5], $0x2800  }
0xdb: {  	[sflag:s5] =	ssyncset.done $0x0  }
0xdc: {  	[sflag:s5] =	ssyncadd.s32 $0xFFFFD800  }
0xdd: {  	[hbm4b:s22+s4] =	stream.linear.scatter [tilespmem:s9], [sflag:$0x2], $0x2800, $0x38;
	[tilespmem:$0x1F220] =	vst v63  }
0xde: {  	_ =	swait.ge [sflag:s15], $0x2800  }
0xdf: {  	[sflag:s15] =	ssyncset.done $0x0  }
0xe0: {  	[sflag:s15] =	ssyncadd.s32 $0xFFFFD800  }
0xe1: {  	[tilespmem:s8], [sflag:$0x4] =	stream.linear.gather [spmem:s30], $0x2800, $0x38;
	[tilespmem:$0x1F220] =	vst v63  }
0xe2: {  	_ =	swait.ge [sflag:s5], $0x2800  }
0xe3: {  	[sflag:s5] =	ssyncset.done $0x0  }
0xe4: {  	[sflag:s5] =	ssyncadd.s32 $0xFFFFD800  }
0xe5: {  	[hbm4b:s23+s4] =	stream.linear.scatter [tilespmem:s8], [sflag:$0x1], $0x2800, $0x38;
	[tilespmem:$0x1F220] =	vst v63  }
0xe6: {  	_ =	swait.ge [sflag:s17], $0x2800  }
0xe7: {  	[sflag:s17] =	ssyncset.done $0x0  }
0xe8: {  	[sflag:s17] =	ssyncadd.s32 $0xFFFFD800  }
0xe9: {  	[tilespmem:s9], [sflag:$0x4] =	stream.linear.gather [spmem:s2], $0x2800, $0x38;
	[tilespmem:$0x1F220] =	vst v63  }
0xea: {  	_ =	swait.ge [sflag:s5], $0x2800  }
0xeb: {  	[sflag:s5] =	ssyncset.done $0x0  }
0xec: {  	s18 =	sadd.s32 $0x1, s18;
	[sflag:s5] =	ssyncadd.s32 $0xFFFFD800  }
0xed: {  	[hbm4b:s24+s4] =	stream.linear.scatter [tilespmem:s9], [sflag:$0x2], $0x2800, $0x38;
	[tilespmem:$0x1F220] =	vst v63  }
0xee: {  	p0 =	sne.s32 s18, s25;
	_ =	swait.ge [sflag:s15], $0x2800  }
.Ltmp1:
0xef: {  	[sflag:s15] =	ssyncset.done $0x0;
	(pc) =	sbr.rel @p0 .LBB2_1-.Ltmp1, $4  }
0xf0: {  	[sflag:s15] =	ssyncadd.s32 $0xFFFFD800  }
0xf1: {  	_ =	swait.ge [sflag:s17], $0x2800  }
0xf2: {  	[sflag:s17] =	ssyncset.done $0x0  }
0xf3: {  	[sflag:s17] =	ssyncadd.s32 $0xFFFFD800  }
0xf4: {  	_ =	sfence.sel $0x180000  }
0xf5: {  	[bflag:$0x0] =	sbarrier.arrive $0xFFFF  }
0xf6: {  	_ =	strace $0x9000004D  }
0xf7: {  	s0 =	stileid.u32;
	[bflag:$0x2] =	sbarrier.arrive $0xFFFF  }
0xf8: {  	p0 =	sne.s32 s0, $0x0;
	s0 =	rddreg [dreg:$0x3]  }
0xf9: {  	s0 =	sadd.s32 @!p0 $0x100000, s0  }
0xfa: {  	[sflag:s0] =	ssyncadd.tile.s32 @!p0 $0x1;
	_ =	shalt  }
.Lfunc_end2:
_tile_overlayer_lowered:
.L_overlay_start_2:
0xfb: {  	(tag) =	ssettag $0x2  }
0xfc: {  	s0 =	rddreg [dreg:$0x0];
	s2 =	stileid.u32  }
0xfd: {  	s1 =	rddreg [dreg:$0x1];
	p0 =	sne.s32 s2, $0x0  }
0xfe: {  	s3 =	rddreg [dreg:$0x2];
	[bflag:$0x3] =	sbarrier.arrive $0xFFFF;
	s2 =	simm.s32 @!p0 $0x1C04  }
0xff: {  	[timem:s3], [sflag:s2] =	dma.local @!p0 [hbm:s0], s1  }
0x100: {  	s0 =	simm.s32 @!p0 $0x4  }
0x101: {  	_ =	swait.ge @!p0 [sflag:s0], s1  }
0x102: {  	s1 =	ssub.s32 @!p0 $0x0, s1;
	[sflag:s0] =	ssyncset.done @!p0 $0x0  }
0x103: {  	[sflag:s0] =	ssyncadd.s32 @!p0 s1  }
0x104: {  	[bflag:$0x3] =	sbarrier.arrive $0xFFFF  }
0x105: {  	_ =	shalt  }

// kernel: kernel.8.cloned.1.call-start
scs
__scs_entry_jumppad:
0x0: {  	(pc) =	sbr.rel $0x88, $3  }
0x1: {  	(tag) =	ssettag $0x0;
	lr =	simm.s32 $0x1  }
0x2: {  	[smem:$0x3F9B] =	sst lr;
	_ =	strace $0xD0000000  }
0x3: {  	_ = 	snop  }
0x4: {  	_ = 	snop  }
0x5: {  	_ = 	snop  }
0x6: {  	_ = 	snop  }
0x7: {  	_ = 	snop  }
__scs_overlays_trampoline_lowered:
0x8: {  	[smem:$0x3FAA] =	sst s0  }
0x9: {  	[smem:$0x3FAB] =	sst s1  }
0xa: {  	[smem:$0x3FAC] =	sst s2  }
0xb: {  	[smem:$0x3FAD] =	sst s3  }
0xc: {  	[smem:$0x3FAE] =	sst s4  }
0xd: {  	[smem:$0x3FAF] =	sst s5  }
0xe: {  	[smem:$0x3FB0] =	sst s6  }
0xf: {  	[smem:$0x3FB1] =	sst s7  }
0x10: {  	[smem:$0x3FB2] =	sst s8  }
0x11: {  	[smem:$0x3FB3] =	sst s9;
	s0 =	simm.s32 @!p0 $0x0  }
0x12: {  	s1 =	sld [smem:$0x3F99];
	s0 =	simm.s32 @p0 $0x1  }
0x13: {  	[smem:$0x3FB4] =	sst s0;
	s0 =	simm.s32 @!p1 $0x0  }
0x14: {  	s2 =	sld [smem:$0x3F98];
	s0 =	simm.s32 @p1 $0x1  }
0x15: {  	[smem:$0x3FB5] =	sst s0;
	s0 =	simm.s32 @!p2 $0x0  }
0x16: {  	s3 =	sld [smem:$0x3FDB];
	s0 =	simm.s32 @p2 $0x1  }
0x17: {  	s4 =	simm.s32 $0x1BF5;
	[smem:$0x3FB7] =	sst s0  }
0x18: {  	s0 =	sld [smem:$0x3F9A];
	_ =	swait.ge [sflag:s4], $0x0  }
0x19: {  	s7 =	sld [smem:$0x3F9B]  }
0x1a: {  	s8 =	sadd.s32 $0xFFFFE003, lr  }
0x1b: {  	s9 =	sadd.s32 $0xFFFFFEF7, lr;
	s5 =	simm.s32 $0xFFFFFFFF;
	p2 =	slt.u32 s8, $0xFFFFF086  }
0x1c: {  	p1 =	slt.u32 s9, $0xF7A;
	s5 =	simm.s32 @!p2 $0x0  }
0x1d: {  	s5 =	simm.s32 @p1 $0x1;
	p0 =	seq.s32 s7, s2  }
0x1e: {  	s7 =	smul.u32 @!p0 $0xF7A, s2;
	p2 =	seq.s32 @!p0 s5, $0x0  }
0x1f: {  	s9 =	smul.u32 $0xF7A, s1;
	s8 =	simm.s32 @!p0 $0x1BF5;
	p2 =	por !p2, p0  }
0x20: {  	[sflag:s8] =	ssyncset.s32 @!p0 $0xFFFFF086;
	s6 =	sadd.s32 @!p0 s3, s7;
	s7 =	simm.s32 @!p0 $0x108  }
0x21: {  	s3 =	sadd.s32 s3, s9;
	s6 =	sadd.s32 @!p0 $0x88, s6;
	s7 =	simm.s32 @p2 $0x1082  }
0x22: {  	[simem:s7], [sflag:s8] =	dma.local @!p0 [hbm:s6], $0xF7A  }
0x23: {  	s9 =	sor.u32 $0xD0000000, s2;
	s6 =	simm.s32 $0x108;
	_ =	swait.ge @!p0 [sflag:s8], $0x0  }
0x24: {  	s3 =	sadd.s32 $0x88, s3;
	s6 =	simm.s32 @!p1 $0x1082;
	[sflag:s4] =	ssyncset.s32 $0xFFFFF086  }
0x25: {  	[simem:s6], [sflag:s4] =	dma.local [hbm:s3], $0xF7A  }
0x26: {  	[smem:$0x3F9B] =	sst s1;
	(tag) =	ssettag s2;
	_ =	strace s9  }
0x27: {  	s1 =	sld [smem:$0x3FAB]  }
0x28: {  	s2 =	sld [smem:$0x3FAC]  }
0x29: {  	s4 =	sld [smem:$0x3FAE]  }
0x2a: {  	p0 =	seq.s32 s5, $0x0;
	s5 =	sld [smem:$0x3FAF]  }
0x2b: {  	s6 =	sld [smem:$0x3FB0]  }
0x2c: {  	s7 =	sld [smem:$0x3FB1]  }
0x2d: {  	s3 =	simm.s32 $0x108;
	s8 =	sld [smem:$0x3FB2]  }
0x2e: {  	s3 =	simm.s32 @!p0 $0x1082;
	s9 =	sld [smem:$0x3FB3]  }
0x2f: {  	lr =	sadd.s32 s0, s3;
	s0 =	sld [smem:$0x3FAA]  }
0x30: {  	s3 =	sld [smem:$0x3FAD]  }
0x31: {  	[smem:$0x3FB6] =	sst s10  }
0x32: {  	s10 =	sld [smem:$0x3FB4];
	_ =	sdelay $0x3  }
0x33: {  	p0 =	seq.s32 s10, $0x1;
	s10 =	sld [smem:$0x3FB6];
	_ =	sdelay $0x3  }
0x34: {  	[smem:$0x3FB6] =	sst s10  }
0x35: {  	s10 =	sld [smem:$0x3FB5];
	_ =	sdelay $0x3  }
0x36: {  	p1 =	seq.s32 s10, $0x1;
	s10 =	sld [smem:$0x3FB6];
	_ =	sdelay $0x3  }
0x37: {  	[smem:$0x3FB6] =	sst s10  }
0x38: {  	s10 =	sld [smem:$0x3FB7]  }
0x39: {  	_ = 	snop;
	(pc) =	sbr.ind lr, $3  }
0x3a: {  	_ = 	snop  }
0x3b: {  	_ = 	snop  }
0x3c: {  	p2 =	seq.s32 s10, $0x1;
	s10 =	sld [smem:$0x3FB6]  }
0x3d: {  	_ =	shalt  }
0x3e: {  	_ =	shalt  }
0x3f: {  	_ =	shalt  }
0x40: {  	_ =	shalt  }
0x41: {  	_ =	shalt  }
0x42: {  	_ =	shalt  }
0x43: {  	_ =	shalt  }
0x44: {  	_ =	shalt  }
0x45: {  	_ =	shalt  }
0x46: {  	_ =	shalt  }
0x47: {  	_ =	shalt  }
0x48: {  	_ =	shalt  }
0x49: {  	_ =	shalt  }
0x4a: {  	_ =	shalt  }
0x4b: {  	_ =	shalt  }
0x4c: {  	_ =	shalt  }
0x4d: {  	_ =	shalt  }
0x4e: {  	_ =	shalt  }
0x4f: {  	_ =	shalt  }
0x50: {  	_ =	shalt  }
0x51: {  	_ =	shalt  }
0x52: {  	_ =	shalt  }
0x53: {  	_ =	shalt  }
0x54: {  	_ =	shalt  }
0x55: {  	_ =	shalt  }
0x56: {  	_ =	shalt  }
0x57: {  	_ =	shalt  }
0x58: {  	_ =	shalt  }
0x59: {  	_ =	shalt  }
0x5a: {  	_ =	shalt  }
0x5b: {  	_ =	shalt  }
0x5c: {  	_ =	shalt  }
0x5d: {  	_ =	shalt  }
0x5e: {  	_ =	shalt  }
0x5f: {  	_ =	shalt  }
0x60: {  	_ =	shalt  }
0x61: {  	_ =	shalt  }
0x62: {  	_ =	shalt  }
0x63: {  	_ =	shalt  }
0x64: {  	_ =	shalt  }
0x65: {  	_ =	shalt  }
0x66: {  	_ =	shalt  }
0x67: {  	_ =	shalt  }
0x68: {  	_ =	shalt  }
0x69: {  	_ =	shalt  }
0x6a: {  	_ =	shalt  }
0x6b: {  	_ =	shalt  }
0x6c: {  	_ =	shalt  }
0x6d: {  	_ =	shalt  }
0x6e: {  	_ =	shalt  }
0x6f: {  	_ =	shalt  }
0x70: {  	_ =	shalt  }
0x71: {  	_ =	shalt  }
0x72: {  	_ =	shalt  }
0x73: {  	_ =	shalt  }
0x74: {  	_ =	shalt  }
0x75: {  	_ =	shalt  }
0x76: {  	_ =	shalt  }
0x77: {  	_ =	shalt  }
0x78: {  	_ =	shalt  }
0x79: {  	_ =	shalt  }
0x7a: {  	_ =	shalt  }
0x7b: {  	_ =	shalt  }
0x7c: {  	_ =	shalt  }
0x7d: {  	_ =	shalt  }
0x7e: {  	_ =	shalt  }
0x7f: {  	_ =	shalt  }
0x80: {  	_ =	shalt  }
0x81: {  	_ =	shalt  }
0x82: {  	_ =	shalt  }
0x83: {  	_ =	shalt  }
0x84: {  	_ =	shalt  }
0x85: {  	_ =	shalt  }
0x86: {  	_ =	shalt  }
0x87: {  	_ =	shalt  }
.Lfunc_end0:
.L_simem_size_0:
called_computation_lowered:
.L_overlay_start_0:
0x88: {  	s2 =	sld [smem:$0x3FD9]  }
0x89: {  	s3 =	sld [smem:$0x3FFE];
	_ =	sdelay $0x1  }
0x8a: {  	s1 =	srdreg.scid  }
0x8b: {  	s0 =	sand.u32 $0x1, s1  }
0x8c: {  	s17 =	sshll.u32 s0, $0xA;
	s2 =	sadd.s32 s3, s2  }
0x8d: {  	s2 =	sadd.s32 s2, s17  }
0x8e: {  	[smem:$0x3FC2] =	sst s2  }
0x8f: {  	_ = 	snop  }
0x90: {  	s2 =	sld [smem:$0x3FD0];
	(tm) =	ssettm $0x1  }
0x91: {  	s18 =	sld [smem:$0x3FFB];
	_ =	sdelay $0x3  }
0x92: {  	_ =	strace s18  }
0x93: {  	s3 =	sld [smem:$0x3FFC];
	_ =	sdelay $0x3  }
0x94: {  	_ =	strace s3  }
0x95: {  	s3 =	sld [smem:$0x3FFD];
	_ =	sdelay $0x3  }
0x96: {  	_ =	strace s3  }
0x97: {  	_ =	strace $0x8FFFFFFF  }
0x98: {  	s19 =	sld [smem:$0x3FDB];
	_ =	sdelay $0x1  }
0x99: {  	s4 =	simm.s32 $_scs_section_size  }
0x9a: {  	s5 =	simm.s32 $_size__tile_overlayer_lowered;
	s6 =	simm.s32 $_tile_overlayer_lowered  }
0x9b: {  	s22 =	simm.s32 $0x1BFF;
	s21 =	sshll.u32 s6, $0x1;
	s3 =	sadd.s32 s4, s19  }
0x9c: {  	s7 =	simm.s32 $0x0;
	s20 =	sshll.u32 s5, $0x1;
	s5 =	sadd.s32 s21, s3  }
0x9d: {  	[timem:s7], [sflag:s22] =	dma.local [hbm:s5], s20  }
0x9e: {  	_ =	swait.ge [sflag:s22], s20  }
0x9f: {  	s4 =	ssub.s32 $0x0, s20;
	[sflag:s22] =	ssyncset.done $0x0  }
0xa0: {  	[sflag:s22] =	ssyncadd.s32 s4;
	_ =	sdelay $0x1  }
0xa1: {  	s23 =	simm.s32 $0x1B8B  }
0xa2: {  	_ =	swait.ge [sflag:s23], $0x1  }
0xa3: {  	[sflag:s23] =	ssyncset.done $0x0  }
0xa4: {  	s25 =	simm.s32 $0x1B8E;
	s24 =	sld [smem:$0x3FFE];
	[sflag:s23] =	ssyncadd.s32 $0xFFFFFFFF  }
0xa5: {  	s26 =	simm.s32 $execute0_lowered;
	[smem:$0x3FD2] =	sst s25  }
0xa6: {  	s5 =	sshll.u32 s26, $0x1;
	_ =	strace $0x80000046;
	[dreg:$0x1] =	wrdreg $0xFFFFFFFF  }
0xa7: {  	s28 =	simm.s32 $_size_execute0_lowered;
	s3 =	sadd.s32 s3, s5;
	[dreg:$0x0] =	wrdreg $0x0  }
0xa8: {  	s5 =	sshll.u32 s28, $0x1;
	[dreg:$0x2] =	wrdreg s3  }
0xa9: {  	[dreg:$0x3] =	wrdreg s5  }
0xaa: {  	[dreg:$0x4] =	wrdreg $0xC0  }
0xab: {  	_ =	task [dreg:s7], $0x5FFFF  }
0xac: {  	[dreg:$0x1] =	wrdreg $0xFFFFFFFF  }
0xad: {  	[dreg:$0x0] =	wrdreg $0x60  }
0xae: {  	[dreg:$0x2] =	wrdreg s24  }
0xaf: {  	[dreg:$0x3] =	wrdreg s2  }
0xb0: {  	[dreg:$0x4] =	wrdreg $0xC9400  }
0xb1: {  	[dreg:$0x5] =	wrdreg $0x9  }
0xb2: {  	_ =	task.clear_ibuf [dreg:s7], $0x6FFFF;
	_ =	strace $0x90000046  }
0xb3: {  	s29 =	simm.s32 $0x9;
	_ =	strace $0x80000048  }
0xb4: {  	_ =	swait.ge [sflag:s29], $0x1  }
0xb5: {  	[sflag:s29] =	ssyncadd.s32 $0xFFFFFFFF  }
0xb6: {  	_ =	strace $0x90000048  }
0xb7: {  	_ =	sfence  }
0xb8: {  	s30 =	sld [smem:$0x0];
	_ =	sdelay $0x2  }
0xb9: {  	s31 =	sshll.u32 s1, $0xD;
	s1 =	sshrl.u32 s1, $0x2  }
0xba: {  	s3 =	sand.u32 $0x4000, s31;
	s1 =	sadd.s32 s1, s30  }
0xbb: {  	s0 =	sor.u32 s3, s0;
	s1 =	sshll.u32 s1, $0x11  }
0xbc: {  	s0 =	sor.u32 s1, s0  }
0xbd: {  	s0 =	sadd.s32 $0x8F2B, s0  }
0xbe: {  	[sflag:s0] =	ssyncadd.remote.s32 $0x1  }
0xbf: {  	_ =	sfence.sel $0xFFFF  }
0xc0: {  	[dreg:$0x0] =	wrdreg $0xFFFFFFFF;
	(pc) =	sbr.abs _section_cstart, $3  }
0xc1: {  	[dreg:$0x1] =	wrdreg $0xFFFFFFFF  }
0xc2: {  	_ =	task.clear_ibuf [dreg:s7], $0x2FFFF;
	_ =	strace $0x9FFFFFFF  }
0xc3: {  	(tm) =	ssettm $0x7FFFFFFF  }
tec
execute0_lowered:
.L_overlay_start_1:
0x0: {  	(tag) =	ssettag $0x1  }
0x1: {  	s6 =	rddreg [dreg:$0x0]  }
0x2: {  	s10 =	rddreg [dreg:$0x1];
	s1 =	srdreg.scid  }
0x3: {  	s0 =	stileid.u32;
	s2 =	rddreg [dreg:$0x2];
	s3 =	simm.s32 $0x0  }
0x4: {  	s15 =	simm.s32 $0xA140;
	s16 =	simm.s32 $0x2;
	s17 =	simm.s32 $0x7530  }
0x5: {  	s18 =	simm.s32 $0x50;
	s19 =	simm.s32 $0x1;
	s20 =	simm.s32 $0x0  }
0x6: {  	s7 =	sand.u32 $0x1, s1;
	s1 =	rddreg [dreg:$0x3];
	s9 =	smul.u32 $0x500, s0  }
0x7: {  	s4 =	sshll.u32 s0, $0x1;
	[smem:$0x7FF] =	sst s3;
	s12 =	smul.u32 $0xA000, s0  }
0x8: {  	s5 =	sadd.s32 $0x16A00, s6;
	s4 =	sor.u32 s7, s4;
	s14 =	smul.u32 $0x5000, s7  }
0x9: {  	_ =	strace $0x80000047;
	s11 =	ssub.s32 $0x2, s7;
	s8 =	smul.u32 $0x4E2, s4  }
0xa: {  	s4 =	sadd.s32 $0x16800, s6;
	s29 =	sshrl.u32 s11, $0x1;
	s30 =	sshrl.u32 s12, $0x2  }
0xb: {  	s12 =	simm.s32 $0x3;
	s11 =	ssub.s32 s11, s29;
	s31 =	sadd.s32 s9, s14  }
0xc: {  	s14 =	simm.s32 $0x9C40;
	s13 =	sadd.s32 s8, s6;
	s8 =	sadd.s32 s30, s2  }
0xd: {  	s10 =	sadd.s32 s10, s31;
	s11 =	smax.u32 s11, $0x1;
	s6 =	sadd.s32 $0xCA00, s13  }
0xe: {  	s7 =	sadd.s32 $0x2C00, s13;
	s9 =	sadd.s32 $0x17000, s13;
	s13 =	simm.s32 $0x2710  }
.LBB2_1:
0xf: {  	[tilespmem:s3], [sflag:$0x3] =	stream.linear.gather [hbm4b:s6+s3], $0x2710, $0x38;
	[tilespmem:$0xF140] =	vst v63  }
0x10: {  	_ =	swait.ge [sflag:s12], $0x2710  }
0x11: {  	[sflag:s12] =	ssyncset.done $0x0  }
0x12: {  	[sflag:s12] =	ssyncadd.s32 $0xFFFFD8F0  }
0x13: {  	[tilespmem:s13], [sflag:$0x3] =	stream.linear.gather [hbm4b:s7+s3], $0x2710, $0x38;
	[tilespmem:$0xF140] =	vst v63  }
0x14: {  	_ =	swait.ge [sflag:s12], $0x2710  }
0x15: {  	[sflag:s12] =	ssyncset.done $0x0  }
0x16: {  	[sflag:s12] =	ssyncadd.s32 $0xFFFFD8F0  }
0x17: {  	[tilespmem:s14], [sflag:$0x3] =	stream.linear.gather [hbm4b:s4+s3], $0x500, $0x38;
	[tilespmem:$0xF140] =	vst v63  }
0x18: {  	_ =	swait.ge [sflag:s12], $0x500  }
0x19: {  	[sflag:s12] =	ssyncset.done $0x0  }
0x1a: {  	[sflag:s12] =	ssyncadd.s32 $0xFFFFFB00  }
0x1b: {  	[tilespmem:s15], [sflag:$0x3] =	stream.linear.gather [hbm4b:s5+s3], $0x2800, $0x38;
	[tilespmem:$0xF140] =	vst v63  }
0x1c: {  	_ =	swait.ge [sflag:s12], $0x2800  }
0x1d: {  	[sflag:s12] =	ssyncset.done $0x0  }
0x1e: {  	s22 =	simm.s32 $0x0;
	[sflag:s12] =	ssyncadd.s32 $0xFFFFD800  }
0x1f: {  	[spmem:s8] =	stream.linear.scatter [tilespmem:s15], [sflag:$0x2], $0x2800, $0x38;
	[tilespmem:$0xF140] =	vst v63  }
0x20: {  	v0 =	vld [tilespmem:s22+$0x40]  }
0x21: {  	v1 =	vld [tilespmem:s22+$0x2750]  }
0x22: {  	v7 =	vld [tilespmem:s22+$0x0]  }
0x23: {  	v8 =	vld [tilespmem:s22+$0x2710]  }
0x24: {  	v5 =	vld [tilespmem:s22+$0x10]  }
0x25: {  	v6 =	vld [tilespmem:s22+$0x2720]  }
0x26: {  	v2 =	vld [tilespmem:s22+$0x20];
	vm0 =	veq.s32 v0, v1  }
0x27: {  	v3 =	vld [tilespmem:s22+$0x2730];
	v4 =	vsel vm0, $0x2710, v1  }
0x28: {  	v1 =	vld [tilespmem:s22+$0x30];
	v0 =	vsel vm0, $0x2710, v0;
	vm0 =	veq.s32 v7, v8;
	[tilespmem:s22+$0x7570] =	vst v4  }
0x29: {  	s21 =	simm.s32 $0x50;
	v4 =	vld [tilespmem:s22+$0x2740];
	[tilespmem:s22+$0x4E60] =	vst v0;
	v9 =	vsel vm0, $0x2710, v7  }
0x2a: {  	s23 =	simm.s32 $0x280;
	v7 =	vsel vm0, $0x2710, v8;
	vm0 =	veq.s32 v5, v6;
	v0 =	vld [tilespmem:s21+$0x40];
	[tilespmem:s22+$0x4E20] =	vst v9  }
.LBB2_2:
0x2b: {  	p0 =	sne.s32 s23, $0x9B00;
	v8 =	vld [tilespmem:s21+$0x2750];
	[tilespmem:s22+$0x7530] =	vst v7;
	v5 =	vsel vm0, $0x2710, v5;
	v6 =	vsel vm0, $0x2710, v6  }
0x2c: {  	v7 =	vld [tilespmem:s21+$0x0];
	[tilespmem:s22+$0x4E30] =	vst v5;
	vm0 =	veq.s32 v2, v3  }
0x2d: {  	v9 =	vld [tilespmem:s21+$0x2710];
	[tilespmem:s22+$0x7540] =	vst v6;
	v2 =	vsel vm0, $0x2710, v2;
	v3 =	vsel vm0, $0x2710, v3  }
0x2e: {  	v5 =	vld [tilespmem:s21+$0x10];
	[tilespmem:s22+$0x4E40] =	vst v2;
	vm0 =	veq.s32 v1, v4  }
0x2f: {  	v6 =	vld [tilespmem:s21+$0x2720];
	[tilespmem:s22+$0x7550] =	vst v3;
	v1 =	vsel vm0, $0x2710, v1;
	v4 =	vsel vm0, $0x2710, v4  }
.Ltmp0:
0x30: {  	v2 =	vld [tilespmem:s21+$0x20];
	vm0 =	veq.s32 v0, v8;
	[tilespmem:s22+$0x4E50] =	vst v1;
	(pc) =	sbr.rel @p0 .LBB2_2-.Ltmp0, $4  }
0x31: {  	v3 =	vld [tilespmem:s21+$0x2730];
	v0 =	vsel vm0, $0x2710, v0;
	v8 =	vsel vm0, $0x2710, v8;
	[tilespmem:s22+$0x7560] =	vst v4;
	s22 =	smov.u32 s21  }
0x32: {  	vm0 =	veq.s32 v7, v9;
	v1 =	vld [tilespmem:s22+$0x30];
	[tilespmem:s22+$0x7570] =	vst v8  }
0x33: {  	s21 =	sshra.s32 s23, $0x2;
	v8 =	vsel vm0, $0x2710, v7;
	v7 =	vsel vm0, $0x2710, v9;
	v4 =	vld [tilespmem:s22+$0x2740];
	[tilespmem:s22+$0x4E60] =	vst v0  }
0x34: {  	s23 =	sadd.s32 $0x140, s23;
	v0 =	vld [tilespmem:s21+$0x40];
	[tilespmem:s22+$0x4E20] =	vst v8;
	vm0 =	veq.s32 v5, v6  }
0x35: {  	v8 =	vld [tilespmem:s21+$0x2750];
	[tilespmem:s22+$0x7530] =	vst v7;
	v5 =	vsel vm0, $0x2710, v5  }
0x36: {  	v50 =	vsel vm0, $0x2710, v6;
	v7 =	vld [tilespmem:s21+$0x0];
	[tilespmem:s22+$0x4E30] =	vst v5;
	vm9 =	veq.s32 v2, v3  }
0x37: {  	v51 =	vld [tilespmem:s21+$0x2710];
	[tilespmem:s22+$0x7540] =	vst v50;
	v2 =	vsel vm9, $0x2710, v2  }
0x38: {  	v52 =	vsel vm9, $0x2710, v3;
	v5 =	vld [tilespmem:s21+$0x10];
	[tilespmem:s22+$0x4E40] =	vst v2;
	vm10 =	veq.s32 v1, v4  }
0x39: {  	v53 =	vld [tilespmem:s21+$0x2720];
	[tilespmem:s22+$0x7550] =	vst v52;
	v1 =	vsel vm10, $0x2710, v1  }
0x3a: {  	v54 =	vsel vm10, $0x2710, v4;
	v2 =	vld [tilespmem:s21+$0x20];
	[tilespmem:s22+$0x4E50] =	vst v1;
	vm11 =	veq.s32 v0, v8  }
0x3b: {  	v55 =	vld [tilespmem:s21+$0x2730];
	[tilespmem:s22+$0x7560] =	vst v54;
	v56 =	vsel vm11, $0x2710, v8  }
0x3c: {  	v0 =	vsel vm11, $0x2710, v0;
	v57 =	vld [tilespmem:s21+$0x30];
	[tilespmem:s21+$0x7570] =	vst v56;
	vm12 =	veq.s32 v7, v51  }
0x3d: {  	v58 =	vld [tilespmem:s21+$0x2740];
	[tilespmem:s21+$0x4E60] =	vst v0;
	v7 =	vsel vm12, $0x2710, v7  }
0x3e: {  	v59 =	vsel vm12, $0x2710, v51;
	[tilespmem:s21+$0x4E20] =	vst v7;
	vm13 =	veq.s32 v5, v53  }
0x3f: {  	[tilespmem:s21+$0x7530] =	vst v59;
	v60 =	vsel vm13, $0x2710, v5  }
0x40: {  	v3 =	vsel vm13, $0x2710, v53;
	[tilespmem:s21+$0x4E30] =	vst v60;
	vm14 =	veq.s32 v2, v55  }
0x41: {  	[tilespmem:s21+$0x7540] =	vst v3;
	v61 =	vsel vm14, $0x2710, v2  }
0x42: {  	v62 =	vsel vm14, $0x2710, v55;
	vm15 =	veq.s32 v57, v58;
	[tilespmem:s21+$0x4E40] =	vst v61  }
0x43: {  	[tilespmem:s21+$0x7550] =	vst v62;
	v63 =	vsel vm15, $0x2710, v57  }
0x44: {  	v1 =	vsel vm15, $0x2710, v58;
	[tilespmem:s21+$0x4E50] =	vst v63  }
0x45: {  	[tilespmem:s21+$0x7560] =	vst v1  }
0x46: {  	_ =	swait.ge [sflag:s16], $0x2800  }
0x47: {  	[sflag:s16] =	ssyncset.done $0x0  }
0x48: {  	s21 =	simm.s32 $0x0;
	[sflag:s16] =	ssyncadd.s32 $0xFFFFD800  }
0x49: {  	[hbm4b:s9+s21] =	stream.linear.scatter [tilespmem:s17], [sflag:$0x2], $0x2710, $0x38;
	[tilespmem:$0xF140] =	vst v63  }
0x4a: {  	[bflag:$0x0] =	sbarrier.arrive $0xFFFF  }
.LBB2_4:
0x4b: {  	p0 =	sne.s32 s21, $0x9B00  }
.Ltmp1:
0x4c: {  	_ = 	snop;
	(pc) =	sbr.rel @p0 .LBB2_4-.Ltmp1, $4  }
0x4d: {  	_ = 	snop  }
0x4e: {  	s22 =	sshra.s32 s21, $0x2  }
0x4f: {  	s21 =	sadd.s32 $0x140, s21;
	s22 =	sadd.s32 $0x4E20, s22  }
0x50: {  	[spmem:s2] =	stream.indirect.scatter.add.f32 [tilespmem:s14], [sflag:$0x1], $0x10, s22, s18, $0xb8;
	[tilespmem:$0xF140] =	vst v63  }
0x51: {  	_ =	swait.ge [sflag:s19], $0x500  }
0x52: {  	s21 =	simm.s32 $0x7C;
	[sflag:s19] =	ssyncset.done $0x0  }
.LBB2_6:
0x53: {  	p0 =	sne.s32 s21, $0x1;
	s21 =	sadd.s32 $0xFFFFFFFF, s21;
	[sflag:s19] =	ssyncadd.s32 $0xFFFFFB00  }
.Ltmp2:
0x54: {  	(pc) =	sbr.rel @p0 .LBB2_6-.Ltmp2, $3  }
0x55: {  	_ =	sdelay $0x1  }
0x56: {  	_ =	swait.ge [sflag:s19], $0x500  }
0x57: {  	[sflag:s19] =	ssyncset.done $0x0  }
0x58: {  	[sflag:s19] =	ssyncadd.s32 $0xFFFFFB00  }
0x59: {  	[bflag:$0x0] =	sbarrier.arrive $0xFFFF  }
0x5a: {  	[tilespmem:s15], [sflag:$0x3] =	stream.linear.gather [spmem:s8], $0x2800, $0x38;
	[tilespmem:$0xF140] =	vst v63  }
0x5b: {  	_ =	swait.ge [sflag:s12], $0x2800  }
0x5c: {  	[sflag:s12] =	ssyncset.done $0x0  }
0x5d: {  	s20 =	sadd.s32 $0x1, s20;
	[sflag:s12] =	ssyncadd.s32 $0xFFFFD800  }
0x5e: {  	[hbm4b:s10+s3] =	stream.linear.scatter [tilespmem:s15], [sflag:$0x3], $0x2800, $0x38;
	[tilespmem:$0xF140] =	vst v63  }
0x5f: {  	p0 =	sne.s32 s20, s11;
	_ =	swait.ge [sflag:s12], $0x2800  }
.Ltmp3:
0x60: {  	[sflag:s12] =	ssyncset.done $0x0;
	(pc) =	sbr.rel @p0 .LBB2_1-.Ltmp3, $4  }
0x61: {  	[sflag:s12] =	ssyncadd.s32 $0xFFFFD800  }
0x62: {  	_ =	swait.ge [sflag:s16], $0x2710  }
0x63: {  	[sflag:s16] =	ssyncset.done $0x0  }
0x64: {  	[sflag:s16] =	ssyncadd.s32 $0xFFFFD8F0  }
0x65: {  	_ =	sfence.sel $0x180000  }
0x66: {  	[bflag:$0x0] =	sbarrier.arrive $0xFFFF  }
0x67: {  	p0 =	sne.s32 s0, $0x0;
	_ =	strace $0x90000047  }
0x68: {  	s0 =	sadd.s32 @!p0 $0x100000, s1;
	[bflag:$0x2] =	sbarrier.arrive $0xFFFF  }
0x69: {  	[sflag:s0] =	ssyncadd.tile.s32 @!p0 $0x1;
	_ =	shalt  }
.Lfunc_end2:
_tile_overlayer_lowered:
.L_overlay_start_2:
0x6a: {  	(tag) =	ssettag $0x2  }
0x6b: {  	s0 =	rddreg [dreg:$0x0];
	s2 =	stileid.u32  }
0x6c: {  	s1 =	rddreg [dreg:$0x1];
	p0 =	sne.s32 s2, $0x0  }
0x6d: {  	s3 =	rddreg [dreg:$0x2];
	[bflag:$0x3] =	sbarrier.arrive $0xFFFF;
	s2 =	simm.s32 @!p0 $0x1C03  }
0x6e: {  	[timem:s3], [sflag:s2] =	dma.local @!p0 [hbm:s0], s1  }
0x6f: {  	s0 =	simm.s32 @!p0 $0x3  }
0x70: {  	_ =	swait.ge @!p0 [sflag:s0], s1  }
0x71: {  	s1 =	ssub.s32 @!p0 $0x0, s1;
	[sflag:s0] =	ssyncset.done @!p0 $0x0  }
0x72: {  	[sflag:s0] =	ssyncadd.s32 @!p0 s1  }
0x73: {  	[bflag:$0x3] =	sbarrier.arrive $0xFFFF  }
0x74: {  	_ =	shalt  }

</sc_bundles>
